<compile_context>
chip_gen: v7x
topology: tpu7x:2x2x1
jax: 0.10.2.dev20260603
libtpu: 0.0.44.dev20260713+nightly
codegen_flags: <defaults>
</compile_context>

<pallas_src>
import functools

import jax
import jax.numpy as jnp
from jax import lax
from jax.experimental import pallas as pl
from jax.experimental.pallas import tpu as pltpu
from jax.experimental.pallas import tpu_sc as plsc

N = 10000
E = 320000
F_IN = 128
H = 8
F_OUT = 128
B = 20
NPG = N // B
NPAD = 10240
NT = 32
CHUNK = 128
CPT = 79
EPT = CPT * CHUNK
EPAD = NT * EPT
CROWS = B * N
CPT_ROWS = 12544
CPAD = 16 * CPT_ROWS


def _stage1_body(x_ref, w_ref, al_ref, ar_ref, h_ref, el_ref, er_ref):
    hb = jnp.dot(x_ref[...], w_ref[...], preferred_element_type=jnp.float32)
    h_ref[...] = hb
    el_ref[...] = jnp.dot(hb, al_ref[...], preferred_element_type=jnp.float32)
    er_ref[...] = jnp.dot(hb, ar_ref[...], preferred_element_type=jnp.float32)


def _stage1(x, w, al, ar):
    return pl.pallas_call(
        _stage1_body,
        grid=(NPAD // 1024,),
        in_specs=[
            pl.BlockSpec((1024, F_IN), lambda i: (i, 0)),
            pl.BlockSpec((F_IN, H * F_OUT), lambda i: (0, 0)),
            pl.BlockSpec((H * F_OUT, H), lambda i: (0, 0)),
            pl.BlockSpec((H * F_OUT, H), lambda i: (0, 0)),
        ],
        out_specs=[
            pl.BlockSpec((1024, H * F_OUT), lambda i: (i, 0)),
            pl.BlockSpec((1024, H), lambda i: (i, 0)),
            pl.BlockSpec((1024, H), lambda i: (i, 0)),
        ],
        out_shape=[
            jax.ShapeDtypeStruct((NPAD, H * F_OUT), jnp.float32),
            jax.ShapeDtypeStruct((NPAD, H), jnp.float32),
            jax.ShapeDtypeStruct((NPAD, H), jnp.float32),
        ],
    )(x, w, al, ar)


def _lanes():
    lane = lax.broadcasted_iota(jnp.int32, (16,), 0)
    return lane >> 3, lane & 7


def _pass1_body(el_hbm, er_hbm, src_hbm, dst_hbm, zeros_hbm,
                esum_out, ee_out, cidx_out,
                el_s, er_s, esum_s, src_v, dst_v, elg_v, erg_v, ee_v, cidx_v):
    cid = lax.axis_index("c")
    sid = lax.axis_index("s")
    w = cid * 16 + sid
    rows = NPAD // 16

    sl = pl.ds(sid * rows, rows)
    pltpu.sync_copy(el_hbm.at[sl], el_s.at[sl])
    pltpu.sync_copy(er_hbm.at[sl], er_s.at[sl])
    pltpu.sync_copy(zeros_hbm.at[pl.ds(0, rows)], esum_s.at[sl])
    plsc.subcore_barrier()

    pltpu.sync_copy(src_hbm.at[w], src_v)
    pltpu.sync_copy(dst_hbm.at[w], dst_v)

    def chunk(j, carry):
        src_row = src_v.at[j]
        dst_row = dst_v.at[j]
        pltpu.sync_copy(el_s.at[src_row], elg_v)
        pltpu.sync_copy(er_s.at[dst_row], erg_v)
        rbase, cols = _lanes()
        for i in range(CHUNK * H // 16):
            r = rbase + 2 * i
            a = plsc.load_gather(elg_v, [r, cols])
            b = plsc.load_gather(erg_v, [r, cols])
            s = a + b
            v = jnp.exp(jnp.maximum(s, s * 0.2))
            plsc.store_scatter(ee_v, [r, cols], v)
        for i in range(CHUNK // 16):
            d = dst_v[j, pl.ds(i * 16, 16)]
            s = src_v[j, pl.ds(i * 16, 16)]
            gid = (d.astype(jnp.float32) * (1.0 / NPG)).astype(jnp.int32)
            cidx_v[j, pl.ds(i * 16, 16)] = gid * N + s
        pltpu.sync_copy(ee_v, esum_s.at[dst_row], add=True)
        pltpu.sync_copy(ee_v, ee_out.at[w, j])
        return carry

    lax.fori_loop(0, CPT, chunk, 0)
    pltpu.sync_copy(cidx_v, cidx_out.at[w])

    plsc.subcore_barrier()
    pltpu.sync_copy(esum_s.at[sl], esum_out.at[cid, sl])


def _pass1(el, er, src3, dst3, zeros_big):
    f = pl.kernel(
        _pass1_body,
        out_type=[
            jax.ShapeDtypeStruct((2, NPAD, H), jnp.float32),
            jax.ShapeDtypeStruct((NT, CPT, CHUNK, H), jnp.float32),
            jax.ShapeDtypeStruct((NT, CPT, CHUNK), jnp.int32),
        ],
        mesh=plsc.VectorSubcoreMesh(core_axis_name="c", subcore_axis_name="s"),
        compiler_params=pltpu.CompilerParams(needs_layout_passes=False, use_tc_tiling_on_sc=False),
        scratch_types=[
            pltpu.VMEM_SHARED((NPAD, H), jnp.float32),
            pltpu.VMEM_SHARED((NPAD, H), jnp.float32),
            pltpu.VMEM_SHARED((NPAD, H), jnp.float32),
            pltpu.VMEM((CPT, CHUNK), jnp.int32),
            pltpu.VMEM((CPT, CHUNK), jnp.int32),
            pltpu.VMEM((CHUNK, H), jnp.float32),
            pltpu.VMEM((CHUNK, H), jnp.float32),
            pltpu.VMEM((CHUNK, H), jnp.float32),
            pltpu.VMEM((CPT, CHUNK), jnp.int32),
        ],
    )
    return f(el, er, src3, dst3, zeros_big)


def _pass2_body(esum_hbm, ee_hbm, cidx_hbm, dst_hbm, zeros_hbm,
                c_out,
                recip_s, c_s, dst_v, cidx_v, eeg_v, rg_v, al_v, p0_v, p1_v,
                rb_v):
    cid = lax.axis_index("c")
    sid = lax.axis_index("s")
    w = cid * 16 + sid
    rbase, cols = _lanes()

    def rslice(t, carry):
        base = sid * (NPAD * H // 16 // 16) + t * 64
        fl = pl.ds(base, 64)
        pltpu.sync_copy(esum_hbm.at[0, fl], p0_v)
        pltpu.sync_copy(esum_hbm.at[1, fl], p1_v)

        def rchunk(i, c2):
            v = 1.0 / (p0_v[i, :] + p1_v[i, :] + 1e-9)
            plsc.store_scatter(rb_v, [rbase + 2 * i, cols], v)
            return c2

        lax.fori_loop(0, 64, rchunk, 0)
        pltpu.sync_copy(rb_v, recip_s.at[pl.ds(base * 2, 128)])
        return carry

    lax.fori_loop(0, 5, rslice, 0)

    pltpu.sync_copy(zeros_hbm, c_s.at[pl.ds(sid * CPT_ROWS, CPT_ROWS)])
    plsc.subcore_barrier()

    def chunk(j, carry):
        pltpu.sync_copy(dst_hbm.at[w, j], dst_v)
        pltpu.sync_copy(cidx_hbm.at[w, j], cidx_v)
        pltpu.sync_copy(ee_hbm.at[w, j], eeg_v)
        pltpu.sync_copy(recip_s.at[dst_v], rg_v)
        for i in range(CHUNK * H // 16):
            r = rbase + 2 * i
            a = plsc.load_gather(eeg_v, [r, cols])
            b = plsc.load_gather(rg_v, [r, cols])
            plsc.store_scatter(al_v, [r, cols], a * b)
        pltpu.sync_copy(al_v, c_s.at[cidx_v], add=True)
        return carry

    lax.fori_loop(0, CPT, chunk, 0)

    plsc.subcore_barrier()
    csl = pl.ds(sid * CPT_ROWS, CPT_ROWS)
    pltpu.sync_copy(c_s.at[csl], c_out.at[cid, csl])


def _pass2(esum_flat, ee3, cidx3, dst3, zeros_big):
    f = pl.kernel(
        _pass2_body,
        out_type=jax.ShapeDtypeStruct((2, CPAD, H), jnp.float32),
        mesh=plsc.VectorSubcoreMesh(core_axis_name="c", subcore_axis_name="s"),
        compiler_params=pltpu.CompilerParams(needs_layout_passes=False, use_tc_tiling_on_sc=False),
        scratch_types=[
            pltpu.VMEM_SHARED((NPAD, H), jnp.float32),
            pltpu.VMEM_SHARED((CPAD, H), jnp.float32),
            pltpu.VMEM((CHUNK,), jnp.int32),
            pltpu.VMEM((CHUNK,), jnp.int32),
            pltpu.VMEM((CHUNK, H), jnp.float32),
            pltpu.VMEM((CHUNK, H), jnp.float32),
            pltpu.VMEM((CHUNK, H), jnp.float32),
            pltpu.VMEM((64, 16), jnp.float32),
            pltpu.VMEM((64, 16), jnp.float32),
            pltpu.VMEM((128, H), jnp.float32),
        ],
    )
    return f(esum_flat, ee3, cidx3, dst3, zeros_big)


def _stage4_body(ct_ref, h_ref, g_ref):
    c = pl.program_id(1)
    k = pl.program_id(2)

    @pl.when((c == 0) & (k == 0))
    def _():
        g_ref[...] = jnp.zeros_like(g_ref)

    ct = ct_ref[...].reshape(B + 4, 1024)
    g_ref[...] += jnp.dot(ct, h_ref[...], preferred_element_type=jnp.float32)


def _stage4(ct, h):
    return pl.pallas_call(
        _stage4_body,
        grid=(H, 2, NPAD // 1024),
        in_specs=[
            pl.BlockSpec((1, 1, B + 4, 1024), lambda hh, c, k: (c, hh, 0, k)),
            pl.BlockSpec((1024, F_OUT), lambda hh, c, k: (k, hh)),
        ],
        out_specs=pl.BlockSpec((B + 4, F_OUT), lambda hh, c, k: (0, hh)),
        out_shape=jax.ShapeDtypeStruct((B + 4, H * F_OUT), jnp.float32),
    )(ct, h)


def _stage5_body(g_ref, w1_ref, b1_ref, w2_ref, b2_ref, o_ref):
    g = g_ref[...] * (1.0 / NPG)
    x = jnp.dot(g, w1_ref[...], preferred_element_type=jnp.float32)
    x = jnp.maximum(x + b1_ref[...], 0.0)
    o_ref[...] = jnp.dot(x, w2_ref[...],
                         preferred_element_type=jnp.float32) + b2_ref[...]


def _stage5(g, w1, b1, w2p, b2p):
    return pl.pallas_call(
        _stage5_body,
        out_shape=jax.ShapeDtypeStruct((B + 4, 128), jnp.float32),
    )(g, w1, b1, w2p, b2p)


def kernel(node_features, edge_features, pair_indices, num_nodes, num_edges,
           W_gat, attn_l, attn_r, W1, b1, W2, b2):
    del edge_features, num_nodes, num_edges
    x = jnp.pad(node_features, ((0, NPAD - N), (0, 0)))
    eye = jnp.eye(H, dtype=jnp.float32)
    al = (attn_l[:, :, None] * eye[:, None, :]).reshape(H * F_OUT, H)
    ar = (attn_r[:, :, None] * eye[:, None, :]).reshape(H * F_OUT, H)
    h, el, er = _stage1(x, W_gat, al, ar)

    src = pair_indices[0].astype(jnp.int32)
    dst = pair_indices[1].astype(jnp.int32)
    src3 = jnp.concatenate(
        [src, jnp.zeros((EPAD - E,), jnp.int32)]).reshape(NT, CPT, CHUNK)
    dst3 = jnp.concatenate(
        [dst, jnp.full((EPAD - E,), N, jnp.int32)]).reshape(NT, CPT, CHUNK)
    zeros_big = jnp.zeros((CPT_ROWS, H), jnp.float32)

    esum_part, ee3, cidx3 = _pass1(el, er, src3, dst3, zeros_big)
    esum_flat = esum_part.reshape(2, NPAD * H // 16, 16)
    c_part = _pass2(esum_flat, ee3, cidx3, dst3, zeros_big)

    ct = c_part[:, :CROWS, :].reshape(2, B, N, H).transpose(0, 3, 1, 2)
    ct = jnp.pad(ct, ((0, 0), (0, 0), (0, 4), (0, NPAD - N)))
    g = _stage4(ct, h)

    w2p = jnp.pad(W2, ((0, 0), (0, 127)))
    b2p = jnp.pad(b2, (0, 127)).reshape(1, 128)
    out = _stage5(g, W1, b1.reshape(1, 512), w2p, b2p)
    return out[:B, :1]

# --- scband reference (transcript-rebuilt; emitter-appended) ---
"""Pipeline reference for scband-gatmodel-54374285967742 (READ-ONLY COPY).

The authoritative reference and input builder live on the scoring server;
editing this copy changes nothing except your own understanding.
"""

import jax, jax.numpy as jnp
import numpy as np

N = 10000
E = 320000
F_IN = 128
H = 8
F_OUT = 128
B = 20
NPG = N // B  # nodes per graph = 500


def setup_inputs(seed: int = 0) -> dict:
    key = jax.random.key(seed)
    ks = jax.random.split(key, 12)
    node_features = jax.random.normal(ks[0], (N, F_IN), dtype=jnp.float32)
    edge_features = jax.random.normal(ks[1], (E, 4), dtype=jnp.float32)
    pair_indices = jax.random.randint(ks[2], (2, E), 0, N, dtype=jnp.int64) if jax.config.jax_enable_x64 else jax.random.randint(ks[2], (2, E), 0, N).astype(jnp.int32)
    num_nodes = jnp.full((B,), NPG, dtype=jnp.int32)
    num_edges = jnp.full((B,), E // B, dtype=jnp.int32)
    # GATConv parameters (Xavier-ish scaling)
    W_gat = jax.random.normal(ks[3], (F_IN, H * F_OUT), dtype=jnp.float32) * (1.0 / np.sqrt(F_IN))
    attn_l = jax.random.normal(ks[4], (H, F_OUT), dtype=jnp.float32) * (1.0 / np.sqrt(F_OUT))
    attn_r = jax.random.normal(ks[5], (H, F_OUT), dtype=jnp.float32) * (1.0 / np.sqrt(F_OUT))
    # Predictor dense layers
    W1 = jax.random.normal(ks[6], (H * F_OUT, 512), dtype=jnp.float32) * (1.0 / np.sqrt(H * F_OUT))
    b1 = jnp.zeros((512,), dtype=jnp.float32)
    W2 = jax.random.normal(ks[7], (512, 1), dtype=jnp.float32) * (1.0 / np.sqrt(512))
    b2 = jnp.zeros((1,), dtype=jnp.float32)
    return {
        'node_features': node_features,
        'edge_features': edge_features,
        'pair_indices': pair_indices,
        'num_nodes': num_nodes,
        'num_edges': num_edges,
        'W_gat': W_gat,
        'attn_l': attn_l,
        'attn_r': attn_r,
        'W1': W1,
        'b1': b1,
        'W2': W2,
        'b2': b2,
    }


def reference(node_features, edge_features, pair_indices, num_nodes, num_edges,
              W_gat, attn_l, attn_r, W1, b1, W2, b2):
    src = pair_indices[0]
    dst = pair_indices[1]
    # --- GATConv (single message step, concat head aggregation) ---
    h = (node_features @ W_gat).reshape(N, H, F_OUT)  # [N, H, F_OUT]
    el = jnp.sum(h * attn_l[None, :, :], axis=-1)  # [N, H]
    er = jnp.sum(h * attn_r[None, :, :], axis=-1)  # [N, H]
    e = el[src] + er[dst]                          # [E, H]
    e = jax.nn.leaky_relu(e, negative_slope=0.2)
    # edge softmax over destination nodes (numerically stable)
    emax = jax.ops.segment_max(e, dst, num_segments=N)  # [N, H]
    emax = jax.lax.stop_gradient(emax)
    ee = jnp.exp(e - emax[dst])
    esum = jax.ops.segment_sum(ee, dst, num_segments=N)  # [N, H]
    alpha = ee / (esum[dst] + 1e-9)                      # [E, H]
    msg = h[src] * alpha[:, :, None]                     # [E, H, F_OUT]
    out = jax.ops.segment_sum(msg, dst, num_segments=N)  # [N, H, F_OUT]
    # concat heads (Flatten)
    feat = out.reshape(N, H * F_OUT)  # [N, 1024]
    # --- AvgPooling readout per graph (batched graph of B graphs, NPG nodes each) ---
    gid = jnp.arange(N) // NPG
    g = jax.ops.segment_sum(feat, gid, num_segments=B) / float(NPG)  # [B, 1024]
    # --- Predictor MLP ---
    x = jax.nn.relu(g @ W1 + b1)
    x = x @ W2 + b2  # linear (regression mode)
    return x  # [B, 1]

if __name__ == "__main__":
    import jax
    _d = setup_inputs()
    print(jax.jit(kernel)(*tuple(_d.values())))

</pallas_src>

<mosaic_0001>
#map = affine_map<(d0, d1) -> (0, 0)>
#map1 = affine_map<(d0, d1) -> (0, 0, 0)>
#map2 = affine_map<(d0, d1) -> (0, 0, 0, 0)>
module attributes {stable_mosaic.version = 14 : i64} {
  func.func @_pass1_body(%arg0: i32, %arg1: i32, %arg2: memref<10240x8xf32, #tpu.memory_space<hbm>>, %arg3: memref<10240x8xf32, #tpu.memory_space<hbm>>, %arg4: memref<32x79x128xi32, #tpu.memory_space<hbm>>, %arg5: memref<32x79x128xi32, #tpu.memory_space<hbm>>, %arg6: memref<12544x8xf32, #tpu.memory_space<hbm>>, %arg7: memref<2x10240x8xf32, #tpu.memory_space<hbm>>, %arg8: memref<32x79x128x8xf32, #tpu.memory_space<hbm>>, %arg9: memref<32x79x128xi32, #tpu.memory_space<hbm>>, %arg10: memref<10240x8xf32, #tpu.memory_space<vmem_shared>>, %arg11: memref<10240x8xf32, #tpu.memory_space<vmem_shared>>, %arg12: memref<10240x8xf32, #tpu.memory_space<vmem_shared>>, %arg13: memref<79x128xi32, #tpu.memory_space<vmem>>, %arg14: memref<79x128xi32, #tpu.memory_space<vmem>>, %arg15: memref<128x8xf32, #tpu.memory_space<vmem>>, %arg16: memref<128x8xf32, #tpu.memory_space<vmem>>, %arg17: memref<128x8xf32, #tpu.memory_space<vmem>>, %arg18: memref<79x128xi32, #tpu.memory_space<vmem>>) attributes {dimension_semantics = [#tpu.dimension_semantics<core_parallel>, #tpu.dimension_semantics<subcore_parallel>], iteration_bounds = array<i64: 2, 16>, scalar_prefetch = 0 : i64, scratch_operands = 9 : i64, tpu.core_type = #tpu.core_type<sc_vector_subcore>, window_params = [{transform_indices = #map}, {transform_indices = #map}, {transform_indices = #map1}, {transform_indices = #map1}, {transform_indices = #map}, {transform_indices = #map1}, {transform_indices = #map2}, {transform_indices = #map1}]} {
    %mul3A = arith.constant 16 : i32
    %mul3A_0 = arith.muli %arg0, %mul3A : i32
    %add3A = arith.addi %mul3A_0, %arg1 : i32
    %mul3A_1 = arith.constant 640 : i32
    %mul3A_2 = arith.muli %arg1, %mul3A_1 : i32
    "tpu.region"() ({
      %run_scoped3A = tpu.sem_alloc : memref<!tpu.dma_semaphore, #tpu.memory_space<semaphore_mem>>
      %dma_start3A = arith.constant 0 : i32
      %dma_start3A_9 = tpu.memref_slice %arg10[%mul3A_2, %dma_start3A] : memref<10240x8xf32, #tpu.memory_space<vmem_shared>> -> memref<640x8xf32, #tpu.memory_space<vmem_shared>>
      %dma_start3A_10 = arith.constant 0 : i32
      %dma_start3A_11 = tpu.memref_slice %arg2[%mul3A_2, %dma_start3A_10] : memref<10240x8xf32, #tpu.memory_space<hbm>> -> memref<640x8xf32, #tpu.memory_space<hbm>>
      tpu.enqueue_dma source(%dma_start3A_11 : memref<640x8xf32, #tpu.memory_space<hbm>>) target(%dma_start3A_9 : memref<640x8xf32, #tpu.memory_space<vmem_shared>>) target_semaphore(%run_scoped3A : memref<!tpu.dma_semaphore, #tpu.memory_space<semaphore_mem>>)
      %dma_wait3A = arith.constant 0 : i32
      %dma_wait3A_12 = tpu.memref_slice %arg10[%mul3A_2, %dma_wait3A] : memref<10240x8xf32, #tpu.memory_space<vmem_shared>> -> memref<640x8xf32, #tpu.memory_space<vmem_shared>>
      %dma_wait3A_13 = arith.constant 0 : i32
      %dma_wait3A_14 = tpu.memref_slice %arg2[%mul3A_2, %dma_wait3A_13] : memref<10240x8xf32, #tpu.memory_space<hbm>> -> memref<640x8xf32, #tpu.memory_space<hbm>>
      tpu.wait_dma2 semaphore(%run_scoped3A : memref<!tpu.dma_semaphore, #tpu.memory_space<semaphore_mem>>) src(%dma_wait3A_14 : memref<640x8xf32, #tpu.memory_space<hbm>>) dst(%dma_wait3A_12 : memref<640x8xf32, #tpu.memory_space<vmem_shared>>)
      tpu.yield
    }) : () -> ()
    "tpu.region"() ({
      %run_scoped3A = tpu.sem_alloc : memref<!tpu.dma_semaphore, #tpu.memory_space<semaphore_mem>>
      %dma_start3A = arith.constant 0 : i32
      %dma_start3A_9 = tpu.memref_slice %arg11[%mul3A_2, %dma_start3A] : memref<10240x8xf32, #tpu.memory_space<vmem_shared>> -> memref<640x8xf32, #tpu.memory_space<vmem_shared>>
      %dma_start3A_10 = arith.constant 0 : i32
      %dma_start3A_11 = tpu.memref_slice %arg3[%mul3A_2, %dma_start3A_10] : memref<10240x8xf32, #tpu.memory_space<hbm>> -> memref<640x8xf32, #tpu.memory_space<hbm>>
      tpu.enqueue_dma source(%dma_start3A_11 : memref<640x8xf32, #tpu.memory_space<hbm>>) target(%dma_start3A_9 : memref<640x8xf32, #tpu.memory_space<vmem_shared>>) target_semaphore(%run_scoped3A : memref<!tpu.dma_semaphore, #tpu.memory_space<semaphore_mem>>)
      %dma_wait3A = arith.constant 0 : i32
      %dma_wait3A_12 = tpu.memref_slice %arg11[%mul3A_2, %dma_wait3A] : memref<10240x8xf32, #tpu.memory_space<vmem_shared>> -> memref<640x8xf32, #tpu.memory_space<vmem_shared>>
      %dma_wait3A_13 = arith.constant 0 : i32
      %dma_wait3A_14 = tpu.memref_slice %arg3[%mul3A_2, %dma_wait3A_13] : memref<10240x8xf32, #tpu.memory_space<hbm>> -> memref<640x8xf32, #tpu.memory_space<hbm>>
      tpu.wait_dma2 semaphore(%run_scoped3A : memref<!tpu.dma_semaphore, #tpu.memory_space<semaphore_mem>>) src(%dma_wait3A_14 : memref<640x8xf32, #tpu.memory_space<hbm>>) dst(%dma_wait3A_12 : memref<640x8xf32, #tpu.memory_space<vmem_shared>>)
      tpu.yield
    }) : () -> ()
    "tpu.region"() ({
      %run_scoped3A = tpu.sem_alloc : memref<!tpu.dma_semaphore, #tpu.memory_space<semaphore_mem>>
      %dma_start3A = arith.constant 0 : i32
      %dma_start3A_9 = tpu.memref_slice %arg12[%mul3A_2, %dma_start3A] : memref<10240x8xf32, #tpu.memory_space<vmem_shared>> -> memref<640x8xf32, #tpu.memory_space<vmem_shared>>
      %dma_start3A_10 = arith.constant 0 : i32
      %dma_start3A_11 = arith.constant 0 : i32
      %dma_start3A_12 = tpu.memref_slice %arg6[%dma_start3A_10, %dma_start3A_11] : memref<12544x8xf32, #tpu.memory_space<hbm>> -> memref<640x8xf32, #tpu.memory_space<hbm>>
      tpu.enqueue_dma source(%dma_start3A_12 : memref<640x8xf32, #tpu.memory_space<hbm>>) target(%dma_start3A_9 : memref<640x8xf32, #tpu.memory_space<vmem_shared>>) target_semaphore(%run_scoped3A : memref<!tpu.dma_semaphore, #tpu.memory_space<semaphore_mem>>)
      %dma_wait3A = arith.constant 0 : i32
      %dma_wait3A_13 = tpu.memref_slice %arg12[%mul3A_2, %dma_wait3A] : memref<10240x8xf32, #tpu.memory_space<vmem_shared>> -> memref<640x8xf32, #tpu.memory_space<vmem_shared>>
      %dma_wait3A_14 = arith.constant 0 : i32
      %dma_wait3A_15 = arith.constant 0 : i32
      %dma_wait3A_16 = tpu.memref_slice %arg6[%dma_wait3A_14, %dma_wait3A_15] : memref<12544x8xf32, #tpu.memory_space<hbm>> -> memref<640x8xf32, #tpu.memory_space<hbm>>
      tpu.wait_dma2 semaphore(%run_scoped3A : memref<!tpu.dma_semaphore, #tpu.memory_space<semaphore_mem>>) src(%dma_wait3A_16 : memref<640x8xf32, #tpu.memory_space<hbm>>) dst(%dma_wait3A_13 : memref<640x8xf32, #tpu.memory_space<vmem_shared>>)
      tpu.yield
    }) : () -> ()
    %barrier3A = arith.constant 0 : index
    tpu.barrier barrier_id(%barrier3A)
    "tpu.region"() ({
      %run_scoped3A = tpu.sem_alloc : memref<!tpu.dma_semaphore, #tpu.memory_space<semaphore_mem>>
      %dma_start3A = arith.constant 0 : i32
      %dma_start3A_9 = arith.constant 0 : i32
      %dma_start3A_10 = tpu.memref_slice %arg4[%add3A, %dma_start3A, %dma_start3A_9] : memref<32x79x128xi32, #tpu.memory_space<hbm>> -> memref<1x79x128xi32, #tpu.memory_space<hbm>>
      %dma_start3A_11 = tpu.memref_squeeze %dma_start3A_10 : memref<1x79x128xi32, #tpu.memory_space<hbm>> -> memref<79x128xi32, #tpu.memory_space<hbm>>
      %dma_start3A_12 = arith.constant 0 : i32
      %dma_start3A_13 = arith.constant 0 : i32
      %dma_start3A_14 = tpu.memref_slice %arg4[%add3A, %dma_start3A_12, %dma_start3A_13] : memref<32x79x128xi32, #tpu.memory_space<hbm>> -> memref<1x79x128xi32, #tpu.memory_space<hbm>>
      %dma_start3A_15 = tpu.memref_squeeze %dma_start3A_14 : memref<1x79x128xi32, #tpu.memory_space<hbm>> -> memref<79x128xi32, #tpu.memory_space<hbm>>
      tpu.enqueue_dma source(%dma_start3A_15 : memref<79x128xi32, #tpu.memory_space<hbm>>) target(%arg13 : memref<79x128xi32, #tpu.memory_space<vmem>>) target_semaphore(%run_scoped3A : memref<!tpu.dma_semaphore, #tpu.memory_space<semaphore_mem>>)
      %dma_wait3A = arith.constant 0 : i32
      %dma_wait3A_16 = arith.constant 0 : i32
      %dma_wait3A_17 = tpu.memref_slice %arg4[%add3A, %dma_wait3A, %dma_wait3A_16] : memref<32x79x128xi32, #tpu.memory_space<hbm>> -> memref<1x79x128xi32, #tpu.memory_space<hbm>>
      %dma_wait3A_18 = tpu.memref_squeeze %dma_wait3A_17 : memref<1x79x128xi32, #tpu.memory_space<hbm>> -> memref<79x128xi32, #tpu.memory_space<hbm>>
      %dma_wait3A_19 = arith.constant 0 : i32
      %dma_wait3A_20 = arith.constant 0 : i32
      %dma_wait3A_21 = tpu.memref_slice %arg4[%add3A, %dma_wait3A_19, %dma_wait3A_20] : memref<32x79x128xi32, #tpu.memory_space<hbm>> -> memref<1x79x128xi32, #tpu.memory_space<hbm>>
      %dma_wait3A_22 = tpu.memref_squeeze %dma_wait3A_21 : memref<1x79x128xi32, #tpu.memory_space<hbm>> -> memref<79x128xi32, #tpu.memory_space<hbm>>
      tpu.wait_dma2 semaphore(%run_scoped3A : memref<!tpu.dma_semaphore, #tpu.memory_space<semaphore_mem>>) src(%dma_wait3A_22 : memref<79x128xi32, #tpu.memory_space<hbm>>) dst(%arg13 : memref<79x128xi32, #tpu.memory_space<vmem>>)
      tpu.yield
    }) : () -> ()
    "tpu.region"() ({
      %run_scoped3A = tpu.sem_alloc : memref<!tpu.dma_semaphore, #tpu.memory_space<semaphore_mem>>
      %dma_start3A = arith.constant 0 : i32
      %dma_start3A_9 = arith.constant 0 : i32
      %dma_start3A_10 = tpu.memref_slice %arg5[%add3A, %dma_start3A, %dma_start3A_9] : memref<32x79x128xi32, #tpu.memory_space<hbm>> -> memref<1x79x128xi32, #tpu.memory_space<hbm>>
      %dma_start3A_11 = tpu.memref_squeeze %dma_start3A_10 : memref<1x79x128xi32, #tpu.memory_space<hbm>> -> memref<79x128xi32, #tpu.memory_space<hbm>>
      %dma_start3A_12 = arith.constant 0 : i32
      %dma_start3A_13 = arith.constant 0 : i32
      %dma_start3A_14 = tpu.memref_slice %arg5[%add3A, %dma_start3A_12, %dma_start3A_13] : memref<32x79x128xi32, #tpu.memory_space<hbm>> -> memref<1x79x128xi32, #tpu.memory_space<hbm>>
      %dma_start3A_15 = tpu.memref_squeeze %dma_start3A_14 : memref<1x79x128xi32, #tpu.memory_space<hbm>> -> memref<79x128xi32, #tpu.memory_space<hbm>>
      tpu.enqueue_dma source(%dma_start3A_15 : memref<79x128xi32, #tpu.memory_space<hbm>>) target(%arg14 : memref<79x128xi32, #tpu.memory_space<vmem>>) target_semaphore(%run_scoped3A : memref<!tpu.dma_semaphore, #tpu.memory_space<semaphore_mem>>)
      %dma_wait3A = arith.constant 0 : i32
      %dma_wait3A_16 = arith.constant 0 : i32
      %dma_wait3A_17 = tpu.memref_slice %arg5[%add3A, %dma_wait3A, %dma_wait3A_16] : memref<32x79x128xi32, #tpu.memory_space<hbm>> -> memref<1x79x128xi32, #tpu.memory_space<hbm>>
      %dma_wait3A_18 = tpu.memref_squeeze %dma_wait3A_17 : memref<1x79x128xi32, #tpu.memory_space<hbm>> -> memref<79x128xi32, #tpu.memory_space<hbm>>
      %dma_wait3A_19 = arith.constant 0 : i32
      %dma_wait3A_20 = arith.constant 0 : i32
      %dma_wait3A_21 = tpu.memref_slice %arg5[%add3A, %dma_wait3A_19, %dma_wait3A_20] : memref<32x79x128xi32, #tpu.memory_space<hbm>> -> memref<1x79x128xi32, #tpu.memory_space<hbm>>
      %dma_wait3A_22 = tpu.memref_squeeze %dma_wait3A_21 : memref<1x79x128xi32, #tpu.memory_space<hbm>> -> memref<79x128xi32, #tpu.memory_space<hbm>>
      tpu.wait_dma2 semaphore(%run_scoped3A : memref<!tpu.dma_semaphore, #tpu.memory_space<semaphore_mem>>) src(%dma_wait3A_22 : memref<79x128xi32, #tpu.memory_space<hbm>>) dst(%arg14 : memref<79x128xi32, #tpu.memory_space<vmem>>)
      tpu.yield
    }) : () -> ()
    %scan3A = arith.constant 0 : i32
    %scan3A_3 = arith.constant 0 : i32
    %scan3A_4 = arith.constant 79 : i32
    %scan3A_5 = arith.addi %scan3A_3, %scan3A_4 : i32
    %scan3A_6 = arith.constant 1 : i32
    scf.for %scan3A_9 = %scan3A_3 to %scan3A_5 step %scan3A_6  : i32 {
      "tpu.region"() ({
        %run_scoped3A = tpu.sem_alloc : memref<!tpu.dma_semaphore, #tpu.memory_space<semaphore_mem>>
        %dma_start3A = arith.constant 0 : i32
        %dma_start3A_856 = tpu.memref_slice %arg13[%scan3A_9, %dma_start3A] : memref<79x128xi32, #tpu.memory_space<vmem>> -> memref<1x128xi32, #tpu.memory_space<vmem>>
        %dma_start3A_857 = tpu.memref_squeeze %dma_start3A_856 : memref<1x128xi32, #tpu.memory_space<vmem>> -> memref<128xi32, #tpu.memory_space<vmem>>
        %dma_start3A_858 = arith.constant 0 : i32
        %dma_start3A_859 = arith.constant 0 : i32
        %dma_start3A_860 = tpu.memref_slice %arg10[%dma_start3A_858, %dma_start3A_859] : memref<10240x8xf32, #tpu.memory_space<vmem_shared>> -> memref<10240x8xf32, #tpu.memory_space<vmem_shared>>
        tpu.enqueue_indirect_dma source(%dma_start3A_860 : memref<10240x8xf32, #tpu.memory_space<vmem_shared>>) target(%arg15 : memref<128x8xf32, #tpu.memory_space<vmem>>) offsets(%dma_start3A_857 : memref<128xi32, #tpu.memory_space<vmem>>) semaphore(%run_scoped3A : memref<!tpu.dma_semaphore, #tpu.memory_space<semaphore_mem>>)
        %dma_wait3A = arith.constant 0 : i32
        %dma_wait3A_861 = tpu.memref_slice %arg13[%scan3A_9, %dma_wait3A] : memref<79x128xi32, #tpu.memory_space<vmem>> -> memref<1x128xi32, #tpu.memory_space<vmem>>
        %dma_wait3A_862 = tpu.memref_squeeze %dma_wait3A_861 : memref<1x128xi32, #tpu.memory_space<vmem>> -> memref<128xi32, #tpu.memory_space<vmem>>
        %dma_wait3A_863 = arith.constant 0 : i32
        %dma_wait3A_864 = arith.constant 0 : i32
        %dma_wait3A_865 = tpu.memref_slice %arg10[%dma_wait3A_863, %dma_wait3A_864] : memref<10240x8xf32, #tpu.memory_space<vmem_shared>> -> memref<10240x8xf32, #tpu.memory_space<vmem_shared>>
        tpu.wait_indirect_dma semaphore(%run_scoped3A : memref<!tpu.dma_semaphore, #tpu.memory_space<semaphore_mem>>) src(%dma_wait3A_865 : memref<10240x8xf32, #tpu.memory_space<vmem_shared>>) dst(%arg15 : memref<128x8xf32, #tpu.memory_space<vmem>>)
        tpu.yield
      }) : () -> ()
      "tpu.region"() ({
        %run_scoped3A = tpu.sem_alloc : memref<!tpu.dma_semaphore, #tpu.memory_space<semaphore_mem>>
        %dma_start3A = arith.constant 0 : i32
        %dma_start3A_856 = tpu.memref_slice %arg14[%scan3A_9, %dma_start3A] : memref<79x128xi32, #tpu.memory_space<vmem>> -> memref<1x128xi32, #tpu.memory_space<vmem>>
        %dma_start3A_857 = tpu.memref_squeeze %dma_start3A_856 : memref<1x128xi32, #tpu.memory_space<vmem>> -> memref<128xi32, #tpu.memory_space<vmem>>
        %dma_start3A_858 = arith.constant 0 : i32
        %dma_start3A_859 = arith.constant 0 : i32
        %dma_start3A_860 = tpu.memref_slice %arg11[%dma_start3A_858, %dma_start3A_859] : memref<10240x8xf32, #tpu.memory_space<vmem_shared>> -> memref<10240x8xf32, #tpu.memory_space<vmem_shared>>
        tpu.enqueue_indirect_dma source(%dma_start3A_860 : memref<10240x8xf32, #tpu.memory_space<vmem_shared>>) target(%arg16 : memref<128x8xf32, #tpu.memory_space<vmem>>) offsets(%dma_start3A_857 : memref<128xi32, #tpu.memory_space<vmem>>) semaphore(%run_scoped3A : memref<!tpu.dma_semaphore, #tpu.memory_space<semaphore_mem>>)
        %dma_wait3A = arith.constant 0 : i32
        %dma_wait3A_861 = tpu.memref_slice %arg14[%scan3A_9, %dma_wait3A] : memref<79x128xi32, #tpu.memory_space<vmem>> -> memref<1x128xi32, #tpu.memory_space<vmem>>
        %dma_wait3A_862 = tpu.memref_squeeze %dma_wait3A_861 : memref<1x128xi32, #tpu.memory_space<vmem>> -> memref<128xi32, #tpu.memory_space<vmem>>
        %dma_wait3A_863 = arith.constant 0 : i32
        %dma_wait3A_864 = arith.constant 0 : i32
        %dma_wait3A_865 = tpu.memref_slice %arg11[%dma_wait3A_863, %dma_wait3A_864] : memref<10240x8xf32, #tpu.memory_space<vmem_shared>> -> memref<10240x8xf32, #tpu.memory_space<vmem_shared>>
        tpu.wait_indirect_dma semaphore(%run_scoped3A : memref<!tpu.dma_semaphore, #tpu.memory_space<semaphore_mem>>) src(%dma_wait3A_865 : memref<10240x8xf32, #tpu.memory_space<vmem_shared>>) dst(%arg16 : memref<128x8xf32, #tpu.memory_space<vmem>>)
        tpu.yield
      }) : () -> ()
      %iota3A = tpu.iota {dimensions = array<i32: 0>} : vector<16xi32>
      %shift_right_arithmetic3A = arith.constant 3 : i32
      %shift_right_arithmetic3A_10 = vector.broadcast %shift_right_arithmetic3A : i32 to vector<16xi32>
      %shift_right_arithmetic3A_11 = arith.shrsi %iota3A, %shift_right_arithmetic3A_10 : vector<16xi32>
      %and3A = arith.constant 7 : i32
      %and3A_12 = vector.broadcast %and3A : i32 to vector<16xi32>
      %and3A_13 = arith.andi %iota3A, %and3A_12 : vector<16xi32>
      %add3A_14 = arith.constant 0 : i32
      %add3A_15 = vector.broadcast %add3A_14 : i32 to vector<16xi32>
      %add3A_16 = arith.addi %shift_right_arithmetic3A_11, %add3A_15 : vector<16xi32>
      %gather3A = tpu.vector_load_idx %arg15[%add3A_16, %and3A_13] : memref<128x8xf32, #tpu.memory_space<vmem>>[vector<16xi32>, vector<16xi32>], vector<16xf32>,
      %gather3A_17 = tpu.vector_load_idx %arg16[%add3A_16, %and3A_13] : memref<128x8xf32, #tpu.memory_space<vmem>>[vector<16xi32>, vector<16xi32>], vector<16xf32>,
      %add3A_18 = arith.addf %gather3A, %gather3A_17 : vector<16xf32>
      %mul3A_19 = arith.constant 2.000000e-01 : f32
      %mul3A_20 = vector.broadcast %mul3A_19 : f32 to vector<16xf32>
      %mul3A_21 = arith.mulf %add3A_18, %mul3A_20 : vector<16xf32>
      %max3A = arith.maximumf %add3A_18, %mul3A_21 : vector<16xf32>
      %exp3A = math.exp %max3A : vector<16xf32>
      tpu.vector_store_idx %arg17[%add3A_16, %and3A_13], %exp3A : memref<128x8xf32, #tpu.memory_space<vmem>>[vector<16xi32>, vector<16xi32>], vector<16xf32>,
      %add3A_22 = arith.constant 2 : i32
      %add3A_23 = vector.broadcast %add3A_22 : i32 to vector<16xi32>
      %add3A_24 = arith.addi %shift_right_arithmetic3A_11, %add3A_23 : vector<16xi32>
      %gather3A_25 = tpu.vector_load_idx %arg15[%add3A_24, %and3A_13] : memref<128x8xf32, #tpu.memory_space<vmem>>[vector<16xi32>, vector<16xi32>], vector<16xf32>,
      %gather3A_26 = tpu.vector_load_idx %arg16[%add3A_24, %and3A_13] : memref<128x8xf32, #tpu.memory_space<vmem>>[vector<16xi32>, vector<16xi32>], vector<16xf32>,
      %add3A_27 = arith.addf %gather3A_25, %gather3A_26 : vector<16xf32>
      %mul3A_28 = arith.constant 2.000000e-01 : f32
      %mul3A_29 = vector.broadcast %mul3A_28 : f32 to vector<16xf32>
      %mul3A_30 = arith.mulf %add3A_27, %mul3A_29 : vector<16xf32>
      %max3A_31 = arith.maximumf %add3A_27, %mul3A_30 : vector<16xf32>
      %exp3A_32 = math.exp %max3A_31 : vector<16xf32>
      tpu.vector_store_idx %arg17[%add3A_24, %and3A_13], %exp3A_32 : memref<128x8xf32, #tpu.memory_space<vmem>>[vector<16xi32>, vector<16xi32>], vector<16xf32>,
      %add3A_33 = arith.constant 4 : i32
      %add3A_34 = vector.broadcast %add3A_33 : i32 to vector<16xi32>
      %add3A_35 = arith.addi %shift_right_arithmetic3A_11, %add3A_34 : vector<16xi32>
      %gather3A_36 = tpu.vector_load_idx %arg15[%add3A_35, %and3A_13] : memref<128x8xf32, #tpu.memory_space<vmem>>[vector<16xi32>, vector<16xi32>], vector<16xf32>,
      %gather3A_37 = tpu.vector_load_idx %arg16[%add3A_35, %and3A_13] : memref<128x8xf32, #tpu.memory_space<vmem>>[vector<16xi32>, vector<16xi32>], vector<16xf32>,
      %add3A_38 = arith.addf %gather3A_36, %gather3A_37 : vector<16xf32>
      %mul3A_39 = arith.constant 2.000000e-01 : f32
      %mul3A_40 = vector.broadcast %mul3A_39 : f32 to vector<16xf32>
      %mul3A_41 = arith.mulf %add3A_38, %mul3A_40 : vector<16xf32>
      %max3A_42 = arith.maximumf %add3A_38, %mul3A_41 : vector<16xf32>
      %exp3A_43 = math.exp %max3A_42 : vector<16xf32>
      tpu.vector_store_idx %arg17[%add3A_35, %and3A_13], %exp3A_43 : memref<128x8xf32, #tpu.memory_space<vmem>>[vector<16xi32>, vector<16xi32>], vector<16xf32>,
      %add3A_44 = arith.constant 6 : i32
      %add3A_45 = vector.broadcast %add3A_44 : i32 to vector<16xi32>
      %add3A_46 = arith.addi %shift_right_arithmetic3A_11, %add3A_45 : vector<16xi32>
      %gather3A_47 = tpu.vector_load_idx %arg15[%add3A_46, %and3A_13] : memref<128x8xf32, #tpu.memory_space<vmem>>[vector<16xi32>, vector<16xi32>], vector<16xf32>,
      %gather3A_48 = tpu.vector_load_idx %arg16[%add3A_46, %and3A_13] : memref<128x8xf32, #tpu.memory_space<vmem>>[vector<16xi32>, vector<16xi32>], vector<16xf32>,
      %add3A_49 = arith.addf %gather3A_47, %gather3A_48 : vector<16xf32>
      %mul3A_50 = arith.constant 2.000000e-01 : f32
      %mul3A_51 = vector.broadcast %mul3A_50 : f32 to vector<16xf32>
      %mul3A_52 = arith.mulf %add3A_49, %mul3A_51 : vector<16xf32>
      %max3A_53 = arith.maximumf %add3A_49, %mul3A_52 : vector<16xf32>
      %exp3A_54 = math.exp %max3A_53 : vector<16xf32>
      tpu.vector_store_idx %arg17[%add3A_46, %and3A_13], %exp3A_54 : memref<128x8xf32, #tpu.memory_space<vmem>>[vector<16xi32>, vector<16xi32>], vector<16xf32>,
      %add3A_55 = arith.constant 8 : i32
      %add3A_56 = vector.broadcast %add3A_55 : i32 to vector<16xi32>
      %add3A_57 = arith.addi %shift_right_arithmetic3A_11, %add3A_56 : vector<16xi32>
      %gather3A_58 = tpu.vector_load_idx %arg15[%add3A_57, %and3A_13] : memref<128x8xf32, #tpu.memory_space<vmem>>[vector<16xi32>, vector<16xi32>], vector<16xf32>,
      %gather3A_59 = tpu.vector_load_idx %arg16[%add3A_57, %and3A_13] : memref<128x8xf32, #tpu.memory_space<vmem>>[vector<16xi32>, vector<16xi32>], vector<16xf32>,
      %add3A_60 = arith.addf %gather3A_58, %gather3A_59 : vector<16xf32>
      %mul3A_61 = arith.constant 2.000000e-01 : f32
      %mul3A_62 = vector.broadcast %mul3A_61 : f32 to vector<16xf32>
      %mul3A_63 = arith.mulf %add3A_60, %mul3A_62 : vector<16xf32>
      %max3A_64 = arith.maximumf %add3A_60, %mul3A_63 : vector<16xf32>
      %exp3A_65 = math.exp %max3A_64 : vector<16xf32>
      tpu.vector_store_idx %arg17[%add3A_57, %and3A_13], %exp3A_65 : memref<128x8xf32, #tpu.memory_space<vmem>>[vector<16xi32>, vector<16xi32>], vector<16xf32>,
      %add3A_66 = arith.constant 10 : i32
      %add3A_67 = vector.broadcast %add3A_66 : i32 to vector<16xi32>
      %add3A_68 = arith.addi %shift_right_arithmetic3A_11, %add3A_67 : vector<16xi32>
      %gather3A_69 = tpu.vector_load_idx %arg15[%add3A_68, %and3A_13] : memref<128x8xf32, #tpu.memory_space<vmem>>[vector<16xi32>, vector<16xi32>], vector<16xf32>,
      %gather3A_70 = tpu.vector_load_idx %arg16[%add3A_68, %and3A_13] : memref<128x8xf32, #tpu.memory_space<vmem>>[vector<16xi32>, vector<16xi32>], vector<16xf32>,
      %add3A_71 = arith.addf %gather3A_69, %gather3A_70 : vector<16xf32>
      %mul3A_72 = arith.constant 2.000000e-01 : f32
      %mul3A_73 = vector.broadcast %mul3A_72 : f32 to vector<16xf32>
      %mul3A_74 = arith.mulf %add3A_71, %mul3A_73 : vector<16xf32>
      %max3A_75 = arith.maximumf %add3A_71, %mul3A_74 : vector<16xf32>
      %exp3A_76 = math.exp %max3A_75 : vector<16xf32>
      tpu.vector_store_idx %arg17[%add3A_68, %and3A_13], %exp3A_76 : memref<128x8xf32, #tpu.memory_space<vmem>>[vector<16xi32>, vector<16xi32>], vector<16xf32>,
      %add3A_77 = arith.constant 12 : i32
      %add3A_78 = vector.broadcast %add3A_77 : i32 to vector<16xi32>
      %add3A_79 = arith.addi %shift_right_arithmetic3A_11, %add3A_78 : vector<16xi32>
      %gather3A_80 = tpu.vector_load_idx %arg15[%add3A_79, %and3A_13] : memref<128x8xf32, #tpu.memory_space<vmem>>[vector<16xi32>, vector<16xi32>], vector<16xf32>,
      %gather3A_81 = tpu.vector_load_idx %arg16[%add3A_79, %and3A_13] : memref<128x8xf32, #tpu.memory_space<vmem>>[vector<16xi32>, vector<16xi32>], vector<16xf32>,
      %add3A_82 = arith.addf %gather3A_80, %gather3A_81 : vector<16xf32>
      %mul3A_83 = arith.constant 2.000000e-01 : f32
      %mul3A_84 = vector.broadcast %mul3A_83 : f32 to vector<16xf32>
      %mul3A_85 = arith.mulf %add3A_82, %mul3A_84 : vector<16xf32>
      %max3A_86 = arith.maximumf %add3A_82, %mul3A_85 : vector<16xf32>
      %exp3A_87 = math.exp %max3A_86 : vector<16xf32>
      tpu.vector_store_idx %arg17[%add3A_79, %and3A_13], %exp3A_87 : memref<128x8xf32, #tpu.memory_space<vmem>>[vector<16xi32>, vector<16xi32>], vector<16xf32>,
      %add3A_88 = arith.constant 14 : i32
      %add3A_89 = vector.broadcast %add3A_88 : i32 to vector<16xi32>
      %add3A_90 = arith.addi %shift_right_arithmetic3A_11, %add3A_89 : vector<16xi32>
      %gather3A_91 = tpu.vector_load_idx %arg15[%add3A_90, %and3A_13] : memref<128x8xf32, #tpu.memory_space<vmem>>[vector<16xi32>, vector<16xi32>], vector<16xf32>,
      %gather3A_92 = tpu.vector_load_idx %arg16[%add3A_90, %and3A_13] : memref<128x8xf32, #tpu.memory_space<vmem>>[vector<16xi32>, vector<16xi32>], vector<16xf32>,
      %add3A_93 = arith.addf %gather3A_91, %gather3A_92 : vector<16xf32>
      %mul3A_94 = arith.constant 2.000000e-01 : f32
      %mul3A_95 = vector.broadcast %mul3A_94 : f32 to vector<16xf32>
      %mul3A_96 = arith.mulf %add3A_93, %mul3A_95 : vector<16xf32>
      %max3A_97 = arith.maximumf %add3A_93, %mul3A_96 : vector<16xf32>
      %exp3A_98 = math.exp %max3A_97 : vector<16xf32>
      tpu.vector_store_idx %arg17[%add3A_90, %and3A_13], %exp3A_98 : memref<128x8xf32, #tpu.memory_space<vmem>>[vector<16xi32>, vector<16xi32>], vector<16xf32>,
      %add3A_99 = arith.constant 16 : i32
      %add3A_100 = vector.broadcast %add3A_99 : i32 to vector<16xi32>
      %add3A_101 = arith.addi %shift_right_arithmetic3A_11, %add3A_100 : vector<16xi32>
      %gather3A_102 = tpu.vector_load_idx %arg15[%add3A_101, %and3A_13] : memref<128x8xf32, #tpu.memory_space<vmem>>[vector<16xi32>, vector<16xi32>], vector<16xf32>,
      %gather3A_103 = tpu.vector_load_idx %arg16[%add3A_101, %and3A_13] : memref<128x8xf32, #tpu.memory_space<vmem>>[vector<16xi32>, vector<16xi32>], vector<16xf32>,
      %add3A_104 = arith.addf %gather3A_102, %gather3A_103 : vector<16xf32>
      %mul3A_105 = arith.constant 2.000000e-01 : f32
      %mul3A_106 = vector.broadcast %mul3A_105 : f32 to vector<16xf32>
      %mul3A_107 = arith.mulf %add3A_104, %mul3A_106 : vector<16xf32>
      %max3A_108 = arith.maximumf %add3A_104, %mul3A_107 : vector<16xf32>
      %exp3A_109 = math.exp %max3A_108 : vector<16xf32>
      tpu.vector_store_idx %arg17[%add3A_101, %and3A_13], %exp3A_109 : memref<128x8xf32, #tpu.memory_space<vmem>>[vector<16xi32>, vector<16xi32>], vector<16xf32>,
      %add3A_110 = arith.constant 18 : i32
      %add3A_111 = vector.broadcast %add3A_110 : i32 to vector<16xi32>
      %add3A_112 = arith.addi %shift_right_arithmetic3A_11, %add3A_111 : vector<16xi32>
      %gather3A_113 = tpu.vector_load_idx %arg15[%add3A_112, %and3A_13] : memref<128x8xf32, #tpu.memory_space<vmem>>[vector<16xi32>, vector<16xi32>], vector<16xf32>,
      %gather3A_114 = tpu.vector_load_idx %arg16[%add3A_112, %and3A_13] : memref<128x8xf32, #tpu.memory_space<vmem>>[vector<16xi32>, vector<16xi32>], vector<16xf32>,
      %add3A_115 = arith.addf %gather3A_113, %gather3A_114 : vector<16xf32>
      %mul3A_116 = arith.constant 2.000000e-01 : f32
      %mul3A_117 = vector.broadcast %mul3A_116 : f32 to vector<16xf32>
      %mul3A_118 = arith.mulf %add3A_115, %mul3A_117 : vector<16xf32>
      %max3A_119 = arith.maximumf %add3A_115, %mul3A_118 : vector<16xf32>
      %exp3A_120 = math.exp %max3A_119 : vector<16xf32>
      tpu.vector_store_idx %arg17[%add3A_112, %and3A_13], %exp3A_120 : memref<128x8xf32, #tpu.memory_space<vmem>>[vector<16xi32>, vector<16xi32>], vector<16xf32>,
      %add3A_121 = arith.constant 20 : i32
      %add3A_122 = vector.broadcast %add3A_121 : i32 to vector<16xi32>
      %add3A_123 = arith.addi %shift_right_arithmetic3A_11, %add3A_122 : vector<16xi32>
      %gather3A_124 = tpu.vector_load_idx %arg15[%add3A_123, %and3A_13] : memref<128x8xf32, #tpu.memory_space<vmem>>[vector<16xi32>, vector<16xi32>], vector<16xf32>,
      %gather3A_125 = tpu.vector_load_idx %arg16[%add3A_123, %and3A_13] : memref<128x8xf32, #tpu.memory_space<vmem>>[vector<16xi32>, vector<16xi32>], vector<16xf32>,
      %add3A_126 = arith.addf %gather3A_124, %gather3A_125 : vector<16xf32>
      %mul3A_127 = arith.constant 2.000000e-01 : f32
      %mul3A_128 = vector.broadcast %mul3A_127 : f32 to vector<16xf32>
      %mul3A_129 = arith.mulf %add3A_126, %mul3A_128 : vector<16xf32>
      %max3A_130 = arith.maximumf %add3A_126, %mul3A_129 : vector<16xf32>
      %exp3A_131 = math.exp %max3A_130 : vector<16xf32>
      tpu.vector_store_idx %arg17[%add3A_123, %and3A_13], %exp3A_131 : memref<128x8xf32, #tpu.memory_space<vmem>>[vector<16xi32>, vector<16xi32>], vector<16xf32>,
      %add3A_132 = arith.constant 22 : i32
      %add3A_133 = vector.broadcast %add3A_132 : i32 to vector<16xi32>
      %add3A_134 = arith.addi %shift_right_arithmetic3A_11, %add3A_133 : vector<16xi32>
      %gather3A_135 = tpu.vector_load_idx %arg15[%add3A_134, %and3A_13] : memref<128x8xf32, #tpu.memory_space<vmem>>[vector<16xi32>, vector<16xi32>], vector<16xf32>,
      %gather3A_136 = tpu.vector_load_idx %arg16[%add3A_134, %and3A_13] : memref<128x8xf32, #tpu.memory_space<vmem>>[vector<16xi32>, vector<16xi32>], vector<16xf32>,
      %add3A_137 = arith.addf %gather3A_135, %gather3A_136 : vector<16xf32>
      %mul3A_138 = arith.constant 2.000000e-01 : f32
      %mul3A_139 = vector.broadcast %mul3A_138 : f32 to vector<16xf32>
      %mul3A_140 = arith.mulf %add3A_137, %mul3A_139 : vector<16xf32>
      %max3A_141 = arith.maximumf %add3A_137, %mul3A_140 : vector<16xf32>
      %exp3A_142 = math.exp %max3A_141 : vector<16xf32>
      tpu.vector_store_idx %arg17[%add3A_134, %and3A_13], %exp3A_142 : memref<128x8xf32, #tpu.memory_space<vmem>>[vector<16xi32>, vector<16xi32>], vector<16xf32>,
      %add3A_143 = arith.constant 24 : i32
      %add3A_144 = vector.broadcast %add3A_143 : i32 to vector<16xi32>
      %add3A_145 = arith.addi %shift_right_arithmetic3A_11, %add3A_144 : vector<16xi32>
      %gather3A_146 = tpu.vector_load_idx %arg15[%add3A_145, %and3A_13] : memref<128x8xf32, #tpu.memory_space<vmem>>[vector<16xi32>, vector<16xi32>], vector<16xf32>,
      %gather3A_147 = tpu.vector_load_idx %arg16[%add3A_145, %and3A_13] : memref<128x8xf32, #tpu.memory_space<vmem>>[vector<16xi32>, vector<16xi32>], vector<16xf32>,
      %add3A_148 = arith.addf %gather3A_146, %gather3A_147 : vector<16xf32>
      %mul3A_149 = arith.constant 2.000000e-01 : f32
      %mul3A_150 = vector.broadcast %mul3A_149 : f32 to vector<16xf32>
      %mul3A_151 = arith.mulf %add3A_148, %mul3A_150 : vector<16xf32>
      %max3A_152 = arith.maximumf %add3A_148, %mul3A_151 : vector<16xf32>
      %exp3A_153 = math.exp %max3A_152 : vector<16xf32>
      tpu.vector_store_idx %arg17[%add3A_145, %and3A_13], %exp3A_153 : memref<128x8xf32, #tpu.memory_space<vmem>>[vector<16xi32>, vector<16xi32>], vector<16xf32>,
      %add3A_154 = arith.constant 26 : i32
      %add3A_155 = vector.broadcast %add3A_154 : i32 to vector<16xi32>
      %add3A_156 = arith.addi %shift_right_arithmetic3A_11, %add3A_155 : vector<16xi32>
      %gather3A_157 = tpu.vector_load_idx %arg15[%add3A_156, %and3A_13] : memref<128x8xf32, #tpu.memory_space<vmem>>[vector<16xi32>, vector<16xi32>], vector<16xf32>,
      %gather3A_158 = tpu.vector_load_idx %arg16[%add3A_156, %and3A_13] : memref<128x8xf32, #tpu.memory_space<vmem>>[vector<16xi32>, vector<16xi32>], vector<16xf32>,
      %add3A_159 = arith.addf %gather3A_157, %gather3A_158 : vector<16xf32>
      %mul3A_160 = arith.constant 2.000000e-01 : f32
      %mul3A_161 = vector.broadcast %mul3A_160 : f32 to vector<16xf32>
      %mul3A_162 = arith.mulf %add3A_159, %mul3A_161 : vector<16xf32>
      %max3A_163 = arith.maximumf %add3A_159, %mul3A_162 : vector<16xf32>
      %exp3A_164 = math.exp %max3A_163 : vector<16xf32>
      tpu.vector_store_idx %arg17[%add3A_156, %and3A_13], %exp3A_164 : memref<128x8xf32, #tpu.memory_space<vmem>>[vector<16xi32>, vector<16xi32>], vector<16xf32>,
      %add3A_165 = arith.constant 28 : i32
      %add3A_166 = vector.broadcast %add3A_165 : i32 to vector<16xi32>
      %add3A_167 = arith.addi %shift_right_arithmetic3A_11, %add3A_166 : vector<16xi32>
      %gather3A_168 = tpu.vector_load_idx %arg15[%add3A_167, %and3A_13] : memref<128x8xf32, #tpu.memory_space<vmem>>[vector<16xi32>, vector<16xi32>], vector<16xf32>,
      %gather3A_169 = tpu.vector_load_idx %arg16[%add3A_167, %and3A_13] : memref<128x8xf32, #tpu.memory_space<vmem>>[vector<16xi32>, vector<16xi32>], vector<16xf32>,
      %add3A_170 = arith.addf %gather3A_168, %gather3A_169 : vector<16xf32>
      %mul3A_171 = arith.constant 2.000000e-01 : f32
      %mul3A_172 = vector.broadcast %mul3A_171 : f32 to vector<16xf32>
      %mul3A_173 = arith.mulf %add3A_170, %mul3A_172 : vector<16xf32>
      %max3A_174 = arith.maximumf %add3A_170, %mul3A_173 : vector<16xf32>
      %exp3A_175 = math.exp %max3A_174 : vector<16xf32>
      tpu.vector_store_idx %arg17[%add3A_167, %and3A_13], %exp3A_175 : memref<128x8xf32, #tpu.memory_space<vmem>>[vector<16xi32>, vector<16xi32>], vector<16xf32>,
      %add3A_176 = arith.constant 30 : i32
      %add3A_177 = vector.broadcast %add3A_176 : i32 to vector<16xi32>
      %add3A_178 = arith.addi %shift_right_arithmetic3A_11, %add3A_177 : vector<16xi32>
      %gather3A_179 = tpu.vector_load_idx %arg15[%add3A_178, %and3A_13] : memref<128x8xf32, #tpu.memory_space<vmem>>[vector<16xi32>, vector<16xi32>], vector<16xf32>,
      %gather3A_180 = tpu.vector_load_idx %arg16[%add3A_178, %and3A_13] : memref<128x8xf32, #tpu.memory_space<vmem>>[vector<16xi32>, vector<16xi32>], vector<16xf32>,
      %add3A_181 = arith.addf %gather3A_179, %gather3A_180 : vector<16xf32>
      %mul3A_182 = arith.constant 2.000000e-01 : f32
      %mul3A_183 = vector.broadcast %mul3A_182 : f32 to vector<16xf32>
      %mul3A_184 = arith.mulf %add3A_181, %mul3A_183 : vector<16xf32>
      %max3A_185 = arith.maximumf %add3A_181, %mul3A_184 : vector<16xf32>
      %exp3A_186 = math.exp %max3A_185 : vector<16xf32>
      tpu.vector_store_idx %arg17[%add3A_178, %and3A_13], %exp3A_186 : memref<128x8xf32, #tpu.memory_space<vmem>>[vector<16xi32>, vector<16xi32>], vector<16xf32>,
      %add3A_187 = arith.constant 32 : i32
      %add3A_188 = vector.broadcast %add3A_187 : i32 to vector<16xi32>
      %add3A_189 = arith.addi %shift_right_arithmetic3A_11, %add3A_188 : vector<16xi32>
      %gather3A_190 = tpu.vector_load_idx %arg15[%add3A_189, %and3A_13] : memref<128x8xf32, #tpu.memory_space<vmem>>[vector<16xi32>, vector<16xi32>], vector<16xf32>,
      %gather3A_191 = tpu.vector_load_idx %arg16[%add3A_189, %and3A_13] : memref<128x8xf32, #tpu.memory_space<vmem>>[vector<16xi32>, vector<16xi32>], vector<16xf32>,
      %add3A_192 = arith.addf %gather3A_190, %gather3A_191 : vector<16xf32>
      %mul3A_193 = arith.constant 2.000000e-01 : f32
      %mul3A_194 = vector.broadcast %mul3A_193 : f32 to vector<16xf32>
      %mul3A_195 = arith.mulf %add3A_192, %mul3A_194 : vector<16xf32>
      %max3A_196 = arith.maximumf %add3A_192, %mul3A_195 : vector<16xf32>
      %exp3A_197 = math.exp %max3A_196 : vector<16xf32>
      tpu.vector_store_idx %arg17[%add3A_189, %and3A_13], %exp3A_197 : memref<128x8xf32, #tpu.memory_space<vmem>>[vector<16xi32>, vector<16xi32>], vector<16xf32>,
      %add3A_198 = arith.constant 34 : i32
      %add3A_199 = vector.broadcast %add3A_198 : i32 to vector<16xi32>
      %add3A_200 = arith.addi %shift_right_arithmetic3A_11, %add3A_199 : vector<16xi32>
      %gather3A_201 = tpu.vector_load_idx %arg15[%add3A_200, %and3A_13] : memref<128x8xf32, #tpu.memory_space<vmem>>[vector<16xi32>, vector<16xi32>], vector<16xf32>,
      %gather3A_202 = tpu.vector_load_idx %arg16[%add3A_200, %and3A_13] : memref<128x8xf32, #tpu.memory_space<vmem>>[vector<16xi32>, vector<16xi32>], vector<16xf32>,
      %add3A_203 = arith.addf %gather3A_201, %gather3A_202 : vector<16xf32>
      %mul3A_204 = arith.constant 2.000000e-01 : f32
      %mul3A_205 = vector.broadcast %mul3A_204 : f32 to vector<16xf32>
      %mul3A_206 = arith.mulf %add3A_203, %mul3A_205 : vector<16xf32>
      %max3A_207 = arith.maximumf %add3A_203, %mul3A_206 : vector<16xf32>
      %exp3A_208 = math.exp %max3A_207 : vector<16xf32>
      tpu.vector_store_idx %arg17[%add3A_200, %and3A_13], %exp3A_208 : memref<128x8xf32, #tpu.memory_space<vmem>>[vector<16xi32>, vector<16xi32>], vector<16xf32>,
      %add3A_209 = arith.constant 36 : i32
      %add3A_210 = vector.broadcast %add3A_209 : i32 to vector<16xi32>
      %add3A_211 = arith.addi %shift_right_arithmetic3A_11, %add3A_210 : vector<16xi32>
      %gather3A_212 = tpu.vector_load_idx %arg15[%add3A_211, %and3A_13] : memref<128x8xf32, #tpu.memory_space<vmem>>[vector<16xi32>, vector<16xi32>], vector<16xf32>,
      %gather3A_213 = tpu.vector_load_idx %arg16[%add3A_211, %and3A_13] : memref<128x8xf32, #tpu.memory_space<vmem>>[vector<16xi32>, vector<16xi32>], vector<16xf32>,
      %add3A_214 = arith.addf %gather3A_212, %gather3A_213 : vector<16xf32>
      %mul3A_215 = arith.constant 2.000000e-01 : f32
      %mul3A_216 = vector.broadcast %mul3A_215 : f32 to vector<16xf32>
      %mul3A_217 = arith.mulf %add3A_214, %mul3A_216 : vector<16xf32>
      %max3A_218 = arith.maximumf %add3A_214, %mul3A_217 : vector<16xf32>
      %exp3A_219 = math.exp %max3A_218 : vector<16xf32>
      tpu.vector_store_idx %arg17[%add3A_211, %and3A_13], %exp3A_219 : memref<128x8xf32, #tpu.memory_space<vmem>>[vector<16xi32>, vector<16xi32>], vector<16xf32>,
      %add3A_220 = arith.constant 38 : i32
      %add3A_221 = vector.broadcast %add3A_220 : i32 to vector<16xi32>
      %add3A_222 = arith.addi %shift_right_arithmetic3A_11, %add3A_221 : vector<16xi32>
      %gather3A_223 = tpu.vector_load_idx %arg15[%add3A_222, %and3A_13] : memref<128x8xf32, #tpu.memory_space<vmem>>[vector<16xi32>, vector<16xi32>], vector<16xf32>,
      %gather3A_224 = tpu.vector_load_idx %arg16[%add3A_222, %and3A_13] : memref<128x8xf32, #tpu.memory_space<vmem>>[vector<16xi32>, vector<16xi32>], vector<16xf32>,
      %add3A_225 = arith.addf %gather3A_223, %gather3A_224 : vector<16xf32>
      %mul3A_226 = arith.constant 2.000000e-01 : f32
      %mul3A_227 = vector.broadcast %mul3A_226 : f32 to vector<16xf32>
      %mul3A_228 = arith.mulf %add3A_225, %mul3A_227 : vector<16xf32>
      %max3A_229 = arith.maximumf %add3A_225, %mul3A_228 : vector<16xf32>
      %exp3A_230 = math.exp %max3A_229 : vector<16xf32>
      tpu.vector_store_idx %arg17[%add3A_222, %and3A_13], %exp3A_230 : memref<128x8xf32, #tpu.memory_space<vmem>>[vector<16xi32>, vector<16xi32>], vector<16xf32>,
      %add3A_231 = arith.constant 40 : i32
      %add3A_232 = vector.broadcast %add3A_231 : i32 to vector<16xi32>
      %add3A_233 = arith.addi %shift_right_arithmetic3A_11, %add3A_232 : vector<16xi32>
      %gather3A_234 = tpu.vector_load_idx %arg15[%add3A_233, %and3A_13] : memref<128x8xf32, #tpu.memory_space<vmem>>[vector<16xi32>, vector<16xi32>], vector<16xf32>,
      %gather3A_235 = tpu.vector_load_idx %arg16[%add3A_233, %and3A_13] : memref<128x8xf32, #tpu.memory_space<vmem>>[vector<16xi32>, vector<16xi32>], vector<16xf32>,
      %add3A_236 = arith.addf %gather3A_234, %gather3A_235 : vector<16xf32>
      %mul3A_237 = arith.constant 2.000000e-01 : f32
      %mul3A_238 = vector.broadcast %mul3A_237 : f32 to vector<16xf32>
      %mul3A_239 = arith.mulf %add3A_236, %mul3A_238 : vector<16xf32>
      %max3A_240 = arith.maximumf %add3A_236, %mul3A_239 : vector<16xf32>
      %exp3A_241 = math.exp %max3A_240 : vector<16xf32>
      tpu.vector_store_idx %arg17[%add3A_233, %and3A_13], %exp3A_241 : memref<128x8xf32, #tpu.memory_space<vmem>>[vector<16xi32>, vector<16xi32>], vector<16xf32>,
      %add3A_242 = arith.constant 42 : i32
      %add3A_243 = vector.broadcast %add3A_242 : i32 to vector<16xi32>
      %add3A_244 = arith.addi %shift_right_arithmetic3A_11, %add3A_243 : vector<16xi32>
      %gather3A_245 = tpu.vector_load_idx %arg15[%add3A_244, %and3A_13] : memref<128x8xf32, #tpu.memory_space<vmem>>[vector<16xi32>, vector<16xi32>], vector<16xf32>,
      %gather3A_246 = tpu.vector_load_idx %arg16[%add3A_244, %and3A_13] : memref<128x8xf32, #tpu.memory_space<vmem>>[vector<16xi32>, vector<16xi32>], vector<16xf32>,
      %add3A_247 = arith.addf %gather3A_245, %gather3A_246 : vector<16xf32>
      %mul3A_248 = arith.constant 2.000000e-01 : f32
      %mul3A_249 = vector.broadcast %mul3A_248 : f32 to vector<16xf32>
      %mul3A_250 = arith.mulf %add3A_247, %mul3A_249 : vector<16xf32>
      %max3A_251 = arith.maximumf %add3A_247, %mul3A_250 : vector<16xf32>
      %exp3A_252 = math.exp %max3A_251 : vector<16xf32>
      tpu.vector_store_idx %arg17[%add3A_244, %and3A_13], %exp3A_252 : memref<128x8xf32, #tpu.memory_space<vmem>>[vector<16xi32>, vector<16xi32>], vector<16xf32>,
      %add3A_253 = arith.constant 44 : i32
      %add3A_254 = vector.broadcast %add3A_253 : i32 to vector<16xi32>
      %add3A_255 = arith.addi %shift_right_arithmetic3A_11, %add3A_254 : vector<16xi32>
      %gather3A_256 = tpu.vector_load_idx %arg15[%add3A_255, %and3A_13] : memref<128x8xf32, #tpu.memory_space<vmem>>[vector<16xi32>, vector<16xi32>], vector<16xf32>,
      %gather3A_257 = tpu.vector_load_idx %arg16[%add3A_255, %and3A_13] : memref<128x8xf32, #tpu.memory_space<vmem>>[vector<16xi32>, vector<16xi32>], vector<16xf32>,
      %add3A_258 = arith.addf %gather3A_256, %gather3A_257 : vector<16xf32>
      %mul3A_259 = arith.constant 2.000000e-01 : f32
      %mul3A_260 = vector.broadcast %mul3A_259 : f32 to vector<16xf32>
      %mul3A_261 = arith.mulf %add3A_258, %mul3A_260 : vector<16xf32>
      %max3A_262 = arith.maximumf %add3A_258, %mul3A_261 : vector<16xf32>
      %exp3A_263 = math.exp %max3A_262 : vector<16xf32>
      tpu.vector_store_idx %arg17[%add3A_255, %and3A_13], %exp3A_263 : memref<128x8xf32, #tpu.memory_space<vmem>>[vector<16xi32>, vector<16xi32>], vector<16xf32>,
      %add3A_264 = arith.constant 46 : i32
      %add3A_265 = vector.broadcast %add3A_264 : i32 to vector<16xi32>
      %add3A_266 = arith.addi %shift_right_arithmetic3A_11, %add3A_265 : vector<16xi32>
      %gather3A_267 = tpu.vector_load_idx %arg15[%add3A_266, %and3A_13] : memref<128x8xf32, #tpu.memory_space<vmem>>[vector<16xi32>, vector<16xi32>], vector<16xf32>,
      %gather3A_268 = tpu.vector_load_idx %arg16[%add3A_266, %and3A_13] : memref<128x8xf32, #tpu.memory_space<vmem>>[vector<16xi32>, vector<16xi32>], vector<16xf32>,
      %add3A_269 = arith.addf %gather3A_267, %gather3A_268 : vector<16xf32>
      %mul3A_270 = arith.constant 2.000000e-01 : f32
      %mul3A_271 = vector.broadcast %mul3A_270 : f32 to vector<16xf32>
      %mul3A_272 = arith.mulf %add3A_269, %mul3A_271 : vector<16xf32>
      %max3A_273 = arith.maximumf %add3A_269, %mul3A_272 : vector<16xf32>
      %exp3A_274 = math.exp %max3A_273 : vector<16xf32>
      tpu.vector_store_idx %arg17[%add3A_266, %and3A_13], %exp3A_274 : memref<128x8xf32, #tpu.memory_space<vmem>>[vector<16xi32>, vector<16xi32>], vector<16xf32>,
      %add3A_275 = arith.constant 48 : i32
      %add3A_276 = vector.broadcast %add3A_275 : i32 to vector<16xi32>
      %add3A_277 = arith.addi %shift_right_arithmetic3A_11, %add3A_276 : vector<16xi32>
      %gather3A_278 = tpu.vector_load_idx %arg15[%add3A_277, %and3A_13] : memref<128x8xf32, #tpu.memory_space<vmem>>[vector<16xi32>, vector<16xi32>], vector<16xf32>,
      %gather3A_279 = tpu.vector_load_idx %arg16[%add3A_277, %and3A_13] : memref<128x8xf32, #tpu.memory_space<vmem>>[vector<16xi32>, vector<16xi32>], vector<16xf32>,
      %add3A_280 = arith.addf %gather3A_278, %gather3A_279 : vector<16xf32>
      %mul3A_281 = arith.constant 2.000000e-01 : f32
      %mul3A_282 = vector.broadcast %mul3A_281 : f32 to vector<16xf32>
      %mul3A_283 = arith.mulf %add3A_280, %mul3A_282 : vector<16xf32>
      %max3A_284 = arith.maximumf %add3A_280, %mul3A_283 : vector<16xf32>
      %exp3A_285 = math.exp %max3A_284 : vector<16xf32>
      tpu.vector_store_idx %arg17[%add3A_277, %and3A_13], %exp3A_285 : memref<128x8xf32, #tpu.memory_space<vmem>>[vector<16xi32>, vector<16xi32>], vector<16xf32>,
      %add3A_286 = arith.constant 50 : i32
      %add3A_287 = vector.broadcast %add3A_286 : i32 to vector<16xi32>
      %add3A_288 = arith.addi %shift_right_arithmetic3A_11, %add3A_287 : vector<16xi32>
      %gather3A_289 = tpu.vector_load_idx %arg15[%add3A_288, %and3A_13] : memref<128x8xf32, #tpu.memory_space<vmem>>[vector<16xi32>, vector<16xi32>], vector<16xf32>,
      %gather3A_290 = tpu.vector_load_idx %arg16[%add3A_288, %and3A_13] : memref<128x8xf32, #tpu.memory_space<vmem>>[vector<16xi32>, vector<16xi32>], vector<16xf32>,
      %add3A_291 = arith.addf %gather3A_289, %gather3A_290 : vector<16xf32>
      %mul3A_292 = arith.constant 2.000000e-01 : f32
      %mul3A_293 = vector.broadcast %mul3A_292 : f32 to vector<16xf32>
      %mul3A_294 = arith.mulf %add3A_291, %mul3A_293 : vector<16xf32>
      %max3A_295 = arith.maximumf %add3A_291, %mul3A_294 : vector<16xf32>
      %exp3A_296 = math.exp %max3A_295 : vector<16xf32>
      tpu.vector_store_idx %arg17[%add3A_288, %and3A_13], %exp3A_296 : memref<128x8xf32, #tpu.memory_space<vmem>>[vector<16xi32>, vector<16xi32>], vector<16xf32>,
      %add3A_297 = arith.constant 52 : i32
      %add3A_298 = vector.broadcast %add3A_297 : i32 to vector<16xi32>
      %add3A_299 = arith.addi %shift_right_arithmetic3A_11, %add3A_298 : vector<16xi32>
      %gather3A_300 = tpu.vector_load_idx %arg15[%add3A_299, %and3A_13] : memref<128x8xf32, #tpu.memory_space<vmem>>[vector<16xi32>, vector<16xi32>], vector<16xf32>,
      %gather3A_301 = tpu.vector_load_idx %arg16[%add3A_299, %and3A_13] : memref<128x8xf32, #tpu.memory_space<vmem>>[vector<16xi32>, vector<16xi32>], vector<16xf32>,
      %add3A_302 = arith.addf %gather3A_300, %gather3A_301 : vector<16xf32>
      %mul3A_303 = arith.constant 2.000000e-01 : f32
      %mul3A_304 = vector.broadcast %mul3A_303 : f32 to vector<16xf32>
      %mul3A_305 = arith.mulf %add3A_302, %mul3A_304 : vector<16xf32>
      %max3A_306 = arith.maximumf %add3A_302, %mul3A_305 : vector<16xf32>
      %exp3A_307 = math.exp %max3A_306 : vector<16xf32>
      tpu.vector_store_idx %arg17[%add3A_299, %and3A_13], %exp3A_307 : memref<128x8xf32, #tpu.memory_space<vmem>>[vector<16xi32>, vector<16xi32>], vector<16xf32>,
      %add3A_308 = arith.constant 54 : i32
      %add3A_309 = vector.broadcast %add3A_308 : i32 to vector<16xi32>
      %add3A_310 = arith.addi %shift_right_arithmetic3A_11, %add3A_309 : vector<16xi32>
      %gather3A_311 = tpu.vector_load_idx %arg15[%add3A_310, %and3A_13] : memref<128x8xf32, #tpu.memory_space<vmem>>[vector<16xi32>, vector<16xi32>], vector<16xf32>,
      %gather3A_312 = tpu.vector_load_idx %arg16[%add3A_310, %and3A_13] : memref<128x8xf32, #tpu.memory_space<vmem>>[vector<16xi32>, vector<16xi32>], vector<16xf32>,
      %add3A_313 = arith.addf %gather3A_311, %gather3A_312 : vector<16xf32>
      %mul3A_314 = arith.constant 2.000000e-01 : f32
      %mul3A_315 = vector.broadcast %mul3A_314 : f32 to vector<16xf32>
      %mul3A_316 = arith.mulf %add3A_313, %mul3A_315 : vector<16xf32>
      %max3A_317 = arith.maximumf %add3A_313, %mul3A_316 : vector<16xf32>
      %exp3A_318 = math.exp %max3A_317 : vector<16xf32>
      tpu.vector_store_idx %arg17[%add3A_310, %and3A_13], %exp3A_318 : memref<128x8xf32, #tpu.memory_space<vmem>>[vector<16xi32>, vector<16xi32>], vector<16xf32>,
      %add3A_319 = arith.constant 56 : i32
      %add3A_320 = vector.broadcast %add3A_319 : i32 to vector<16xi32>
      %add3A_321 = arith.addi %shift_right_arithmetic3A_11, %add3A_320 : vector<16xi32>
      %gather3A_322 = tpu.vector_load_idx %arg15[%add3A_321, %and3A_13] : memref<128x8xf32, #tpu.memory_space<vmem>>[vector<16xi32>, vector<16xi32>], vector<16xf32>,
      %gather3A_323 = tpu.vector_load_idx %arg16[%add3A_321, %and3A_13] : memref<128x8xf32, #tpu.memory_space<vmem>>[vector<16xi32>, vector<16xi32>], vector<16xf32>,
      %add3A_324 = arith.addf %gather3A_322, %gather3A_323 : vector<16xf32>
      %mul3A_325 = arith.constant 2.000000e-01 : f32
      %mul3A_326 = vector.broadcast %mul3A_325 : f32 to vector<16xf32>
      %mul3A_327 = arith.mulf %add3A_324, %mul3A_326 : vector<16xf32>
      %max3A_328 = arith.maximumf %add3A_324, %mul3A_327 : vector<16xf32>
      %exp3A_329 = math.exp %max3A_328 : vector<16xf32>
      tpu.vector_store_idx %arg17[%add3A_321, %and3A_13], %exp3A_329 : memref<128x8xf32, #tpu.memory_space<vmem>>[vector<16xi32>, vector<16xi32>], vector<16xf32>,
      %add3A_330 = arith.constant 58 : i32
      %add3A_331 = vector.broadcast %add3A_330 : i32 to vector<16xi32>
      %add3A_332 = arith.addi %shift_right_arithmetic3A_11, %add3A_331 : vector<16xi32>
      %gather3A_333 = tpu.vector_load_idx %arg15[%add3A_332, %and3A_13] : memref<128x8xf32, #tpu.memory_space<vmem>>[vector<16xi32>, vector<16xi32>], vector<16xf32>,
      %gather3A_334 = tpu.vector_load_idx %arg16[%add3A_332, %and3A_13] : memref<128x8xf32, #tpu.memory_space<vmem>>[vector<16xi32>, vector<16xi32>], vector<16xf32>,
      %add3A_335 = arith.addf %gather3A_333, %gather3A_334 : vector<16xf32>
      %mul3A_336 = arith.constant 2.000000e-01 : f32
      %mul3A_337 = vector.broadcast %mul3A_336 : f32 to vector<16xf32>
      %mul3A_338 = arith.mulf %add3A_335, %mul3A_337 : vector<16xf32>
      %max3A_339 = arith.maximumf %add3A_335, %mul3A_338 : vector<16xf32>
      %exp3A_340 = math.exp %max3A_339 : vector<16xf32>
      tpu.vector_store_idx %arg17[%add3A_332, %and3A_13], %exp3A_340 : memref<128x8xf32, #tpu.memory_space<vmem>>[vector<16xi32>, vector<16xi32>], vector<16xf32>,
      %add3A_341 = arith.constant 60 : i32
      %add3A_342 = vector.broadcast %add3A_341 : i32 to vector<16xi32>
      %add3A_343 = arith.addi %shift_right_arithmetic3A_11, %add3A_342 : vector<16xi32>
      %gather3A_344 = tpu.vector_load_idx %arg15[%add3A_343, %and3A_13] : memref<128x8xf32, #tpu.memory_space<vmem>>[vector<16xi32>, vector<16xi32>], vector<16xf32>,
      %gather3A_345 = tpu.vector_load_idx %arg16[%add3A_343, %and3A_13] : memref<128x8xf32, #tpu.memory_space<vmem>>[vector<16xi32>, vector<16xi32>], vector<16xf32>,
      %add3A_346 = arith.addf %gather3A_344, %gather3A_345 : vector<16xf32>
      %mul3A_347 = arith.constant 2.000000e-01 : f32
      %mul3A_348 = vector.broadcast %mul3A_347 : f32 to vector<16xf32>
      %mul3A_349 = arith.mulf %add3A_346, %mul3A_348 : vector<16xf32>
      %max3A_350 = arith.maximumf %add3A_346, %mul3A_349 : vector<16xf32>
      %exp3A_351 = math.exp %max3A_350 : vector<16xf32>
      tpu.vector_store_idx %arg17[%add3A_343, %and3A_13], %exp3A_351 : memref<128x8xf32, #tpu.memory_space<vmem>>[vector<16xi32>, vector<16xi32>], vector<16xf32>,
      %add3A_352 = arith.constant 62 : i32
      %add3A_353 = vector.broadcast %add3A_352 : i32 to vector<16xi32>
      %add3A_354 = arith.addi %shift_right_arithmetic3A_11, %add3A_353 : vector<16xi32>
      %gather3A_355 = tpu.vector_load_idx %arg15[%add3A_354, %and3A_13] : memref<128x8xf32, #tpu.memory_space<vmem>>[vector<16xi32>, vector<16xi32>], vector<16xf32>,
      %gather3A_356 = tpu.vector_load_idx %arg16[%add3A_354, %and3A_13] : memref<128x8xf32, #tpu.memory_space<vmem>>[vector<16xi32>, vector<16xi32>], vector<16xf32>,
      %add3A_357 = arith.addf %gather3A_355, %gather3A_356 : vector<16xf32>
      %mul3A_358 = arith.constant 2.000000e-01 : f32
      %mul3A_359 = vector.broadcast %mul3A_358 : f32 to vector<16xf32>
      %mul3A_360 = arith.mulf %add3A_357, %mul3A_359 : vector<16xf32>
      %max3A_361 = arith.maximumf %add3A_357, %mul3A_360 : vector<16xf32>
      %exp3A_362 = math.exp %max3A_361 : vector<16xf32>
      tpu.vector_store_idx %arg17[%add3A_354, %and3A_13], %exp3A_362 : memref<128x8xf32, #tpu.memory_space<vmem>>[vector<16xi32>, vector<16xi32>], vector<16xf32>,
      %add3A_363 = arith.constant 64 : i32
      %add3A_364 = vector.broadcast %add3A_363 : i32 to vector<16xi32>
      %add3A_365 = arith.addi %shift_right_arithmetic3A_11, %add3A_364 : vector<16xi32>
      %gather3A_366 = tpu.vector_load_idx %arg15[%add3A_365, %and3A_13] : memref<128x8xf32, #tpu.memory_space<vmem>>[vector<16xi32>, vector<16xi32>], vector<16xf32>,
      %gather3A_367 = tpu.vector_load_idx %arg16[%add3A_365, %and3A_13] : memref<128x8xf32, #tpu.memory_space<vmem>>[vector<16xi32>, vector<16xi32>], vector<16xf32>,
      %add3A_368 = arith.addf %gather3A_366, %gather3A_367 : vector<16xf32>
      %mul3A_369 = arith.constant 2.000000e-01 : f32
      %mul3A_370 = vector.broadcast %mul3A_369 : f32 to vector<16xf32>
      %mul3A_371 = arith.mulf %add3A_368, %mul3A_370 : vector<16xf32>
      %max3A_372 = arith.maximumf %add3A_368, %mul3A_371 : vector<16xf32>
      %exp3A_373 = math.exp %max3A_372 : vector<16xf32>
      tpu.vector_store_idx %arg17[%add3A_365, %and3A_13], %exp3A_373 : memref<128x8xf32, #tpu.memory_space<vmem>>[vector<16xi32>, vector<16xi32>], vector<16xf32>,
      %add3A_374 = arith.constant 66 : i32
      %add3A_375 = vector.broadcast %add3A_374 : i32 to vector<16xi32>
      %add3A_376 = arith.addi %shift_right_arithmetic3A_11, %add3A_375 : vector<16xi32>
      %gather3A_377 = tpu.vector_load_idx %arg15[%add3A_376, %and3A_13] : memref<128x8xf32, #tpu.memory_space<vmem>>[vector<16xi32>, vector<16xi32>], vector<16xf32>,
      %gather3A_378 = tpu.vector_load_idx %arg16[%add3A_376, %and3A_13] : memref<128x8xf32, #tpu.memory_space<vmem>>[vector<16xi32>, vector<16xi32>], vector<16xf32>,
      %add3A_379 = arith.addf %gather3A_377, %gather3A_378 : vector<16xf32>
      %mul3A_380 = arith.constant 2.000000e-01 : f32
      %mul3A_381 = vector.broadcast %mul3A_380 : f32 to vector<16xf32>
      %mul3A_382 = arith.mulf %add3A_379, %mul3A_381 : vector<16xf32>
      %max3A_383 = arith.maximumf %add3A_379, %mul3A_382 : vector<16xf32>
      %exp3A_384 = math.exp %max3A_383 : vector<16xf32>
      tpu.vector_store_idx %arg17[%add3A_376, %and3A_13], %exp3A_384 : memref<128x8xf32, #tpu.memory_space<vmem>>[vector<16xi32>, vector<16xi32>], vector<16xf32>,
      %add3A_385 = arith.constant 68 : i32
      %add3A_386 = vector.broadcast %add3A_385 : i32 to vector<16xi32>
      %add3A_387 = arith.addi %shift_right_arithmetic3A_11, %add3A_386 : vector<16xi32>
      %gather3A_388 = tpu.vector_load_idx %arg15[%add3A_387, %and3A_13] : memref<128x8xf32, #tpu.memory_space<vmem>>[vector<16xi32>, vector<16xi32>], vector<16xf32>,
      %gather3A_389 = tpu.vector_load_idx %arg16[%add3A_387, %and3A_13] : memref<128x8xf32, #tpu.memory_space<vmem>>[vector<16xi32>, vector<16xi32>], vector<16xf32>,
      %add3A_390 = arith.addf %gather3A_388, %gather3A_389 : vector<16xf32>
      %mul3A_391 = arith.constant 2.000000e-01 : f32
      %mul3A_392 = vector.broadcast %mul3A_391 : f32 to vector<16xf32>
      %mul3A_393 = arith.mulf %add3A_390, %mul3A_392 : vector<16xf32>
      %max3A_394 = arith.maximumf %add3A_390, %mul3A_393 : vector<16xf32>
      %exp3A_395 = math.exp %max3A_394 : vector<16xf32>
      tpu.vector_store_idx %arg17[%add3A_387, %and3A_13], %exp3A_395 : memref<128x8xf32, #tpu.memory_space<vmem>>[vector<16xi32>, vector<16xi32>], vector<16xf32>,
      %add3A_396 = arith.constant 70 : i32
      %add3A_397 = vector.broadcast %add3A_396 : i32 to vector<16xi32>
      %add3A_398 = arith.addi %shift_right_arithmetic3A_11, %add3A_397 : vector<16xi32>
      %gather3A_399 = tpu.vector_load_idx %arg15[%add3A_398, %and3A_13] : memref<128x8xf32, #tpu.memory_space<vmem>>[vector<16xi32>, vector<16xi32>], vector<16xf32>,
      %gather3A_400 = tpu.vector_load_idx %arg16[%add3A_398, %and3A_13] : memref<128x8xf32, #tpu.memory_space<vmem>>[vector<16xi32>, vector<16xi32>], vector<16xf32>,
      %add3A_401 = arith.addf %gather3A_399, %gather3A_400 : vector<16xf32>
      %mul3A_402 = arith.constant 2.000000e-01 : f32
      %mul3A_403 = vector.broadcast %mul3A_402 : f32 to vector<16xf32>
      %mul3A_404 = arith.mulf %add3A_401, %mul3A_403 : vector<16xf32>
      %max3A_405 = arith.maximumf %add3A_401, %mul3A_404 : vector<16xf32>
      %exp3A_406 = math.exp %max3A_405 : vector<16xf32>
      tpu.vector_store_idx %arg17[%add3A_398, %and3A_13], %exp3A_406 : memref<128x8xf32, #tpu.memory_space<vmem>>[vector<16xi32>, vector<16xi32>], vector<16xf32>,
      %add3A_407 = arith.constant 72 : i32
      %add3A_408 = vector.broadcast %add3A_407 : i32 to vector<16xi32>
      %add3A_409 = arith.addi %shift_right_arithmetic3A_11, %add3A_408 : vector<16xi32>
      %gather3A_410 = tpu.vector_load_idx %arg15[%add3A_409, %and3A_13] : memref<128x8xf32, #tpu.memory_space<vmem>>[vector<16xi32>, vector<16xi32>], vector<16xf32>,
      %gather3A_411 = tpu.vector_load_idx %arg16[%add3A_409, %and3A_13] : memref<128x8xf32, #tpu.memory_space<vmem>>[vector<16xi32>, vector<16xi32>], vector<16xf32>,
      %add3A_412 = arith.addf %gather3A_410, %gather3A_411 : vector<16xf32>
      %mul3A_413 = arith.constant 2.000000e-01 : f32
      %mul3A_414 = vector.broadcast %mul3A_413 : f32 to vector<16xf32>
      %mul3A_415 = arith.mulf %add3A_412, %mul3A_414 : vector<16xf32>
      %max3A_416 = arith.maximumf %add3A_412, %mul3A_415 : vector<16xf32>
      %exp3A_417 = math.exp %max3A_416 : vector<16xf32>
      tpu.vector_store_idx %arg17[%add3A_409, %and3A_13], %exp3A_417 : memref<128x8xf32, #tpu.memory_space<vmem>>[vector<16xi32>, vector<16xi32>], vector<16xf32>,
      %add3A_418 = arith.constant 74 : i32
      %add3A_419 = vector.broadcast %add3A_418 : i32 to vector<16xi32>
      %add3A_420 = arith.addi %shift_right_arithmetic3A_11, %add3A_419 : vector<16xi32>
      %gather3A_421 = tpu.vector_load_idx %arg15[%add3A_420, %and3A_13] : memref<128x8xf32, #tpu.memory_space<vmem>>[vector<16xi32>, vector<16xi32>], vector<16xf32>,
      %gather3A_422 = tpu.vector_load_idx %arg16[%add3A_420, %and3A_13] : memref<128x8xf32, #tpu.memory_space<vmem>>[vector<16xi32>, vector<16xi32>], vector<16xf32>,
      %add3A_423 = arith.addf %gather3A_421, %gather3A_422 : vector<16xf32>
      %mul3A_424 = arith.constant 2.000000e-01 : f32
      %mul3A_425 = vector.broadcast %mul3A_424 : f32 to vector<16xf32>
      %mul3A_426 = arith.mulf %add3A_423, %mul3A_425 : vector<16xf32>
      %max3A_427 = arith.maximumf %add3A_423, %mul3A_426 : vector<16xf32>
      %exp3A_428 = math.exp %max3A_427 : vector<16xf32>
      tpu.vector_store_idx %arg17[%add3A_420, %and3A_13], %exp3A_428 : memref<128x8xf32, #tpu.memory_space<vmem>>[vector<16xi32>, vector<16xi32>], vector<16xf32>,
      %add3A_429 = arith.constant 76 : i32
      %add3A_430 = vector.broadcast %add3A_429 : i32 to vector<16xi32>
      %add3A_431 = arith.addi %shift_right_arithmetic3A_11, %add3A_430 : vector<16xi32>
      %gather3A_432 = tpu.vector_load_idx %arg15[%add3A_431, %and3A_13] : memref<128x8xf32, #tpu.memory_space<vmem>>[vector<16xi32>, vector<16xi32>], vector<16xf32>,
      %gather3A_433 = tpu.vector_load_idx %arg16[%add3A_431, %and3A_13] : memref<128x8xf32, #tpu.memory_space<vmem>>[vector<16xi32>, vector<16xi32>], vector<16xf32>,
      %add3A_434 = arith.addf %gather3A_432, %gather3A_433 : vector<16xf32>
      %mul3A_435 = arith.constant 2.000000e-01 : f32
      %mul3A_436 = vector.broadcast %mul3A_435 : f32 to vector<16xf32>
      %mul3A_437 = arith.mulf %add3A_434, %mul3A_436 : vector<16xf32>
      %max3A_438 = arith.maximumf %add3A_434, %mul3A_437 : vector<16xf32>
      %exp3A_439 = math.exp %max3A_438 : vector<16xf32>
      tpu.vector_store_idx %arg17[%add3A_431, %and3A_13], %exp3A_439 : memref<128x8xf32, #tpu.memory_space<vmem>>[vector<16xi32>, vector<16xi32>], vector<16xf32>,
      %add3A_440 = arith.constant 78 : i32
      %add3A_441 = vector.broadcast %add3A_440 : i32 to vector<16xi32>
      %add3A_442 = arith.addi %shift_right_arithmetic3A_11, %add3A_441 : vector<16xi32>
      %gather3A_443 = tpu.vector_load_idx %arg15[%add3A_442, %and3A_13] : memref<128x8xf32, #tpu.memory_space<vmem>>[vector<16xi32>, vector<16xi32>], vector<16xf32>,
      %gather3A_444 = tpu.vector_load_idx %arg16[%add3A_442, %and3A_13] : memref<128x8xf32, #tpu.memory_space<vmem>>[vector<16xi32>, vector<16xi32>], vector<16xf32>,
      %add3A_445 = arith.addf %gather3A_443, %gather3A_444 : vector<16xf32>
      %mul3A_446 = arith.constant 2.000000e-01 : f32
      %mul3A_447 = vector.broadcast %mul3A_446 : f32 to vector<16xf32>
      %mul3A_448 = arith.mulf %add3A_445, %mul3A_447 : vector<16xf32>
      %max3A_449 = arith.maximumf %add3A_445, %mul3A_448 : vector<16xf32>
      %exp3A_450 = math.exp %max3A_449 : vector<16xf32>
      tpu.vector_store_idx %arg17[%add3A_442, %and3A_13], %exp3A_450 : memref<128x8xf32, #tpu.memory_space<vmem>>[vector<16xi32>, vector<16xi32>], vector<16xf32>,
      %add3A_451 = arith.constant 80 : i32
      %add3A_452 = vector.broadcast %add3A_451 : i32 to vector<16xi32>
      %add3A_453 = arith.addi %shift_right_arithmetic3A_11, %add3A_452 : vector<16xi32>
      %gather3A_454 = tpu.vector_load_idx %arg15[%add3A_453, %and3A_13] : memref<128x8xf32, #tpu.memory_space<vmem>>[vector<16xi32>, vector<16xi32>], vector<16xf32>,
      %gather3A_455 = tpu.vector_load_idx %arg16[%add3A_453, %and3A_13] : memref<128x8xf32, #tpu.memory_space<vmem>>[vector<16xi32>, vector<16xi32>], vector<16xf32>,
      %add3A_456 = arith.addf %gather3A_454, %gather3A_455 : vector<16xf32>
      %mul3A_457 = arith.constant 2.000000e-01 : f32
      %mul3A_458 = vector.broadcast %mul3A_457 : f32 to vector<16xf32>
      %mul3A_459 = arith.mulf %add3A_456, %mul3A_458 : vector<16xf32>
      %max3A_460 = arith.maximumf %add3A_456, %mul3A_459 : vector<16xf32>
      %exp3A_461 = math.exp %max3A_460 : vector<16xf32>
      tpu.vector_store_idx %arg17[%add3A_453, %and3A_13], %exp3A_461 : memref<128x8xf32, #tpu.memory_space<vmem>>[vector<16xi32>, vector<16xi32>], vector<16xf32>,
      %add3A_462 = arith.constant 82 : i32
      %add3A_463 = vector.broadcast %add3A_462 : i32 to vector<16xi32>
      %add3A_464 = arith.addi %shift_right_arithmetic3A_11, %add3A_463 : vector<16xi32>
      %gather3A_465 = tpu.vector_load_idx %arg15[%add3A_464, %and3A_13] : memref<128x8xf32, #tpu.memory_space<vmem>>[vector<16xi32>, vector<16xi32>], vector<16xf32>,
      %gather3A_466 = tpu.vector_load_idx %arg16[%add3A_464, %and3A_13] : memref<128x8xf32, #tpu.memory_space<vmem>>[vector<16xi32>, vector<16xi32>], vector<16xf32>,
      %add3A_467 = arith.addf %gather3A_465, %gather3A_466 : vector<16xf32>
      %mul3A_468 = arith.constant 2.000000e-01 : f32
      %mul3A_469 = vector.broadcast %mul3A_468 : f32 to vector<16xf32>
      %mul3A_470 = arith.mulf %add3A_467, %mul3A_469 : vector<16xf32>
      %max3A_471 = arith.maximumf %add3A_467, %mul3A_470 : vector<16xf32>
      %exp3A_472 = math.exp %max3A_471 : vector<16xf32>
      tpu.vector_store_idx %arg17[%add3A_464, %and3A_13], %exp3A_472 : memref<128x8xf32, #tpu.memory_space<vmem>>[vector<16xi32>, vector<16xi32>], vector<16xf32>,
      %add3A_473 = arith.constant 84 : i32
      %add3A_474 = vector.broadcast %add3A_473 : i32 to vector<16xi32>
      %add3A_475 = arith.addi %shift_right_arithmetic3A_11, %add3A_474 : vector<16xi32>
      %gather3A_476 = tpu.vector_load_idx %arg15[%add3A_475, %and3A_13] : memref<128x8xf32, #tpu.memory_space<vmem>>[vector<16xi32>, vector<16xi32>], vector<16xf32>,
      %gather3A_477 = tpu.vector_load_idx %arg16[%add3A_475, %and3A_13] : memref<128x8xf32, #tpu.memory_space<vmem>>[vector<16xi32>, vector<16xi32>], vector<16xf32>,
      %add3A_478 = arith.addf %gather3A_476, %gather3A_477 : vector<16xf32>
      %mul3A_479 = arith.constant 2.000000e-01 : f32
      %mul3A_480 = vector.broadcast %mul3A_479 : f32 to vector<16xf32>
      %mul3A_481 = arith.mulf %add3A_478, %mul3A_480 : vector<16xf32>
      %max3A_482 = arith.maximumf %add3A_478, %mul3A_481 : vector<16xf32>
      %exp3A_483 = math.exp %max3A_482 : vector<16xf32>
      tpu.vector_store_idx %arg17[%add3A_475, %and3A_13], %exp3A_483 : memref<128x8xf32, #tpu.memory_space<vmem>>[vector<16xi32>, vector<16xi32>], vector<16xf32>,
      %add3A_484 = arith.constant 86 : i32
      %add3A_485 = vector.broadcast %add3A_484 : i32 to vector<16xi32>
      %add3A_486 = arith.addi %shift_right_arithmetic3A_11, %add3A_485 : vector<16xi32>
      %gather3A_487 = tpu.vector_load_idx %arg15[%add3A_486, %and3A_13] : memref<128x8xf32, #tpu.memory_space<vmem>>[vector<16xi32>, vector<16xi32>], vector<16xf32>,
      %gather3A_488 = tpu.vector_load_idx %arg16[%add3A_486, %and3A_13] : memref<128x8xf32, #tpu.memory_space<vmem>>[vector<16xi32>, vector<16xi32>], vector<16xf32>,
      %add3A_489 = arith.addf %gather3A_487, %gather3A_488 : vector<16xf32>
      %mul3A_490 = arith.constant 2.000000e-01 : f32
      %mul3A_491 = vector.broadcast %mul3A_490 : f32 to vector<16xf32>
      %mul3A_492 = arith.mulf %add3A_489, %mul3A_491 : vector<16xf32>
      %max3A_493 = arith.maximumf %add3A_489, %mul3A_492 : vector<16xf32>
      %exp3A_494 = math.exp %max3A_493 : vector<16xf32>
      tpu.vector_store_idx %arg17[%add3A_486, %and3A_13], %exp3A_494 : memref<128x8xf32, #tpu.memory_space<vmem>>[vector<16xi32>, vector<16xi32>], vector<16xf32>,
      %add3A_495 = arith.constant 88 : i32
      %add3A_496 = vector.broadcast %add3A_495 : i32 to vector<16xi32>
      %add3A_497 = arith.addi %shift_right_arithmetic3A_11, %add3A_496 : vector<16xi32>
      %gather3A_498 = tpu.vector_load_idx %arg15[%add3A_497, %and3A_13] : memref<128x8xf32, #tpu.memory_space<vmem>>[vector<16xi32>, vector<16xi32>], vector<16xf32>,
      %gather3A_499 = tpu.vector_load_idx %arg16[%add3A_497, %and3A_13] : memref<128x8xf32, #tpu.memory_space<vmem>>[vector<16xi32>, vector<16xi32>], vector<16xf32>,
      %add3A_500 = arith.addf %gather3A_498, %gather3A_499 : vector<16xf32>
      %mul3A_501 = arith.constant 2.000000e-01 : f32
      %mul3A_502 = vector.broadcast %mul3A_501 : f32 to vector<16xf32>
      %mul3A_503 = arith.mulf %add3A_500, %mul3A_502 : vector<16xf32>
      %max3A_504 = arith.maximumf %add3A_500, %mul3A_503 : vector<16xf32>
      %exp3A_505 = math.exp %max3A_504 : vector<16xf32>
      tpu.vector_store_idx %arg17[%add3A_497, %and3A_13], %exp3A_505 : memref<128x8xf32, #tpu.memory_space<vmem>>[vector<16xi32>, vector<16xi32>], vector<16xf32>,
      %add3A_506 = arith.constant 90 : i32
      %add3A_507 = vector.broadcast %add3A_506 : i32 to vector<16xi32>
      %add3A_508 = arith.addi %shift_right_arithmetic3A_11, %add3A_507 : vector<16xi32>
      %gather3A_509 = tpu.vector_load_idx %arg15[%add3A_508, %and3A_13] : memref<128x8xf32, #tpu.memory_space<vmem>>[vector<16xi32>, vector<16xi32>], vector<16xf32>,
      %gather3A_510 = tpu.vector_load_idx %arg16[%add3A_508, %and3A_13] : memref<128x8xf32, #tpu.memory_space<vmem>>[vector<16xi32>, vector<16xi32>], vector<16xf32>,
      %add3A_511 = arith.addf %gather3A_509, %gather3A_510 : vector<16xf32>
      %mul3A_512 = arith.constant 2.000000e-01 : f32
      %mul3A_513 = vector.broadcast %mul3A_512 : f32 to vector<16xf32>
      %mul3A_514 = arith.mulf %add3A_511, %mul3A_513 : vector<16xf32>
      %max3A_515 = arith.maximumf %add3A_511, %mul3A_514 : vector<16xf32>
      %exp3A_516 = math.exp %max3A_515 : vector<16xf32>
      tpu.vector_store_idx %arg17[%add3A_508, %and3A_13], %exp3A_516 : memref<128x8xf32, #tpu.memory_space<vmem>>[vector<16xi32>, vector<16xi32>], vector<16xf32>,
      %add3A_517 = arith.constant 92 : i32
      %add3A_518 = vector.broadcast %add3A_517 : i32 to vector<16xi32>
      %add3A_519 = arith.addi %shift_right_arithmetic3A_11, %add3A_518 : vector<16xi32>
      %gather3A_520 = tpu.vector_load_idx %arg15[%add3A_519, %and3A_13] : memref<128x8xf32, #tpu.memory_space<vmem>>[vector<16xi32>, vector<16xi32>], vector<16xf32>,
      %gather3A_521 = tpu.vector_load_idx %arg16[%add3A_519, %and3A_13] : memref<128x8xf32, #tpu.memory_space<vmem>>[vector<16xi32>, vector<16xi32>], vector<16xf32>,
      %add3A_522 = arith.addf %gather3A_520, %gather3A_521 : vector<16xf32>
      %mul3A_523 = arith.constant 2.000000e-01 : f32
      %mul3A_524 = vector.broadcast %mul3A_523 : f32 to vector<16xf32>
      %mul3A_525 = arith.mulf %add3A_522, %mul3A_524 : vector<16xf32>
      %max3A_526 = arith.maximumf %add3A_522, %mul3A_525 : vector<16xf32>
      %exp3A_527 = math.exp %max3A_526 : vector<16xf32>
      tpu.vector_store_idx %arg17[%add3A_519, %and3A_13], %exp3A_527 : memref<128x8xf32, #tpu.memory_space<vmem>>[vector<16xi32>, vector<16xi32>], vector<16xf32>,
      %add3A_528 = arith.constant 94 : i32
      %add3A_529 = vector.broadcast %add3A_528 : i32 to vector<16xi32>
      %add3A_530 = arith.addi %shift_right_arithmetic3A_11, %add3A_529 : vector<16xi32>
      %gather3A_531 = tpu.vector_load_idx %arg15[%add3A_530, %and3A_13] : memref<128x8xf32, #tpu.memory_space<vmem>>[vector<16xi32>, vector<16xi32>], vector<16xf32>,
      %gather3A_532 = tpu.vector_load_idx %arg16[%add3A_530, %and3A_13] : memref<128x8xf32, #tpu.memory_space<vmem>>[vector<16xi32>, vector<16xi32>], vector<16xf32>,
      %add3A_533 = arith.addf %gather3A_531, %gather3A_532 : vector<16xf32>
      %mul3A_534 = arith.constant 2.000000e-01 : f32
      %mul3A_535 = vector.broadcast %mul3A_534 : f32 to vector<16xf32>
      %mul3A_536 = arith.mulf %add3A_533, %mul3A_535 : vector<16xf32>
      %max3A_537 = arith.maximumf %add3A_533, %mul3A_536 : vector<16xf32>
      %exp3A_538 = math.exp %max3A_537 : vector<16xf32>
      tpu.vector_store_idx %arg17[%add3A_530, %and3A_13], %exp3A_538 : memref<128x8xf32, #tpu.memory_space<vmem>>[vector<16xi32>, vector<16xi32>], vector<16xf32>,
      %add3A_539 = arith.constant 96 : i32
      %add3A_540 = vector.broadcast %add3A_539 : i32 to vector<16xi32>
      %add3A_541 = arith.addi %shift_right_arithmetic3A_11, %add3A_540 : vector<16xi32>
      %gather3A_542 = tpu.vector_load_idx %arg15[%add3A_541, %and3A_13] : memref<128x8xf32, #tpu.memory_space<vmem>>[vector<16xi32>, vector<16xi32>], vector<16xf32>,
      %gather3A_543 = tpu.vector_load_idx %arg16[%add3A_541, %and3A_13] : memref<128x8xf32, #tpu.memory_space<vmem>>[vector<16xi32>, vector<16xi32>], vector<16xf32>,
      %add3A_544 = arith.addf %gather3A_542, %gather3A_543 : vector<16xf32>
      %mul3A_545 = arith.constant 2.000000e-01 : f32
      %mul3A_546 = vector.broadcast %mul3A_545 : f32 to vector<16xf32>
      %mul3A_547 = arith.mulf %add3A_544, %mul3A_546 : vector<16xf32>
      %max3A_548 = arith.maximumf %add3A_544, %mul3A_547 : vector<16xf32>
      %exp3A_549 = math.exp %max3A_548 : vector<16xf32>
      tpu.vector_store_idx %arg17[%add3A_541, %and3A_13], %exp3A_549 : memref<128x8xf32, #tpu.memory_space<vmem>>[vector<16xi32>, vector<16xi32>], vector<16xf32>,
      %add3A_550 = arith.constant 98 : i32
      %add3A_551 = vector.broadcast %add3A_550 : i32 to vector<16xi32>
      %add3A_552 = arith.addi %shift_right_arithmetic3A_11, %add3A_551 : vector<16xi32>
      %gather3A_553 = tpu.vector_load_idx %arg15[%add3A_552, %and3A_13] : memref<128x8xf32, #tpu.memory_space<vmem>>[vector<16xi32>, vector<16xi32>], vector<16xf32>,
      %gather3A_554 = tpu.vector_load_idx %arg16[%add3A_552, %and3A_13] : memref<128x8xf32, #tpu.memory_space<vmem>>[vector<16xi32>, vector<16xi32>], vector<16xf32>,
      %add3A_555 = arith.addf %gather3A_553, %gather3A_554 : vector<16xf32>
      %mul3A_556 = arith.constant 2.000000e-01 : f32
      %mul3A_557 = vector.broadcast %mul3A_556 : f32 to vector<16xf32>
      %mul3A_558 = arith.mulf %add3A_555, %mul3A_557 : vector<16xf32>
      %max3A_559 = arith.maximumf %add3A_555, %mul3A_558 : vector<16xf32>
      %exp3A_560 = math.exp %max3A_559 : vector<16xf32>
      tpu.vector_store_idx %arg17[%add3A_552, %and3A_13], %exp3A_560 : memref<128x8xf32, #tpu.memory_space<vmem>>[vector<16xi32>, vector<16xi32>], vector<16xf32>,
      %add3A_561 = arith.constant 100 : i32
      %add3A_562 = vector.broadcast %add3A_561 : i32 to vector<16xi32>
      %add3A_563 = arith.addi %shift_right_arithmetic3A_11, %add3A_562 : vector<16xi32>
      %gather3A_564 = tpu.vector_load_idx %arg15[%add3A_563, %and3A_13] : memref<128x8xf32, #tpu.memory_space<vmem>>[vector<16xi32>, vector<16xi32>], vector<16xf32>,
      %gather3A_565 = tpu.vector_load_idx %arg16[%add3A_563, %and3A_13] : memref<128x8xf32, #tpu.memory_space<vmem>>[vector<16xi32>, vector<16xi32>], vector<16xf32>,
      %add3A_566 = arith.addf %gather3A_564, %gather3A_565 : vector<16xf32>
      %mul3A_567 = arith.constant 2.000000e-01 : f32
      %mul3A_568 = vector.broadcast %mul3A_567 : f32 to vector<16xf32>
      %mul3A_569 = arith.mulf %add3A_566, %mul3A_568 : vector<16xf32>
      %max3A_570 = arith.maximumf %add3A_566, %mul3A_569 : vector<16xf32>
      %exp3A_571 = math.exp %max3A_570 : vector<16xf32>
      tpu.vector_store_idx %arg17[%add3A_563, %and3A_13], %exp3A_571 : memref<128x8xf32, #tpu.memory_space<vmem>>[vector<16xi32>, vector<16xi32>], vector<16xf32>,
      %add3A_572 = arith.constant 102 : i32
      %add3A_573 = vector.broadcast %add3A_572 : i32 to vector<16xi32>
      %add3A_574 = arith.addi %shift_right_arithmetic3A_11, %add3A_573 : vector<16xi32>
      %gather3A_575 = tpu.vector_load_idx %arg15[%add3A_574, %and3A_13] : memref<128x8xf32, #tpu.memory_space<vmem>>[vector<16xi32>, vector<16xi32>], vector<16xf32>,
      %gather3A_576 = tpu.vector_load_idx %arg16[%add3A_574, %and3A_13] : memref<128x8xf32, #tpu.memory_space<vmem>>[vector<16xi32>, vector<16xi32>], vector<16xf32>,
      %add3A_577 = arith.addf %gather3A_575, %gather3A_576 : vector<16xf32>
      %mul3A_578 = arith.constant 2.000000e-01 : f32
      %mul3A_579 = vector.broadcast %mul3A_578 : f32 to vector<16xf32>
      %mul3A_580 = arith.mulf %add3A_577, %mul3A_579 : vector<16xf32>
      %max3A_581 = arith.maximumf %add3A_577, %mul3A_580 : vector<16xf32>
      %exp3A_582 = math.exp %max3A_581 : vector<16xf32>
      tpu.vector_store_idx %arg17[%add3A_574, %and3A_13], %exp3A_582 : memref<128x8xf32, #tpu.memory_space<vmem>>[vector<16xi32>, vector<16xi32>], vector<16xf32>,
      %add3A_583 = arith.constant 104 : i32
      %add3A_584 = vector.broadcast %add3A_583 : i32 to vector<16xi32>
      %add3A_585 = arith.addi %shift_right_arithmetic3A_11, %add3A_584 : vector<16xi32>
      %gather3A_586 = tpu.vector_load_idx %arg15[%add3A_585, %and3A_13] : memref<128x8xf32, #tpu.memory_space<vmem>>[vector<16xi32>, vector<16xi32>], vector<16xf32>,
      %gather3A_587 = tpu.vector_load_idx %arg16[%add3A_585, %and3A_13] : memref<128x8xf32, #tpu.memory_space<vmem>>[vector<16xi32>, vector<16xi32>], vector<16xf32>,
      %add3A_588 = arith.addf %gather3A_586, %gather3A_587 : vector<16xf32>
      %mul3A_589 = arith.constant 2.000000e-01 : f32
      %mul3A_590 = vector.broadcast %mul3A_589 : f32 to vector<16xf32>
      %mul3A_591 = arith.mulf %add3A_588, %mul3A_590 : vector<16xf32>
      %max3A_592 = arith.maximumf %add3A_588, %mul3A_591 : vector<16xf32>
      %exp3A_593 = math.exp %max3A_592 : vector<16xf32>
      tpu.vector_store_idx %arg17[%add3A_585, %and3A_13], %exp3A_593 : memref<128x8xf32, #tpu.memory_space<vmem>>[vector<16xi32>, vector<16xi32>], vector<16xf32>,
      %add3A_594 = arith.constant 106 : i32
      %add3A_595 = vector.broadcast %add3A_594 : i32 to vector<16xi32>
      %add3A_596 = arith.addi %shift_right_arithmetic3A_11, %add3A_595 : vector<16xi32>
      %gather3A_597 = tpu.vector_load_idx %arg15[%add3A_596, %and3A_13] : memref<128x8xf32, #tpu.memory_space<vmem>>[vector<16xi32>, vector<16xi32>], vector<16xf32>,
      %gather3A_598 = tpu.vector_load_idx %arg16[%add3A_596, %and3A_13] : memref<128x8xf32, #tpu.memory_space<vmem>>[vector<16xi32>, vector<16xi32>], vector<16xf32>,
      %add3A_599 = arith.addf %gather3A_597, %gather3A_598 : vector<16xf32>
      %mul3A_600 = arith.constant 2.000000e-01 : f32
      %mul3A_601 = vector.broadcast %mul3A_600 : f32 to vector<16xf32>
      %mul3A_602 = arith.mulf %add3A_599, %mul3A_601 : vector<16xf32>
      %max3A_603 = arith.maximumf %add3A_599, %mul3A_602 : vector<16xf32>
      %exp3A_604 = math.exp %max3A_603 : vector<16xf32>
      tpu.vector_store_idx %arg17[%add3A_596, %and3A_13], %exp3A_604 : memref<128x8xf32, #tpu.memory_space<vmem>>[vector<16xi32>, vector<16xi32>], vector<16xf32>,
      %add3A_605 = arith.constant 108 : i32
      %add3A_606 = vector.broadcast %add3A_605 : i32 to vector<16xi32>
      %add3A_607 = arith.addi %shift_right_arithmetic3A_11, %add3A_606 : vector<16xi32>
      %gather3A_608 = tpu.vector_load_idx %arg15[%add3A_607, %and3A_13] : memref<128x8xf32, #tpu.memory_space<vmem>>[vector<16xi32>, vector<16xi32>], vector<16xf32>,
      %gather3A_609 = tpu.vector_load_idx %arg16[%add3A_607, %and3A_13] : memref<128x8xf32, #tpu.memory_space<vmem>>[vector<16xi32>, vector<16xi32>], vector<16xf32>,
      %add3A_610 = arith.addf %gather3A_608, %gather3A_609 : vector<16xf32>
      %mul3A_611 = arith.constant 2.000000e-01 : f32
      %mul3A_612 = vector.broadcast %mul3A_611 : f32 to vector<16xf32>
      %mul3A_613 = arith.mulf %add3A_610, %mul3A_612 : vector<16xf32>
      %max3A_614 = arith.maximumf %add3A_610, %mul3A_613 : vector<16xf32>
      %exp3A_615 = math.exp %max3A_614 : vector<16xf32>
      tpu.vector_store_idx %arg17[%add3A_607, %and3A_13], %exp3A_615 : memref<128x8xf32, #tpu.memory_space<vmem>>[vector<16xi32>, vector<16xi32>], vector<16xf32>,
      %add3A_616 = arith.constant 110 : i32
      %add3A_617 = vector.broadcast %add3A_616 : i32 to vector<16xi32>
      %add3A_618 = arith.addi %shift_right_arithmetic3A_11, %add3A_617 : vector<16xi32>
      %gather3A_619 = tpu.vector_load_idx %arg15[%add3A_618, %and3A_13] : memref<128x8xf32, #tpu.memory_space<vmem>>[vector<16xi32>, vector<16xi32>], vector<16xf32>,
      %gather3A_620 = tpu.vector_load_idx %arg16[%add3A_618, %and3A_13] : memref<128x8xf32, #tpu.memory_space<vmem>>[vector<16xi32>, vector<16xi32>], vector<16xf32>,
      %add3A_621 = arith.addf %gather3A_619, %gather3A_620 : vector<16xf32>
      %mul3A_622 = arith.constant 2.000000e-01 : f32
      %mul3A_623 = vector.broadcast %mul3A_622 : f32 to vector<16xf32>
      %mul3A_624 = arith.mulf %add3A_621, %mul3A_623 : vector<16xf32>
      %max3A_625 = arith.maximumf %add3A_621, %mul3A_624 : vector<16xf32>
      %exp3A_626 = math.exp %max3A_625 : vector<16xf32>
      tpu.vector_store_idx %arg17[%add3A_618, %and3A_13], %exp3A_626 : memref<128x8xf32, #tpu.memory_space<vmem>>[vector<16xi32>, vector<16xi32>], vector<16xf32>,
      %add3A_627 = arith.constant 112 : i32
      %add3A_628 = vector.broadcast %add3A_627 : i32 to vector<16xi32>
      %add3A_629 = arith.addi %shift_right_arithmetic3A_11, %add3A_628 : vector<16xi32>
      %gather3A_630 = tpu.vector_load_idx %arg15[%add3A_629, %and3A_13] : memref<128x8xf32, #tpu.memory_space<vmem>>[vector<16xi32>, vector<16xi32>], vector<16xf32>,
      %gather3A_631 = tpu.vector_load_idx %arg16[%add3A_629, %and3A_13] : memref<128x8xf32, #tpu.memory_space<vmem>>[vector<16xi32>, vector<16xi32>], vector<16xf32>,
      %add3A_632 = arith.addf %gather3A_630, %gather3A_631 : vector<16xf32>
      %mul3A_633 = arith.constant 2.000000e-01 : f32
      %mul3A_634 = vector.broadcast %mul3A_633 : f32 to vector<16xf32>
      %mul3A_635 = arith.mulf %add3A_632, %mul3A_634 : vector<16xf32>
      %max3A_636 = arith.maximumf %add3A_632, %mul3A_635 : vector<16xf32>
      %exp3A_637 = math.exp %max3A_636 : vector<16xf32>
      tpu.vector_store_idx %arg17[%add3A_629, %and3A_13], %exp3A_637 : memref<128x8xf32, #tpu.memory_space<vmem>>[vector<16xi32>, vector<16xi32>], vector<16xf32>,
      %add3A_638 = arith.constant 114 : i32
      %add3A_639 = vector.broadcast %add3A_638 : i32 to vector<16xi32>
      %add3A_640 = arith.addi %shift_right_arithmetic3A_11, %add3A_639 : vector<16xi32>
      %gather3A_641 = tpu.vector_load_idx %arg15[%add3A_640, %and3A_13] : memref<128x8xf32, #tpu.memory_space<vmem>>[vector<16xi32>, vector<16xi32>], vector<16xf32>,
      %gather3A_642 = tpu.vector_load_idx %arg16[%add3A_640, %and3A_13] : memref<128x8xf32, #tpu.memory_space<vmem>>[vector<16xi32>, vector<16xi32>], vector<16xf32>,
      %add3A_643 = arith.addf %gather3A_641, %gather3A_642 : vector<16xf32>
      %mul3A_644 = arith.constant 2.000000e-01 : f32
      %mul3A_645 = vector.broadcast %mul3A_644 : f32 to vector<16xf32>
      %mul3A_646 = arith.mulf %add3A_643, %mul3A_645 : vector<16xf32>
      %max3A_647 = arith.maximumf %add3A_643, %mul3A_646 : vector<16xf32>
      %exp3A_648 = math.exp %max3A_647 : vector<16xf32>
      tpu.vector_store_idx %arg17[%add3A_640, %and3A_13], %exp3A_648 : memref<128x8xf32, #tpu.memory_space<vmem>>[vector<16xi32>, vector<16xi32>], vector<16xf32>,
      %add3A_649 = arith.constant 116 : i32
      %add3A_650 = vector.broadcast %add3A_649 : i32 to vector<16xi32>
      %add3A_651 = arith.addi %shift_right_arithmetic3A_11, %add3A_650 : vector<16xi32>
      %gather3A_652 = tpu.vector_load_idx %arg15[%add3A_651, %and3A_13] : memref<128x8xf32, #tpu.memory_space<vmem>>[vector<16xi32>, vector<16xi32>], vector<16xf32>,
      %gather3A_653 = tpu.vector_load_idx %arg16[%add3A_651, %and3A_13] : memref<128x8xf32, #tpu.memory_space<vmem>>[vector<16xi32>, vector<16xi32>], vector<16xf32>,
      %add3A_654 = arith.addf %gather3A_652, %gather3A_653 : vector<16xf32>
      %mul3A_655 = arith.constant 2.000000e-01 : f32
      %mul3A_656 = vector.broadcast %mul3A_655 : f32 to vector<16xf32>
      %mul3A_657 = arith.mulf %add3A_654, %mul3A_656 : vector<16xf32>
      %max3A_658 = arith.maximumf %add3A_654, %mul3A_657 : vector<16xf32>
      %exp3A_659 = math.exp %max3A_658 : vector<16xf32>
      tpu.vector_store_idx %arg17[%add3A_651, %and3A_13], %exp3A_659 : memref<128x8xf32, #tpu.memory_space<vmem>>[vector<16xi32>, vector<16xi32>], vector<16xf32>,
      %add3A_660 = arith.constant 118 : i32
      %add3A_661 = vector.broadcast %add3A_660 : i32 to vector<16xi32>
      %add3A_662 = arith.addi %shift_right_arithmetic3A_11, %add3A_661 : vector<16xi32>
      %gather3A_663 = tpu.vector_load_idx %arg15[%add3A_662, %and3A_13] : memref<128x8xf32, #tpu.memory_space<vmem>>[vector<16xi32>, vector<16xi32>], vector<16xf32>,
      %gather3A_664 = tpu.vector_load_idx %arg16[%add3A_662, %and3A_13] : memref<128x8xf32, #tpu.memory_space<vmem>>[vector<16xi32>, vector<16xi32>], vector<16xf32>,
      %add3A_665 = arith.addf %gather3A_663, %gather3A_664 : vector<16xf32>
      %mul3A_666 = arith.constant 2.000000e-01 : f32
      %mul3A_667 = vector.broadcast %mul3A_666 : f32 to vector<16xf32>
      %mul3A_668 = arith.mulf %add3A_665, %mul3A_667 : vector<16xf32>
      %max3A_669 = arith.maximumf %add3A_665, %mul3A_668 : vector<16xf32>
      %exp3A_670 = math.exp %max3A_669 : vector<16xf32>
      tpu.vector_store_idx %arg17[%add3A_662, %and3A_13], %exp3A_670 : memref<128x8xf32, #tpu.memory_space<vmem>>[vector<16xi32>, vector<16xi32>], vector<16xf32>,
      %add3A_671 = arith.constant 120 : i32
      %add3A_672 = vector.broadcast %add3A_671 : i32 to vector<16xi32>
      %add3A_673 = arith.addi %shift_right_arithmetic3A_11, %add3A_672 : vector<16xi32>
      %gather3A_674 = tpu.vector_load_idx %arg15[%add3A_673, %and3A_13] : memref<128x8xf32, #tpu.memory_space<vmem>>[vector<16xi32>, vector<16xi32>], vector<16xf32>,
      %gather3A_675 = tpu.vector_load_idx %arg16[%add3A_673, %and3A_13] : memref<128x8xf32, #tpu.memory_space<vmem>>[vector<16xi32>, vector<16xi32>], vector<16xf32>,
      %add3A_676 = arith.addf %gather3A_674, %gather3A_675 : vector<16xf32>
      %mul3A_677 = arith.constant 2.000000e-01 : f32
      %mul3A_678 = vector.broadcast %mul3A_677 : f32 to vector<16xf32>
      %mul3A_679 = arith.mulf %add3A_676, %mul3A_678 : vector<16xf32>
      %max3A_680 = arith.maximumf %add3A_676, %mul3A_679 : vector<16xf32>
      %exp3A_681 = math.exp %max3A_680 : vector<16xf32>
      tpu.vector_store_idx %arg17[%add3A_673, %and3A_13], %exp3A_681 : memref<128x8xf32, #tpu.memory_space<vmem>>[vector<16xi32>, vector<16xi32>], vector<16xf32>,
      %add3A_682 = arith.constant 122 : i32
      %add3A_683 = vector.broadcast %add3A_682 : i32 to vector<16xi32>
      %add3A_684 = arith.addi %shift_right_arithmetic3A_11, %add3A_683 : vector<16xi32>
      %gather3A_685 = tpu.vector_load_idx %arg15[%add3A_684, %and3A_13] : memref<128x8xf32, #tpu.memory_space<vmem>>[vector<16xi32>, vector<16xi32>], vector<16xf32>,
      %gather3A_686 = tpu.vector_load_idx %arg16[%add3A_684, %and3A_13] : memref<128x8xf32, #tpu.memory_space<vmem>>[vector<16xi32>, vector<16xi32>], vector<16xf32>,
      %add3A_687 = arith.addf %gather3A_685, %gather3A_686 : vector<16xf32>
      %mul3A_688 = arith.constant 2.000000e-01 : f32
      %mul3A_689 = vector.broadcast %mul3A_688 : f32 to vector<16xf32>
      %mul3A_690 = arith.mulf %add3A_687, %mul3A_689 : vector<16xf32>
      %max3A_691 = arith.maximumf %add3A_687, %mul3A_690 : vector<16xf32>
      %exp3A_692 = math.exp %max3A_691 : vector<16xf32>
      tpu.vector_store_idx %arg17[%add3A_684, %and3A_13], %exp3A_692 : memref<128x8xf32, #tpu.memory_space<vmem>>[vector<16xi32>, vector<16xi32>], vector<16xf32>,
      %add3A_693 = arith.constant 124 : i32
      %add3A_694 = vector.broadcast %add3A_693 : i32 to vector<16xi32>
      %add3A_695 = arith.addi %shift_right_arithmetic3A_11, %add3A_694 : vector<16xi32>
      %gather3A_696 = tpu.vector_load_idx %arg15[%add3A_695, %and3A_13] : memref<128x8xf32, #tpu.memory_space<vmem>>[vector<16xi32>, vector<16xi32>], vector<16xf32>,
      %gather3A_697 = tpu.vector_load_idx %arg16[%add3A_695, %and3A_13] : memref<128x8xf32, #tpu.memory_space<vmem>>[vector<16xi32>, vector<16xi32>], vector<16xf32>,
      %add3A_698 = arith.addf %gather3A_696, %gather3A_697 : vector<16xf32>
      %mul3A_699 = arith.constant 2.000000e-01 : f32
      %mul3A_700 = vector.broadcast %mul3A_699 : f32 to vector<16xf32>
      %mul3A_701 = arith.mulf %add3A_698, %mul3A_700 : vector<16xf32>
      %max3A_702 = arith.maximumf %add3A_698, %mul3A_701 : vector<16xf32>
      %exp3A_703 = math.exp %max3A_702 : vector<16xf32>
      tpu.vector_store_idx %arg17[%add3A_695, %and3A_13], %exp3A_703 : memref<128x8xf32, #tpu.memory_space<vmem>>[vector<16xi32>, vector<16xi32>], vector<16xf32>,
      %add3A_704 = arith.constant 126 : i32
      %add3A_705 = vector.broadcast %add3A_704 : i32 to vector<16xi32>
      %add3A_706 = arith.addi %shift_right_arithmetic3A_11, %add3A_705 : vector<16xi32>
      %gather3A_707 = tpu.vector_load_idx %arg15[%add3A_706, %and3A_13] : memref<128x8xf32, #tpu.memory_space<vmem>>[vector<16xi32>, vector<16xi32>], vector<16xf32>,
      %gather3A_708 = tpu.vector_load_idx %arg16[%add3A_706, %and3A_13] : memref<128x8xf32, #tpu.memory_space<vmem>>[vector<16xi32>, vector<16xi32>], vector<16xf32>,
      %add3A_709 = arith.addf %gather3A_707, %gather3A_708 : vector<16xf32>
      %mul3A_710 = arith.constant 2.000000e-01 : f32
      %mul3A_711 = vector.broadcast %mul3A_710 : f32 to vector<16xf32>
      %mul3A_712 = arith.mulf %add3A_709, %mul3A_711 : vector<16xf32>
      %max3A_713 = arith.maximumf %add3A_709, %mul3A_712 : vector<16xf32>
      %exp3A_714 = math.exp %max3A_713 : vector<16xf32>
      tpu.vector_store_idx %arg17[%add3A_706, %and3A_13], %exp3A_714 : memref<128x8xf32, #tpu.memory_space<vmem>>[vector<16xi32>, vector<16xi32>], vector<16xf32>,
      %get3A = arith.index_cast %scan3A_9 : i32 to index
      %get3A_715 = arith.constant 0 : index
      %get3A_716 = tpu.vector_load %arg14[%get3A, %get3A_715] {strides = array<i32>} : memref<79x128xi32, #tpu.memory_space<vmem>>, vector<16xi32>,
      %get3A_717 = arith.index_cast %scan3A_9 : i32 to index
      %get3A_718 = arith.constant 0 : index
      %get3A_719 = tpu.vector_load %arg13[%get3A_717, %get3A_718] {strides = array<i32>} : memref<79x128xi32, #tpu.memory_space<vmem>>, vector<16xi32>,
      %convert_element_type3A = arith.sitofp %get3A_716 : vector<16xi32> to vector<16xf32>
      %mul3A_720 = arith.constant 2.000000e-03 : f32
      %mul3A_721 = vector.broadcast %mul3A_720 : f32 to vector<16xf32>
      %mul3A_722 = arith.mulf %convert_element_type3A, %mul3A_721 : vector<16xf32>
      %convert_element_type3A_723 = arith.fptosi %mul3A_722 : vector<16xf32> to vector<16xi32>
      %mul3A_724 = arith.constant 10000 : i32
      %mul3A_725 = vector.broadcast %mul3A_724 : i32 to vector<16xi32>
      %mul3A_726 = arith.muli %convert_element_type3A_723, %mul3A_725 : vector<16xi32>
      %add3A_727 = arith.addi %mul3A_726, %get3A_719 : vector<16xi32>
      %swap3A = arith.index_cast %scan3A_9 : i32 to index
      %swap3A_728 = arith.constant 0 : index
      %swap3A_729 = tpu.vector_load %arg18[%swap3A, %swap3A_728] {strides = array<i32>} : memref<79x128xi32, #tpu.memory_space<vmem>>, vector<16xi32>,
      tpu.vector_store %arg18[%swap3A, %swap3A_728], %add3A_727 {strides = array<i32>} : memref<79x128xi32, #tpu.memory_space<vmem>>, vector<16xi32>,
      %get3A_730 = arith.index_cast %scan3A_9 : i32 to index
      %get3A_731 = arith.constant 16 : index
      %get3A_732 = tpu.vector_load %arg14[%get3A_730, %get3A_731] {strides = array<i32>} : memref<79x128xi32, #tpu.memory_space<vmem>>, vector<16xi32>,
      %get3A_733 = arith.index_cast %scan3A_9 : i32 to index
      %get3A_734 = arith.constant 16 : index
      %get3A_735 = tpu.vector_load %arg13[%get3A_733, %get3A_734] {strides = array<i32>} : memref<79x128xi32, #tpu.memory_space<vmem>>, vector<16xi32>,
      %convert_element_type3A_736 = arith.sitofp %get3A_732 : vector<16xi32> to vector<16xf32>
      %mul3A_737 = arith.constant 2.000000e-03 : f32
      %mul3A_738 = vector.broadcast %mul3A_737 : f32 to vector<16xf32>
      %mul3A_739 = arith.mulf %convert_element_type3A_736, %mul3A_738 : vector<16xf32>
      %convert_element_type3A_740 = arith.fptosi %mul3A_739 : vector<16xf32> to vector<16xi32>
      %mul3A_741 = arith.constant 10000 : i32
      %mul3A_742 = vector.broadcast %mul3A_741 : i32 to vector<16xi32>
      %mul3A_743 = arith.muli %convert_element_type3A_740, %mul3A_742 : vector<16xi32>
      %add3A_744 = arith.addi %mul3A_743, %get3A_735 : vector<16xi32>
      %swap3A_745 = arith.index_cast %scan3A_9 : i32 to index
      %swap3A_746 = arith.constant 16 : index
      %swap3A_747 = tpu.vector_load %arg18[%swap3A_745, %swap3A_746] {strides = array<i32>} : memref<79x128xi32, #tpu.memory_space<vmem>>, vector<16xi32>,
      tpu.vector_store %arg18[%swap3A_745, %swap3A_746], %add3A_744 {strides = array<i32>} : memref<79x128xi32, #tpu.memory_space<vmem>>, vector<16xi32>,
      %get3A_748 = arith.index_cast %scan3A_9 : i32 to index
      %get3A_749 = arith.constant 32 : index
      %get3A_750 = tpu.vector_load %arg14[%get3A_748, %get3A_749] {strides = array<i32>} : memref<79x128xi32, #tpu.memory_space<vmem>>, vector<16xi32>,
      %get3A_751 = arith.index_cast %scan3A_9 : i32 to index
      %get3A_752 = arith.constant 32 : index
      %get3A_753 = tpu.vector_load %arg13[%get3A_751, %get3A_752] {strides = array<i32>} : memref<79x128xi32, #tpu.memory_space<vmem>>, vector<16xi32>,
      %convert_element_type3A_754 = arith.sitofp %get3A_750 : vector<16xi32> to vector<16xf32>
      %mul3A_755 = arith.constant 2.000000e-03 : f32
      %mul3A_756 = vector.broadcast %mul3A_755 : f32 to vector<16xf32>
      %mul3A_757 = arith.mulf %convert_element_type3A_754, %mul3A_756 : vector<16xf32>
      %convert_element_type3A_758 = arith.fptosi %mul3A_757 : vector<16xf32> to vector<16xi32>
      %mul3A_759 = arith.constant 10000 : i32
      %mul3A_760 = vector.broadcast %mul3A_759 : i32 to vector<16xi32>
      %mul3A_761 = arith.muli %convert_element_type3A_758, %mul3A_760 : vector<16xi32>
      %add3A_762 = arith.addi %mul3A_761, %get3A_753 : vector<16xi32>
      %swap3A_763 = arith.index_cast %scan3A_9 : i32 to index
      %swap3A_764 = arith.constant 32 : index
      %swap3A_765 = tpu.vector_load %arg18[%swap3A_763, %swap3A_764] {strides = array<i32>} : memref<79x128xi32, #tpu.memory_space<vmem>>, vector<16xi32>,
      tpu.vector_store %arg18[%swap3A_763, %swap3A_764], %add3A_762 {strides = array<i32>} : memref<79x128xi32, #tpu.memory_space<vmem>>, vector<16xi32>,
      %get3A_766 = arith.index_cast %scan3A_9 : i32 to index
      %get3A_767 = arith.constant 48 : index
      %get3A_768 = tpu.vector_load %arg14[%get3A_766, %get3A_767] {strides = array<i32>} : memref<79x128xi32, #tpu.memory_space<vmem>>, vector<16xi32>,
      %get3A_769 = arith.index_cast %scan3A_9 : i32 to index
      %get3A_770 = arith.constant 48 : index
      %get3A_771 = tpu.vector_load %arg13[%get3A_769, %get3A_770] {strides = array<i32>} : memref<79x128xi32, #tpu.memory_space<vmem>>, vector<16xi32>,
      %convert_element_type3A_772 = arith.sitofp %get3A_768 : vector<16xi32> to vector<16xf32>
      %mul3A_773 = arith.constant 2.000000e-03 : f32
      %mul3A_774 = vector.broadcast %mul3A_773 : f32 to vector<16xf32>
      %mul3A_775 = arith.mulf %convert_element_type3A_772, %mul3A_774 : vector<16xf32>
      %convert_element_type3A_776 = arith.fptosi %mul3A_775 : vector<16xf32> to vector<16xi32>
      %mul3A_777 = arith.constant 10000 : i32
      %mul3A_778 = vector.broadcast %mul3A_777 : i32 to vector<16xi32>
      %mul3A_779 = arith.muli %convert_element_type3A_776, %mul3A_778 : vector<16xi32>
      %add3A_780 = arith.addi %mul3A_779, %get3A_771 : vector<16xi32>
      %swap3A_781 = arith.index_cast %scan3A_9 : i32 to index
      %swap3A_782 = arith.constant 48 : index
      %swap3A_783 = tpu.vector_load %arg18[%swap3A_781, %swap3A_782] {strides = array<i32>} : memref<79x128xi32, #tpu.memory_space<vmem>>, vector<16xi32>,
      tpu.vector_store %arg18[%swap3A_781, %swap3A_782], %add3A_780 {strides = array<i32>} : memref<79x128xi32, #tpu.memory_space<vmem>>, vector<16xi32>,
      %get3A_784 = arith.index_cast %scan3A_9 : i32 to index
      %get3A_785 = arith.constant 64 : index
      %get3A_786 = tpu.vector_load %arg14[%get3A_784, %get3A_785] {strides = array<i32>} : memref<79x128xi32, #tpu.memory_space<vmem>>, vector<16xi32>,
      %get3A_787 = arith.index_cast %scan3A_9 : i32 to index
      %get3A_788 = arith.constant 64 : index
      %get3A_789 = tpu.vector_load %arg13[%get3A_787, %get3A_788] {strides = array<i32>} : memref<79x128xi32, #tpu.memory_space<vmem>>, vector<16xi32>,
      %convert_element_type3A_790 = arith.sitofp %get3A_786 : vector<16xi32> to vector<16xf32>
      %mul3A_791 = arith.constant 2.000000e-03 : f32
      %mul3A_792 = vector.broadcast %mul3A_791 : f32 to vector<16xf32>
      %mul3A_793 = arith.mulf %convert_element_type3A_790, %mul3A_792 : vector<16xf32>
      %convert_element_type3A_794 = arith.fptosi %mul3A_793 : vector<16xf32> to vector<16xi32>
      %mul3A_795 = arith.constant 10000 : i32
      %mul3A_796 = vector.broadcast %mul3A_795 : i32 to vector<16xi32>
      %mul3A_797 = arith.muli %convert_element_type3A_794, %mul3A_796 : vector<16xi32>
      %add3A_798 = arith.addi %mul3A_797, %get3A_789 : vector<16xi32>
      %swap3A_799 = arith.index_cast %scan3A_9 : i32 to index
      %swap3A_800 = arith.constant 64 : index
      %swap3A_801 = tpu.vector_load %arg18[%swap3A_799, %swap3A_800] {strides = array<i32>} : memref<79x128xi32, #tpu.memory_space<vmem>>, vector<16xi32>,
      tpu.vector_store %arg18[%swap3A_799, %swap3A_800], %add3A_798 {strides = array<i32>} : memref<79x128xi32, #tpu.memory_space<vmem>>, vector<16xi32>,
      %get3A_802 = arith.index_cast %scan3A_9 : i32 to index
      %get3A_803 = arith.constant 80 : index
      %get3A_804 = tpu.vector_load %arg14[%get3A_802, %get3A_803] {strides = array<i32>} : memref<79x128xi32, #tpu.memory_space<vmem>>, vector<16xi32>,
      %get3A_805 = arith.index_cast %scan3A_9 : i32 to index
      %get3A_806 = arith.constant 80 : index
      %get3A_807 = tpu.vector_load %arg13[%get3A_805, %get3A_806] {strides = array<i32>} : memref<79x128xi32, #tpu.memory_space<vmem>>, vector<16xi32>,
      %convert_element_type3A_808 = arith.sitofp %get3A_804 : vector<16xi32> to vector<16xf32>
      %mul3A_809 = arith.constant 2.000000e-03 : f32
      %mul3A_810 = vector.broadcast %mul3A_809 : f32 to vector<16xf32>
      %mul3A_811 = arith.mulf %convert_element_type3A_808, %mul3A_810 : vector<16xf32>
      %convert_element_type3A_812 = arith.fptosi %mul3A_811 : vector<16xf32> to vector<16xi32>
      %mul3A_813 = arith.constant 10000 : i32
      %mul3A_814 = vector.broadcast %mul3A_813 : i32 to vector<16xi32>
      %mul3A_815 = arith.muli %convert_element_type3A_812, %mul3A_814 : vector<16xi32>
      %add3A_816 = arith.addi %mul3A_815, %get3A_807 : vector<16xi32>
      %swap3A_817 = arith.index_cast %scan3A_9 : i32 to index
      %swap3A_818 = arith.constant 80 : index
      %swap3A_819 = tpu.vector_load %arg18[%swap3A_817, %swap3A_818] {strides = array<i32>} : memref<79x128xi32, #tpu.memory_space<vmem>>, vector<16xi32>,
      tpu.vector_store %arg18[%swap3A_817, %swap3A_818], %add3A_816 {strides = array<i32>} : memref<79x128xi32, #tpu.memory_space<vmem>>, vector<16xi32>,
      %get3A_820 = arith.index_cast %scan3A_9 : i32 to index
      %get3A_821 = arith.constant 96 : index
      %get3A_822 = tpu.vector_load %arg14[%get3A_820, %get3A_821] {strides = array<i32>} : memref<79x128xi32, #tpu.memory_space<vmem>>, vector<16xi32>,
      %get3A_823 = arith.index_cast %scan3A_9 : i32 to index
      %get3A_824 = arith.constant 96 : index
      %get3A_825 = tpu.vector_load %arg13[%get3A_823, %get3A_824] {strides = array<i32>} : memref<79x128xi32, #tpu.memory_space<vmem>>, vector<16xi32>,
      %convert_element_type3A_826 = arith.sitofp %get3A_822 : vector<16xi32> to vector<16xf32>
      %mul3A_827 = arith.constant 2.000000e-03 : f32
      %mul3A_828 = vector.broadcast %mul3A_827 : f32 to vector<16xf32>
      %mul3A_829 = arith.mulf %convert_element_type3A_826, %mul3A_828 : vector<16xf32>
      %convert_element_type3A_830 = arith.fptosi %mul3A_829 : vector<16xf32> to vector<16xi32>
      %mul3A_831 = arith.constant 10000 : i32
      %mul3A_832 = vector.broadcast %mul3A_831 : i32 to vector<16xi32>
      %mul3A_833 = arith.muli %convert_element_type3A_830, %mul3A_832 : vector<16xi32>
      %add3A_834 = arith.addi %mul3A_833, %get3A_825 : vector<16xi32>
      %swap3A_835 = arith.index_cast %scan3A_9 : i32 to index
      %swap3A_836 = arith.constant 96 : index
      %swap3A_837 = tpu.vector_load %arg18[%swap3A_835, %swap3A_836] {strides = array<i32>} : memref<79x128xi32, #tpu.memory_space<vmem>>, vector<16xi32>,
      tpu.vector_store %arg18[%swap3A_835, %swap3A_836], %add3A_834 {strides = array<i32>} : memref<79x128xi32, #tpu.memory_space<vmem>>, vector<16xi32>,
      %get3A_838 = arith.index_cast %scan3A_9 : i32 to index
      %get3A_839 = arith.constant 112 : index
      %get3A_840 = tpu.vector_load %arg14[%get3A_838, %get3A_839] {strides = array<i32>} : memref<79x128xi32, #tpu.memory_space<vmem>>, vector<16xi32>,
      %get3A_841 = arith.index_cast %scan3A_9 : i32 to index
      %get3A_842 = arith.constant 112 : index
      %get3A_843 = tpu.vector_load %arg13[%get3A_841, %get3A_842] {strides = array<i32>} : memref<79x128xi32, #tpu.memory_space<vmem>>, vector<16xi32>,
      %convert_element_type3A_844 = arith.sitofp %get3A_840 : vector<16xi32> to vector<16xf32>
      %mul3A_845 = arith.constant 2.000000e-03 : f32
      %mul3A_846 = vector.broadcast %mul3A_845 : f32 to vector<16xf32>
      %mul3A_847 = arith.mulf %convert_element_type3A_844, %mul3A_846 : vector<16xf32>
      %convert_element_type3A_848 = arith.fptosi %mul3A_847 : vector<16xf32> to vector<16xi32>
      %mul3A_849 = arith.constant 10000 : i32
      %mul3A_850 = vector.broadcast %mul3A_849 : i32 to vector<16xi32>
      %mul3A_851 = arith.muli %convert_element_type3A_848, %mul3A_850 : vector<16xi32>
      %add3A_852 = arith.addi %mul3A_851, %get3A_843 : vector<16xi32>
      %swap3A_853 = arith.index_cast %scan3A_9 : i32 to index
      %swap3A_854 = arith.constant 112 : index
      %swap3A_855 = tpu.vector_load %arg18[%swap3A_853, %swap3A_854] {strides = array<i32>} : memref<79x128xi32, #tpu.memory_space<vmem>>, vector<16xi32>,
      tpu.vector_store %arg18[%swap3A_853, %swap3A_854], %add3A_852 {strides = array<i32>} : memref<79x128xi32, #tpu.memory_space<vmem>>, vector<16xi32>,
      "tpu.region"() ({
        %run_scoped3A = tpu.sem_alloc : memref<!tpu.dma_semaphore, #tpu.memory_space<semaphore_mem>>
        %dma_start3A = arith.constant 0 : i32
        %dma_start3A_856 = tpu.memref_slice %arg14[%scan3A_9, %dma_start3A] : memref<79x128xi32, #tpu.memory_space<vmem>> -> memref<1x128xi32, #tpu.memory_space<vmem>>
        %dma_start3A_857 = tpu.memref_squeeze %dma_start3A_856 : memref<1x128xi32, #tpu.memory_space<vmem>> -> memref<128xi32, #tpu.memory_space<vmem>>
        %dma_start3A_858 = arith.constant 0 : i32
        %dma_start3A_859 = arith.constant 0 : i32
        %dma_start3A_860 = tpu.memref_slice %arg12[%dma_start3A_858, %dma_start3A_859] : memref<10240x8xf32, #tpu.memory_space<vmem_shared>> -> memref<10240x8xf32, #tpu.memory_space<vmem_shared>>
        tpu.enqueue_indirect_dma source(%arg17 : memref<128x8xf32, #tpu.memory_space<vmem>>) target(%dma_start3A_860 : memref<10240x8xf32, #tpu.memory_space<vmem_shared>>) offsets(%dma_start3A_857 : memref<128xi32, #tpu.memory_space<vmem>>) semaphore(%run_scoped3A : memref<!tpu.dma_semaphore, #tpu.memory_space<semaphore_mem>>) {add = true}
        %dma_wait3A = arith.constant 0 : i32
        %dma_wait3A_861 = tpu.memref_slice %arg14[%scan3A_9, %dma_wait3A] : memref<79x128xi32, #tpu.memory_space<vmem>> -> memref<1x128xi32, #tpu.memory_space<vmem>>
        %dma_wait3A_862 = tpu.memref_squeeze %dma_wait3A_861 : memref<1x128xi32, #tpu.memory_space<vmem>> -> memref<128xi32, #tpu.memory_space<vmem>>
        %dma_wait3A_863 = arith.constant 0 : i32
        %dma_wait3A_864 = arith.constant 0 : i32
        %dma_wait3A_865 = tpu.memref_slice %arg12[%dma_wait3A_863, %dma_wait3A_864] : memref<10240x8xf32, #tpu.memory_space<vmem_shared>> -> memref<10240x8xf32, #tpu.memory_space<vmem_shared>>
        tpu.wait_indirect_dma semaphore(%run_scoped3A : memref<!tpu.dma_semaphore, #tpu.memory_space<semaphore_mem>>) src(%arg17 : memref<128x8xf32, #tpu.memory_space<vmem>>) dst(%dma_wait3A_865 : memref<10240x8xf32, #tpu.memory_space<vmem_shared>>)
        tpu.yield
      }) : () -> ()
      "tpu.region"() ({
        %run_scoped3A = tpu.sem_alloc : memref<!tpu.dma_semaphore, #tpu.memory_space<semaphore_mem>>
        %dma_start3A = arith.constant 0 : i32
        %dma_start3A_856 = arith.constant 0 : i32
        %dma_start3A_857 = tpu.memref_slice %arg8[%add3A, %scan3A_9, %dma_start3A, %dma_start3A_856] : memref<32x79x128x8xf32, #tpu.memory_space<hbm>> -> memref<1x1x128x8xf32, #tpu.memory_space<hbm>>
        %dma_start3A_858 = tpu.memref_squeeze %dma_start3A_857 : memref<1x1x128x8xf32, #tpu.memory_space<hbm>> -> memref<128x8xf32, #tpu.memory_space<hbm>>
        %dma_start3A_859 = arith.constant 0 : i32
        %dma_start3A_860 = arith.constant 0 : i32
        %dma_start3A_861 = tpu.memref_slice %arg8[%add3A, %scan3A_9, %dma_start3A_859, %dma_start3A_860] : memref<32x79x128x8xf32, #tpu.memory_space<hbm>> -> memref<1x1x128x8xf32, #tpu.memory_space<hbm>>
        %dma_start3A_862 = tpu.memref_squeeze %dma_start3A_861 : memref<1x1x128x8xf32, #tpu.memory_space<hbm>> -> memref<128x8xf32, #tpu.memory_space<hbm>>
        tpu.enqueue_dma source(%arg17 : memref<128x8xf32, #tpu.memory_space<vmem>>) target(%dma_start3A_862 : memref<128x8xf32, #tpu.memory_space<hbm>>) target_semaphore(%run_scoped3A : memref<!tpu.dma_semaphore, #tpu.memory_space<semaphore_mem>>)
        %dma_wait3A = arith.constant 0 : i32
        %dma_wait3A_863 = arith.constant 0 : i32
        %dma_wait3A_864 = tpu.memref_slice %arg8[%add3A, %scan3A_9, %dma_wait3A, %dma_wait3A_863] : memref<32x79x128x8xf32, #tpu.memory_space<hbm>> -> memref<1x1x128x8xf32, #tpu.memory_space<hbm>>
        %dma_wait3A_865 = tpu.memref_squeeze %dma_wait3A_864 : memref<1x1x128x8xf32, #tpu.memory_space<hbm>> -> memref<128x8xf32, #tpu.memory_space<hbm>>
        %dma_wait3A_866 = arith.constant 0 : i32
        %dma_wait3A_867 = arith.constant 0 : i32
        %dma_wait3A_868 = tpu.memref_slice %arg8[%add3A, %scan3A_9, %dma_wait3A_866, %dma_wait3A_867] : memref<32x79x128x8xf32, #tpu.memory_space<hbm>> -> memref<1x1x128x8xf32, #tpu.memory_space<hbm>>
        %dma_wait3A_869 = tpu.memref_squeeze %dma_wait3A_868 : memref<1x1x128x8xf32, #tpu.memory_space<hbm>> -> memref<128x8xf32, #tpu.memory_space<hbm>>
        tpu.wait_dma2 semaphore(%run_scoped3A : memref<!tpu.dma_semaphore, #tpu.memory_space<semaphore_mem>>) src(%arg17 : memref<128x8xf32, #tpu.memory_space<vmem>>) dst(%dma_wait3A_869 : memref<128x8xf32, #tpu.memory_space<hbm>>)
        tpu.yield
      }) : () -> ()
    }
    %scan3A_7 = arith.constant 79 : i32
    "tpu.region"() ({
      %run_scoped3A = tpu.sem_alloc : memref<!tpu.dma_semaphore, #tpu.memory_space<semaphore_mem>>
      %dma_start3A = arith.constant 0 : i32
      %dma_start3A_9 = arith.constant 0 : i32
      %dma_start3A_10 = tpu.memref_slice %arg9[%add3A, %dma_start3A, %dma_start3A_9] : memref<32x79x128xi32, #tpu.memory_space<hbm>> -> memref<1x79x128xi32, #tpu.memory_space<hbm>>
      %dma_start3A_11 = tpu.memref_squeeze %dma_start3A_10 : memref<1x79x128xi32, #tpu.memory_space<hbm>> -> memref<79x128xi32, #tpu.memory_space<hbm>>
      %dma_start3A_12 = arith.constant 0 : i32
      %dma_start3A_13 = arith.constant 0 : i32
      %dma_start3A_14 = tpu.memref_slice %arg9[%add3A, %dma_start3A_12, %dma_start3A_13] : memref<32x79x128xi32, #tpu.memory_space<hbm>> -> memref<1x79x128xi32, #tpu.memory_space<hbm>>
      %dma_start3A_15 = tpu.memref_squeeze %dma_start3A_14 : memref<1x79x128xi32, #tpu.memory_space<hbm>> -> memref<79x128xi32, #tpu.memory_space<hbm>>
      tpu.enqueue_dma source(%arg18 : memref<79x128xi32, #tpu.memory_space<vmem>>) target(%dma_start3A_15 : memref<79x128xi32, #tpu.memory_space<hbm>>) target_semaphore(%run_scoped3A : memref<!tpu.dma_semaphore, #tpu.memory_space<semaphore_mem>>)
      %dma_wait3A = arith.constant 0 : i32
      %dma_wait3A_16 = arith.constant 0 : i32
      %dma_wait3A_17 = tpu.memref_slice %arg9[%add3A, %dma_wait3A, %dma_wait3A_16] : memref<32x79x128xi32, #tpu.memory_space<hbm>> -> memref<1x79x128xi32, #tpu.memory_space<hbm>>
      %dma_wait3A_18 = tpu.memref_squeeze %dma_wait3A_17 : memref<1x79x128xi32, #tpu.memory_space<hbm>> -> memref<79x128xi32, #tpu.memory_space<hbm>>
      %dma_wait3A_19 = arith.constant 0 : i32
      %dma_wait3A_20 = arith.constant 0 : i32
      %dma_wait3A_21 = tpu.memref_slice %arg9[%add3A, %dma_wait3A_19, %dma_wait3A_20] : memref<32x79x128xi32, #tpu.memory_space<hbm>> -> memref<1x79x128xi32, #tpu.memory_space<hbm>>
      %dma_wait3A_22 = tpu.memref_squeeze %dma_wait3A_21 : memref<1x79x128xi32, #tpu.memory_space<hbm>> -> memref<79x128xi32, #tpu.memory_space<hbm>>
      tpu.wait_dma2 semaphore(%run_scoped3A : memref<!tpu.dma_semaphore, #tpu.memory_space<semaphore_mem>>) src(%arg18 : memref<79x128xi32, #tpu.memory_space<vmem>>) dst(%dma_wait3A_22 : memref<79x128xi32, #tpu.memory_space<hbm>>)
      tpu.yield
    }) : () -> ()
    %barrier3A_8 = arith.constant 0 : index
    tpu.barrier barrier_id(%barrier3A_8)
    "tpu.region"() ({
      %run_scoped3A = tpu.sem_alloc : memref<!tpu.dma_semaphore, #tpu.memory_space<semaphore_mem>>
      %dma_start3A = arith.constant 0 : i32
      %dma_start3A_9 = tpu.memref_slice %arg7[%arg0, %mul3A_2, %dma_start3A] : memref<2x10240x8xf32, #tpu.memory_space<hbm>> -> memref<1x640x8xf32, #tpu.memory_space<hbm>>
      %dma_start3A_10 = tpu.memref_squeeze %dma_start3A_9 : memref<1x640x8xf32, #tpu.memory_space<hbm>> -> memref<640x8xf32, #tpu.memory_space<hbm>>
      %dma_start3A_11 = arith.constant 0 : i32
      %dma_start3A_12 = tpu.memref_slice %arg12[%mul3A_2, %dma_start3A_11] : memref<10240x8xf32, #tpu.memory_space<vmem_shared>> -> memref<640x8xf32, #tpu.memory_space<vmem_shared>>
      tpu.enqueue_dma source(%dma_start3A_12 : memref<640x8xf32, #tpu.memory_space<vmem_shared>>) target(%dma_start3A_10 : memref<640x8xf32, #tpu.memory_space<hbm>>) target_semaphore(%run_scoped3A : memref<!tpu.dma_semaphore, #tpu.memory_space<semaphore_mem>>)
      %dma_wait3A = arith.constant 0 : i32
      %dma_wait3A_13 = tpu.memref_slice %arg7[%arg0, %mul3A_2, %dma_wait3A] : memref<2x10240x8xf32, #tpu.memory_space<hbm>> -> memref<1x640x8xf32, #tpu.memory_space<hbm>>
      %dma_wait3A_14 = tpu.memref_squeeze %dma_wait3A_13 : memref<1x640x8xf32, #tpu.memory_space<hbm>> -> memref<640x8xf32, #tpu.memory_space<hbm>>
      %dma_wait3A_15 = arith.constant 0 : i32
      %dma_wait3A_16 = tpu.memref_slice %arg12[%mul3A_2, %dma_wait3A_15] : memref<10240x8xf32, #tpu.memory_space<vmem_shared>> -> memref<640x8xf32, #tpu.memory_space<vmem_shared>>
      tpu.wait_dma2 semaphore(%run_scoped3A : memref<!tpu.dma_semaphore, #tpu.memory_space<semaphore_mem>>) src(%dma_wait3A_16 : memref<640x8xf32, #tpu.memory_space<vmem_shared>>) dst(%dma_wait3A_14 : memref<640x8xf32, #tpu.memory_space<hbm>>)
      tpu.yield
    }) : () -> ()
    return
  }
}

#map = affine_map<(d0, d1) -> (0, 0, 0)>
#map1 = affine_map<(d0, d1) -> (0, 0, 0, 0)>
#map2 = affine_map<(d0, d1) -> (0, 0)>
module attributes {stable_mosaic.version = 14 : i64} {
  func.func @_pass2_body(%arg0: i32, %arg1: i32, %arg2: memref<2x5120x16xf32, #tpu.memory_space<hbm>>, %arg3: memref<32x79x128x8xf32, #tpu.memory_space<hbm>>, %arg4: memref<32x79x128xi32, #tpu.memory_space<hbm>>, %arg5: memref<32x79x128xi32, #tpu.memory_space<hbm>>, %arg6: memref<12544x8xf32, #tpu.memory_space<hbm>>, %arg7: memref<2x200704x8xf32, #tpu.memory_space<hbm>>, %arg8: memref<10240x8xf32, #tpu.memory_space<vmem_shared>>, %arg9: memref<200704x8xf32, #tpu.memory_space<vmem_shared>>, %arg10: memref<128xi32, #tpu.memory_space<vmem>>, %arg11: memref<128xi32, #tpu.memory_space<vmem>>, %arg12: memref<128x8xf32, #tpu.memory_space<vmem>>, %arg13: memref<128x8xf32, #tpu.memory_space<vmem>>, %arg14: memref<128x8xf32, #tpu.memory_space<vmem>>, %arg15: memref<64x16xf32, #tpu.memory_space<vmem>>, %arg16: memref<64x16xf32, #tpu.memory_space<vmem>>, %arg17: memref<128x8xf32, #tpu.memory_space<vmem>>) attributes {dimension_semantics = [#tpu.dimension_semantics<core_parallel>, #tpu.dimension_semantics<subcore_parallel>], iteration_bounds = array<i64: 2, 16>, scalar_prefetch = 0 : i64, scratch_operands = 10 : i64, tpu.core_type = #tpu.core_type<sc_vector_subcore>, window_params = [{transform_indices = #map}, {transform_indices = #map1}, {transform_indices = #map}, {transform_indices = #map}, {transform_indices = #map2}, {transform_indices = #map}]} {
    %mul3A = arith.constant 16 : i32
    %mul3A_0 = arith.muli %arg0, %mul3A : i32
    %add3A = arith.addi %mul3A_0, %arg1 : i32
    %iota3A = tpu.iota {dimensions = array<i32: 0>} : vector<16xi32>
    %shift_right_arithmetic3A = arith.constant 3 : i32
    %shift_right_arithmetic3A_1 = vector.broadcast %shift_right_arithmetic3A : i32 to vector<16xi32>
    %shift_right_arithmetic3A_2 = arith.shrsi %iota3A, %shift_right_arithmetic3A_1 : vector<16xi32>
    %and3A = arith.constant 7 : i32
    %and3A_3 = vector.broadcast %and3A : i32 to vector<16xi32>
    %and3A_4 = arith.andi %iota3A, %and3A_3 : vector<16xi32>
    %scan3A = arith.constant 0 : i32
    %scan3A_5 = arith.constant 0 : i32
    %scan3A_6 = arith.constant 5 : i32
    %scan3A_7 = arith.addi %scan3A_5, %scan3A_6 : i32
    %scan3A_8 = arith.constant 1 : i32
    scf.for %scan3A_21 = %scan3A_5 to %scan3A_7 step %scan3A_8  : i32 {
      %mul3A_22 = arith.constant 320 : i32
      %mul3A_23 = arith.muli %arg1, %mul3A_22 : i32
      %mul3A_24 = arith.constant 64 : i32
      %mul3A_25 = arith.muli %scan3A_21, %mul3A_24 : i32
      %add3A_26 = arith.addi %mul3A_23, %mul3A_25 : i32
      %run_scoped3A = arith.constant 0 : i32
      "tpu.region"() ({
        %run_scoped3A_36 = tpu.sem_alloc : memref<!tpu.dma_semaphore, #tpu.memory_space<semaphore_mem>>
        %dma_start3A = arith.constant 0 : i32
        %dma_start3A_37 = tpu.memref_slice %arg2[%run_scoped3A, %add3A_26, %dma_start3A] : memref<2x5120x16xf32, #tpu.memory_space<hbm>> -> memref<1x64x16xf32, #tpu.memory_space<hbm>>
        %dma_start3A_38 = tpu.memref_squeeze %dma_start3A_37 : memref<1x64x16xf32, #tpu.memory_space<hbm>> -> memref<64x16xf32, #tpu.memory_space<hbm>>
        %dma_start3A_39 = arith.constant 0 : i32
        %dma_start3A_40 = tpu.memref_slice %arg2[%run_scoped3A, %add3A_26, %dma_start3A_39] : memref<2x5120x16xf32, #tpu.memory_space<hbm>> -> memref<1x64x16xf32, #tpu.memory_space<hbm>>
        %dma_start3A_41 = tpu.memref_squeeze %dma_start3A_40 : memref<1x64x16xf32, #tpu.memory_space<hbm>> -> memref<64x16xf32, #tpu.memory_space<hbm>>
        tpu.enqueue_dma source(%dma_start3A_41 : memref<64x16xf32, #tpu.memory_space<hbm>>) target(%arg15 : memref<64x16xf32, #tpu.memory_space<vmem>>) target_semaphore(%run_scoped3A_36 : memref<!tpu.dma_semaphore, #tpu.memory_space<semaphore_mem>>)
        %dma_wait3A = arith.constant 0 : i32
        %dma_wait3A_42 = tpu.memref_slice %arg2[%run_scoped3A, %add3A_26, %dma_wait3A] : memref<2x5120x16xf32, #tpu.memory_space<hbm>> -> memref<1x64x16xf32, #tpu.memory_space<hbm>>
        %dma_wait3A_43 = tpu.memref_squeeze %dma_wait3A_42 : memref<1x64x16xf32, #tpu.memory_space<hbm>> -> memref<64x16xf32, #tpu.memory_space<hbm>>
        %dma_wait3A_44 = arith.constant 0 : i32
        %dma_wait3A_45 = tpu.memref_slice %arg2[%run_scoped3A, %add3A_26, %dma_wait3A_44] : memref<2x5120x16xf32, #tpu.memory_space<hbm>> -> memref<1x64x16xf32, #tpu.memory_space<hbm>>
        %dma_wait3A_46 = tpu.memref_squeeze %dma_wait3A_45 : memref<1x64x16xf32, #tpu.memory_space<hbm>> -> memref<64x16xf32, #tpu.memory_space<hbm>>
        tpu.wait_dma2 semaphore(%run_scoped3A_36 : memref<!tpu.dma_semaphore, #tpu.memory_space<semaphore_mem>>) src(%dma_wait3A_46 : memref<64x16xf32, #tpu.memory_space<hbm>>) dst(%arg15 : memref<64x16xf32, #tpu.memory_space<vmem>>)
        tpu.yield
      }) : () -> ()
      %run_scoped3A_27 = arith.constant 1 : i32
      "tpu.region"() ({
        %run_scoped3A_36 = tpu.sem_alloc : memref<!tpu.dma_semaphore, #tpu.memory_space<semaphore_mem>>
        %dma_start3A = arith.constant 0 : i32
        %dma_start3A_37 = tpu.memref_slice %arg2[%run_scoped3A_27, %add3A_26, %dma_start3A] : memref<2x5120x16xf32, #tpu.memory_space<hbm>> -> memref<1x64x16xf32, #tpu.memory_space<hbm>>
        %dma_start3A_38 = tpu.memref_squeeze %dma_start3A_37 : memref<1x64x16xf32, #tpu.memory_space<hbm>> -> memref<64x16xf32, #tpu.memory_space<hbm>>
        %dma_start3A_39 = arith.constant 0 : i32
        %dma_start3A_40 = tpu.memref_slice %arg2[%run_scoped3A_27, %add3A_26, %dma_start3A_39] : memref<2x5120x16xf32, #tpu.memory_space<hbm>> -> memref<1x64x16xf32, #tpu.memory_space<hbm>>
        %dma_start3A_41 = tpu.memref_squeeze %dma_start3A_40 : memref<1x64x16xf32, #tpu.memory_space<hbm>> -> memref<64x16xf32, #tpu.memory_space<hbm>>
        tpu.enqueue_dma source(%dma_start3A_41 : memref<64x16xf32, #tpu.memory_space<hbm>>) target(%arg16 : memref<64x16xf32, #tpu.memory_space<vmem>>) target_semaphore(%run_scoped3A_36 : memref<!tpu.dma_semaphore, #tpu.memory_space<semaphore_mem>>)
        %dma_wait3A = arith.constant 0 : i32
        %dma_wait3A_42 = tpu.memref_slice %arg2[%run_scoped3A_27, %add3A_26, %dma_wait3A] : memref<2x5120x16xf32, #tpu.memory_space<hbm>> -> memref<1x64x16xf32, #tpu.memory_space<hbm>>
        %dma_wait3A_43 = tpu.memref_squeeze %dma_wait3A_42 : memref<1x64x16xf32, #tpu.memory_space<hbm>> -> memref<64x16xf32, #tpu.memory_space<hbm>>
        %dma_wait3A_44 = arith.constant 0 : i32
        %dma_wait3A_45 = tpu.memref_slice %arg2[%run_scoped3A_27, %add3A_26, %dma_wait3A_44] : memref<2x5120x16xf32, #tpu.memory_space<hbm>> -> memref<1x64x16xf32, #tpu.memory_space<hbm>>
        %dma_wait3A_46 = tpu.memref_squeeze %dma_wait3A_45 : memref<1x64x16xf32, #tpu.memory_space<hbm>> -> memref<64x16xf32, #tpu.memory_space<hbm>>
        tpu.wait_dma2 semaphore(%run_scoped3A_36 : memref<!tpu.dma_semaphore, #tpu.memory_space<semaphore_mem>>) src(%dma_wait3A_46 : memref<64x16xf32, #tpu.memory_space<hbm>>) dst(%arg16 : memref<64x16xf32, #tpu.memory_space<vmem>>)
        tpu.yield
      }) : () -> ()
      %scan3A_28 = arith.constant 0 : i32
      %scan3A_29 = arith.constant 0 : i32
      %scan3A_30 = arith.constant 64 : i32
      %scan3A_31 = arith.addi %scan3A_29, %scan3A_30 : i32
      %scan3A_32 = arith.constant 1 : i32
      scf.for %scan3A_36 = %scan3A_29 to %scan3A_31 step %scan3A_32  : i32 {
        %get3A = arith.index_cast %scan3A_36 : i32 to index
        %get3A_37 = arith.constant 0 : index
        %get3A_38 = tpu.vector_load %arg15[%get3A, %get3A_37] {strides = array<i32>} : memref<64x16xf32, #tpu.memory_space<vmem>>, vector<16xf32>,
        %get3A_39 = arith.index_cast %scan3A_36 : i32 to index
        %get3A_40 = arith.constant 0 : index
        %get3A_41 = tpu.vector_load %arg16[%get3A_39, %get3A_40] {strides = array<i32>} : memref<64x16xf32, #tpu.memory_space<vmem>>, vector<16xf32>,
        %add3A_42 = arith.addf %get3A_38, %get3A_41 : vector<16xf32>
        %add3A_43 = arith.constant 9.99999971E-10 : f32
        %add3A_44 = vector.broadcast %add3A_43 : f32 to vector<16xf32>
        %add3A_45 = arith.addf %add3A_42, %add3A_44 : vector<16xf32>
        %div3A = arith.constant 1.000000e+00 : f32
        %div3A_46 = vector.broadcast %div3A : f32 to vector<16xf32>
        %div3A_47 = arith.divf %div3A_46, %add3A_45 : vector<16xf32>
        %mul3A_48 = arith.constant 2 : i32
        %mul3A_49 = arith.muli %mul3A_48, %scan3A_36 : i32
        %add3A_50 = vector.broadcast %mul3A_49 : i32 to vector<16xi32>
        %add3A_51 = arith.addi %shift_right_arithmetic3A_2, %add3A_50 : vector<16xi32>
        tpu.vector_store_idx %arg17[%add3A_51, %and3A_4], %div3A_47 : memref<128x8xf32, #tpu.memory_space<vmem>>[vector<16xi32>, vector<16xi32>], vector<16xf32>,
      }
      %scan3A_33 = arith.constant 64 : i32
      %mul3A_34 = arith.constant 2 : i32
      %mul3A_35 = arith.muli %add3A_26, %mul3A_34 : i32
      "tpu.region"() ({
        %run_scoped3A_36 = tpu.sem_alloc : memref<!tpu.dma_semaphore, #tpu.memory_space<semaphore_mem>>
        %dma_start3A = arith.constant 0 : i32
        %dma_start3A_37 = tpu.memref_slice %arg8[%mul3A_35, %dma_start3A] : memref<10240x8xf32, #tpu.memory_space<vmem_shared>> -> memref<128x8xf32, #tpu.memory_space<vmem_shared>>
        %dma_start3A_38 = arith.constant 0 : i32
        %dma_start3A_39 = tpu.memref_slice %arg8[%mul3A_35, %dma_start3A_38] : memref<10240x8xf32, #tpu.memory_space<vmem_shared>> -> memref<128x8xf32, #tpu.memory_space<vmem_shared>>
        tpu.enqueue_dma source(%arg17 : memref<128x8xf32, #tpu.memory_space<vmem>>) target(%dma_start3A_39 : memref<128x8xf32, #tpu.memory_space<vmem_shared>>) target_semaphore(%run_scoped3A_36 : memref<!tpu.dma_semaphore, #tpu.memory_space<semaphore_mem>>)
        %dma_wait3A = arith.constant 0 : i32
        %dma_wait3A_40 = tpu.memref_slice %arg8[%mul3A_35, %dma_wait3A] : memref<10240x8xf32, #tpu.memory_space<vmem_shared>> -> memref<128x8xf32, #tpu.memory_space<vmem_shared>>
        %dma_wait3A_41 = arith.constant 0 : i32
        %dma_wait3A_42 = tpu.memref_slice %arg8[%mul3A_35, %dma_wait3A_41] : memref<10240x8xf32, #tpu.memory_space<vmem_shared>> -> memref<128x8xf32, #tpu.memory_space<vmem_shared>>
        tpu.wait_dma2 semaphore(%run_scoped3A_36 : memref<!tpu.dma_semaphore, #tpu.memory_space<semaphore_mem>>) src(%arg17 : memref<128x8xf32, #tpu.memory_space<vmem>>) dst(%dma_wait3A_42 : memref<128x8xf32, #tpu.memory_space<vmem_shared>>)
        tpu.yield
      }) : () -> ()
    }
    %scan3A_9 = arith.constant 5 : i32
    %mul3A_10 = arith.constant 12544 : i32
    %mul3A_11 = arith.muli %arg1, %mul3A_10 : i32
    "tpu.region"() ({
      %run_scoped3A = tpu.sem_alloc : memref<!tpu.dma_semaphore, #tpu.memory_space<semaphore_mem>>
      %dma_start3A = arith.constant 0 : i32
      %dma_start3A_21 = tpu.memref_slice %arg9[%mul3A_11, %dma_start3A] : memref<200704x8xf32, #tpu.memory_space<vmem_shared>> -> memref<12544x8xf32, #tpu.memory_space<vmem_shared>>
      tpu.enqueue_dma source(%arg6 : memref<12544x8xf32, #tpu.memory_space<hbm>>) target(%dma_start3A_21 : memref<12544x8xf32, #tpu.memory_space<vmem_shared>>) target_semaphore(%run_scoped3A : memref<!tpu.dma_semaphore, #tpu.memory_space<semaphore_mem>>)
      %dma_wait3A = arith.constant 0 : i32
      %dma_wait3A_22 = tpu.memref_slice %arg9[%mul3A_11, %dma_wait3A] : memref<200704x8xf32, #tpu.memory_space<vmem_shared>> -> memref<12544x8xf32, #tpu.memory_space<vmem_shared>>
      tpu.wait_dma2 semaphore(%run_scoped3A : memref<!tpu.dma_semaphore, #tpu.memory_space<semaphore_mem>>) src(%arg6 : memref<12544x8xf32, #tpu.memory_space<hbm>>) dst(%dma_wait3A_22 : memref<12544x8xf32, #tpu.memory_space<vmem_shared>>)
      tpu.yield
    }) : () -> ()
    %barrier3A = arith.constant 0 : index
    tpu.barrier barrier_id(%barrier3A)
    %scan3A_12 = arith.constant 0 : i32
    %scan3A_13 = arith.constant 0 : i32
    %scan3A_14 = arith.constant 79 : i32
    %scan3A_15 = arith.addi %scan3A_13, %scan3A_14 : i32
    %scan3A_16 = arith.constant 1 : i32
    scf.for %scan3A_21 = %scan3A_13 to %scan3A_15 step %scan3A_16  : i32 {
      "tpu.region"() ({
        %run_scoped3A = tpu.sem_alloc : memref<!tpu.dma_semaphore, #tpu.memory_space<semaphore_mem>>
        %dma_start3A = arith.constant 0 : i32
        %dma_start3A_405 = tpu.memref_slice %arg5[%add3A, %scan3A_21, %dma_start3A] : memref<32x79x128xi32, #tpu.memory_space<hbm>> -> memref<1x1x128xi32, #tpu.memory_space<hbm>>
        %dma_start3A_406 = tpu.memref_squeeze %dma_start3A_405 : memref<1x1x128xi32, #tpu.memory_space<hbm>> -> memref<128xi32, #tpu.memory_space<hbm>>
        %dma_start3A_407 = arith.constant 0 : i32
        %dma_start3A_408 = tpu.memref_slice %arg5[%add3A, %scan3A_21, %dma_start3A_407] : memref<32x79x128xi32, #tpu.memory_space<hbm>> -> memref<1x1x128xi32, #tpu.memory_space<hbm>>
        %dma_start3A_409 = tpu.memref_squeeze %dma_start3A_408 : memref<1x1x128xi32, #tpu.memory_space<hbm>> -> memref<128xi32, #tpu.memory_space<hbm>>
        tpu.enqueue_dma source(%dma_start3A_409 : memref<128xi32, #tpu.memory_space<hbm>>) target(%arg10 : memref<128xi32, #tpu.memory_space<vmem>>) target_semaphore(%run_scoped3A : memref<!tpu.dma_semaphore, #tpu.memory_space<semaphore_mem>>)
        %dma_wait3A = arith.constant 0 : i32
        %dma_wait3A_410 = tpu.memref_slice %arg5[%add3A, %scan3A_21, %dma_wait3A] : memref<32x79x128xi32, #tpu.memory_space<hbm>> -> memref<1x1x128xi32, #tpu.memory_space<hbm>>
        %dma_wait3A_411 = tpu.memref_squeeze %dma_wait3A_410 : memref<1x1x128xi32, #tpu.memory_space<hbm>> -> memref<128xi32, #tpu.memory_space<hbm>>
        %dma_wait3A_412 = arith.constant 0 : i32
        %dma_wait3A_413 = tpu.memref_slice %arg5[%add3A, %scan3A_21, %dma_wait3A_412] : memref<32x79x128xi32, #tpu.memory_space<hbm>> -> memref<1x1x128xi32, #tpu.memory_space<hbm>>
        %dma_wait3A_414 = tpu.memref_squeeze %dma_wait3A_413 : memref<1x1x128xi32, #tpu.memory_space<hbm>> -> memref<128xi32, #tpu.memory_space<hbm>>
        tpu.wait_dma2 semaphore(%run_scoped3A : memref<!tpu.dma_semaphore, #tpu.memory_space<semaphore_mem>>) src(%dma_wait3A_414 : memref<128xi32, #tpu.memory_space<hbm>>) dst(%arg10 : memref<128xi32, #tpu.memory_space<vmem>>)
        tpu.yield
      }) : () -> ()
      "tpu.region"() ({
        %run_scoped3A = tpu.sem_alloc : memref<!tpu.dma_semaphore, #tpu.memory_space<semaphore_mem>>
        %dma_start3A = arith.constant 0 : i32
        %dma_start3A_405 = tpu.memref_slice %arg4[%add3A, %scan3A_21, %dma_start3A] : memref<32x79x128xi32, #tpu.memory_space<hbm>> -> memref<1x1x128xi32, #tpu.memory_space<hbm>>
        %dma_start3A_406 = tpu.memref_squeeze %dma_start3A_405 : memref<1x1x128xi32, #tpu.memory_space<hbm>> -> memref<128xi32, #tpu.memory_space<hbm>>
        %dma_start3A_407 = arith.constant 0 : i32
        %dma_start3A_408 = tpu.memref_slice %arg4[%add3A, %scan3A_21, %dma_start3A_407] : memref<32x79x128xi32, #tpu.memory_space<hbm>> -> memref<1x1x128xi32, #tpu.memory_space<hbm>>
        %dma_start3A_409 = tpu.memref_squeeze %dma_start3A_408 : memref<1x1x128xi32, #tpu.memory_space<hbm>> -> memref<128xi32, #tpu.memory_space<hbm>>
        tpu.enqueue_dma source(%dma_start3A_409 : memref<128xi32, #tpu.memory_space<hbm>>) target(%arg11 : memref<128xi32, #tpu.memory_space<vmem>>) target_semaphore(%run_scoped3A : memref<!tpu.dma_semaphore, #tpu.memory_space<semaphore_mem>>)
        %dma_wait3A = arith.constant 0 : i32
        %dma_wait3A_410 = tpu.memref_slice %arg4[%add3A, %scan3A_21, %dma_wait3A] : memref<32x79x128xi32, #tpu.memory_space<hbm>> -> memref<1x1x128xi32, #tpu.memory_space<hbm>>
        %dma_wait3A_411 = tpu.memref_squeeze %dma_wait3A_410 : memref<1x1x128xi32, #tpu.memory_space<hbm>> -> memref<128xi32, #tpu.memory_space<hbm>>
        %dma_wait3A_412 = arith.constant 0 : i32
        %dma_wait3A_413 = tpu.memref_slice %arg4[%add3A, %scan3A_21, %dma_wait3A_412] : memref<32x79x128xi32, #tpu.memory_space<hbm>> -> memref<1x1x128xi32, #tpu.memory_space<hbm>>
        %dma_wait3A_414 = tpu.memref_squeeze %dma_wait3A_413 : memref<1x1x128xi32, #tpu.memory_space<hbm>> -> memref<128xi32, #tpu.memory_space<hbm>>
        tpu.wait_dma2 semaphore(%run_scoped3A : memref<!tpu.dma_semaphore, #tpu.memory_space<semaphore_mem>>) src(%dma_wait3A_414 : memref<128xi32, #tpu.memory_space<hbm>>) dst(%arg11 : memref<128xi32, #tpu.memory_space<vmem>>)
        tpu.yield
      }) : () -> ()
      "tpu.region"() ({
        %run_scoped3A = tpu.sem_alloc : memref<!tpu.dma_semaphore, #tpu.memory_space<semaphore_mem>>
        %dma_start3A = arith.constant 0 : i32
        %dma_start3A_405 = arith.constant 0 : i32
        %dma_start3A_406 = tpu.memref_slice %arg3[%add3A, %scan3A_21, %dma_start3A, %dma_start3A_405] : memref<32x79x128x8xf32, #tpu.memory_space<hbm>> -> memref<1x1x128x8xf32, #tpu.memory_space<hbm>>
        %dma_start3A_407 = tpu.memref_squeeze %dma_start3A_406 : memref<1x1x128x8xf32, #tpu.memory_space<hbm>> -> memref<128x8xf32, #tpu.memory_space<hbm>>
        %dma_start3A_408 = arith.constant 0 : i32
        %dma_start3A_409 = arith.constant 0 : i32
        %dma_start3A_410 = tpu.memref_slice %arg3[%add3A, %scan3A_21, %dma_start3A_408, %dma_start3A_409] : memref<32x79x128x8xf32, #tpu.memory_space<hbm>> -> memref<1x1x128x8xf32, #tpu.memory_space<hbm>>
        %dma_start3A_411 = tpu.memref_squeeze %dma_start3A_410 : memref<1x1x128x8xf32, #tpu.memory_space<hbm>> -> memref<128x8xf32, #tpu.memory_space<hbm>>
        tpu.enqueue_dma source(%dma_start3A_411 : memref<128x8xf32, #tpu.memory_space<hbm>>) target(%arg12 : memref<128x8xf32, #tpu.memory_space<vmem>>) target_semaphore(%run_scoped3A : memref<!tpu.dma_semaphore, #tpu.memory_space<semaphore_mem>>)
        %dma_wait3A = arith.constant 0 : i32
        %dma_wait3A_412 = arith.constant 0 : i32
        %dma_wait3A_413 = tpu.memref_slice %arg3[%add3A, %scan3A_21, %dma_wait3A, %dma_wait3A_412] : memref<32x79x128x8xf32, #tpu.memory_space<hbm>> -> memref<1x1x128x8xf32, #tpu.memory_space<hbm>>
        %dma_wait3A_414 = tpu.memref_squeeze %dma_wait3A_413 : memref<1x1x128x8xf32, #tpu.memory_space<hbm>> -> memref<128x8xf32, #tpu.memory_space<hbm>>
        %dma_wait3A_415 = arith.constant 0 : i32
        %dma_wait3A_416 = arith.constant 0 : i32
        %dma_wait3A_417 = tpu.memref_slice %arg3[%add3A, %scan3A_21, %dma_wait3A_415, %dma_wait3A_416] : memref<32x79x128x8xf32, #tpu.memory_space<hbm>> -> memref<1x1x128x8xf32, #tpu.memory_space<hbm>>
        %dma_wait3A_418 = tpu.memref_squeeze %dma_wait3A_417 : memref<1x1x128x8xf32, #tpu.memory_space<hbm>> -> memref<128x8xf32, #tpu.memory_space<hbm>>
        tpu.wait_dma2 semaphore(%run_scoped3A : memref<!tpu.dma_semaphore, #tpu.memory_space<semaphore_mem>>) src(%dma_wait3A_418 : memref<128x8xf32, #tpu.memory_space<hbm>>) dst(%arg12 : memref<128x8xf32, #tpu.memory_space<vmem>>)
        tpu.yield
      }) : () -> ()
      "tpu.region"() ({
        %run_scoped3A = tpu.sem_alloc : memref<!tpu.dma_semaphore, #tpu.memory_space<semaphore_mem>>
        %dma_start3A = arith.constant 0 : i32
        %dma_start3A_405 = arith.constant 0 : i32
        %dma_start3A_406 = tpu.memref_slice %arg8[%dma_start3A, %dma_start3A_405] : memref<10240x8xf32, #tpu.memory_space<vmem_shared>> -> memref<10240x8xf32, #tpu.memory_space<vmem_shared>>
        tpu.enqueue_indirect_dma source(%dma_start3A_406 : memref<10240x8xf32, #tpu.memory_space<vmem_shared>>) target(%arg13 : memref<128x8xf32, #tpu.memory_space<vmem>>) offsets(%arg10 : memref<128xi32, #tpu.memory_space<vmem>>) semaphore(%run_scoped3A : memref<!tpu.dma_semaphore, #tpu.memory_space<semaphore_mem>>)
        %dma_wait3A = arith.constant 0 : i32
        %dma_wait3A_407 = arith.constant 0 : i32
        %dma_wait3A_408 = tpu.memref_slice %arg8[%dma_wait3A, %dma_wait3A_407] : memref<10240x8xf32, #tpu.memory_space<vmem_shared>> -> memref<10240x8xf32, #tpu.memory_space<vmem_shared>>
        tpu.wait_indirect_dma semaphore(%run_scoped3A : memref<!tpu.dma_semaphore, #tpu.memory_space<semaphore_mem>>) src(%dma_wait3A_408 : memref<10240x8xf32, #tpu.memory_space<vmem_shared>>) dst(%arg13 : memref<128x8xf32, #tpu.memory_space<vmem>>)
        tpu.yield
      }) : () -> ()
      %add3A_22 = arith.constant 0 : i32
      %add3A_23 = vector.broadcast %add3A_22 : i32 to vector<16xi32>
      %add3A_24 = arith.addi %shift_right_arithmetic3A_2, %add3A_23 : vector<16xi32>
      %gather3A = tpu.vector_load_idx %arg12[%add3A_24, %and3A_4] : memref<128x8xf32, #tpu.memory_space<vmem>>[vector<16xi32>, vector<16xi32>], vector<16xf32>,
      %gather3A_25 = tpu.vector_load_idx %arg13[%add3A_24, %and3A_4] : memref<128x8xf32, #tpu.memory_space<vmem>>[vector<16xi32>, vector<16xi32>], vector<16xf32>,
      %mul3A_26 = arith.mulf %gather3A, %gather3A_25 : vector<16xf32>
      tpu.vector_store_idx %arg14[%add3A_24, %and3A_4], %mul3A_26 : memref<128x8xf32, #tpu.memory_space<vmem>>[vector<16xi32>, vector<16xi32>], vector<16xf32>,
      %add3A_27 = arith.constant 2 : i32
      %add3A_28 = vector.broadcast %add3A_27 : i32 to vector<16xi32>
      %add3A_29 = arith.addi %shift_right_arithmetic3A_2, %add3A_28 : vector<16xi32>
      %gather3A_30 = tpu.vector_load_idx %arg12[%add3A_29, %and3A_4] : memref<128x8xf32, #tpu.memory_space<vmem>>[vector<16xi32>, vector<16xi32>], vector<16xf32>,
      %gather3A_31 = tpu.vector_load_idx %arg13[%add3A_29, %and3A_4] : memref<128x8xf32, #tpu.memory_space<vmem>>[vector<16xi32>, vector<16xi32>], vector<16xf32>,
      %mul3A_32 = arith.mulf %gather3A_30, %gather3A_31 : vector<16xf32>
      tpu.vector_store_idx %arg14[%add3A_29, %and3A_4], %mul3A_32 : memref<128x8xf32, #tpu.memory_space<vmem>>[vector<16xi32>, vector<16xi32>], vector<16xf32>,
      %add3A_33 = arith.constant 4 : i32
      %add3A_34 = vector.broadcast %add3A_33 : i32 to vector<16xi32>
      %add3A_35 = arith.addi %shift_right_arithmetic3A_2, %add3A_34 : vector<16xi32>
      %gather3A_36 = tpu.vector_load_idx %arg12[%add3A_35, %and3A_4] : memref<128x8xf32, #tpu.memory_space<vmem>>[vector<16xi32>, vector<16xi32>], vector<16xf32>,
      %gather3A_37 = tpu.vector_load_idx %arg13[%add3A_35, %and3A_4] : memref<128x8xf32, #tpu.memory_space<vmem>>[vector<16xi32>, vector<16xi32>], vector<16xf32>,
      %mul3A_38 = arith.mulf %gather3A_36, %gather3A_37 : vector<16xf32>
      tpu.vector_store_idx %arg14[%add3A_35, %and3A_4], %mul3A_38 : memref<128x8xf32, #tpu.memory_space<vmem>>[vector<16xi32>, vector<16xi32>], vector<16xf32>,
      %add3A_39 = arith.constant 6 : i32
      %add3A_40 = vector.broadcast %add3A_39 : i32 to vector<16xi32>
      %add3A_41 = arith.addi %shift_right_arithmetic3A_2, %add3A_40 : vector<16xi32>
      %gather3A_42 = tpu.vector_load_idx %arg12[%add3A_41, %and3A_4] : memref<128x8xf32, #tpu.memory_space<vmem>>[vector<16xi32>, vector<16xi32>], vector<16xf32>,
      %gather3A_43 = tpu.vector_load_idx %arg13[%add3A_41, %and3A_4] : memref<128x8xf32, #tpu.memory_space<vmem>>[vector<16xi32>, vector<16xi32>], vector<16xf32>,
      %mul3A_44 = arith.mulf %gather3A_42, %gather3A_43 : vector<16xf32>
      tpu.vector_store_idx %arg14[%add3A_41, %and3A_4], %mul3A_44 : memref<128x8xf32, #tpu.memory_space<vmem>>[vector<16xi32>, vector<16xi32>], vector<16xf32>,
      %add3A_45 = arith.constant 8 : i32
      %add3A_46 = vector.broadcast %add3A_45 : i32 to vector<16xi32>
      %add3A_47 = arith.addi %shift_right_arithmetic3A_2, %add3A_46 : vector<16xi32>
      %gather3A_48 = tpu.vector_load_idx %arg12[%add3A_47, %and3A_4] : memref<128x8xf32, #tpu.memory_space<vmem>>[vector<16xi32>, vector<16xi32>], vector<16xf32>,
      %gather3A_49 = tpu.vector_load_idx %arg13[%add3A_47, %and3A_4] : memref<128x8xf32, #tpu.memory_space<vmem>>[vector<16xi32>, vector<16xi32>], vector<16xf32>,
      %mul3A_50 = arith.mulf %gather3A_48, %gather3A_49 : vector<16xf32>
      tpu.vector_store_idx %arg14[%add3A_47, %and3A_4], %mul3A_50 : memref<128x8xf32, #tpu.memory_space<vmem>>[vector<16xi32>, vector<16xi32>], vector<16xf32>,
      %add3A_51 = arith.constant 10 : i32
      %add3A_52 = vector.broadcast %add3A_51 : i32 to vector<16xi32>
      %add3A_53 = arith.addi %shift_right_arithmetic3A_2, %add3A_52 : vector<16xi32>
      %gather3A_54 = tpu.vector_load_idx %arg12[%add3A_53, %and3A_4] : memref<128x8xf32, #tpu.memory_space<vmem>>[vector<16xi32>, vector<16xi32>], vector<16xf32>,
      %gather3A_55 = tpu.vector_load_idx %arg13[%add3A_53, %and3A_4] : memref<128x8xf32, #tpu.memory_space<vmem>>[vector<16xi32>, vector<16xi32>], vector<16xf32>,
      %mul3A_56 = arith.mulf %gather3A_54, %gather3A_55 : vector<16xf32>
      tpu.vector_store_idx %arg14[%add3A_53, %and3A_4], %mul3A_56 : memref<128x8xf32, #tpu.memory_space<vmem>>[vector<16xi32>, vector<16xi32>], vector<16xf32>,
      %add3A_57 = arith.constant 12 : i32
      %add3A_58 = vector.broadcast %add3A_57 : i32 to vector<16xi32>
      %add3A_59 = arith.addi %shift_right_arithmetic3A_2, %add3A_58 : vector<16xi32>
      %gather3A_60 = tpu.vector_load_idx %arg12[%add3A_59, %and3A_4] : memref<128x8xf32, #tpu.memory_space<vmem>>[vector<16xi32>, vector<16xi32>], vector<16xf32>,
      %gather3A_61 = tpu.vector_load_idx %arg13[%add3A_59, %and3A_4] : memref<128x8xf32, #tpu.memory_space<vmem>>[vector<16xi32>, vector<16xi32>], vector<16xf32>,
      %mul3A_62 = arith.mulf %gather3A_60, %gather3A_61 : vector<16xf32>
      tpu.vector_store_idx %arg14[%add3A_59, %and3A_4], %mul3A_62 : memref<128x8xf32, #tpu.memory_space<vmem>>[vector<16xi32>, vector<16xi32>], vector<16xf32>,
      %add3A_63 = arith.constant 14 : i32
      %add3A_64 = vector.broadcast %add3A_63 : i32 to vector<16xi32>
      %add3A_65 = arith.addi %shift_right_arithmetic3A_2, %add3A_64 : vector<16xi32>
      %gather3A_66 = tpu.vector_load_idx %arg12[%add3A_65, %and3A_4] : memref<128x8xf32, #tpu.memory_space<vmem>>[vector<16xi32>, vector<16xi32>], vector<16xf32>,
      %gather3A_67 = tpu.vector_load_idx %arg13[%add3A_65, %and3A_4] : memref<128x8xf32, #tpu.memory_space<vmem>>[vector<16xi32>, vector<16xi32>], vector<16xf32>,
      %mul3A_68 = arith.mulf %gather3A_66, %gather3A_67 : vector<16xf32>
      tpu.vector_store_idx %arg14[%add3A_65, %and3A_4], %mul3A_68 : memref<128x8xf32, #tpu.memory_space<vmem>>[vector<16xi32>, vector<16xi32>], vector<16xf32>,
      %add3A_69 = arith.constant 16 : i32
      %add3A_70 = vector.broadcast %add3A_69 : i32 to vector<16xi32>
      %add3A_71 = arith.addi %shift_right_arithmetic3A_2, %add3A_70 : vector<16xi32>
      %gather3A_72 = tpu.vector_load_idx %arg12[%add3A_71, %and3A_4] : memref<128x8xf32, #tpu.memory_space<vmem>>[vector<16xi32>, vector<16xi32>], vector<16xf32>,
      %gather3A_73 = tpu.vector_load_idx %arg13[%add3A_71, %and3A_4] : memref<128x8xf32, #tpu.memory_space<vmem>>[vector<16xi32>, vector<16xi32>], vector<16xf32>,
      %mul3A_74 = arith.mulf %gather3A_72, %gather3A_73 : vector<16xf32>
      tpu.vector_store_idx %arg14[%add3A_71, %and3A_4], %mul3A_74 : memref<128x8xf32, #tpu.memory_space<vmem>>[vector<16xi32>, vector<16xi32>], vector<16xf32>,
      %add3A_75 = arith.constant 18 : i32
      %add3A_76 = vector.broadcast %add3A_75 : i32 to vector<16xi32>
      %add3A_77 = arith.addi %shift_right_arithmetic3A_2, %add3A_76 : vector<16xi32>
      %gather3A_78 = tpu.vector_load_idx %arg12[%add3A_77, %and3A_4] : memref<128x8xf32, #tpu.memory_space<vmem>>[vector<16xi32>, vector<16xi32>], vector<16xf32>,
      %gather3A_79 = tpu.vector_load_idx %arg13[%add3A_77, %and3A_4] : memref<128x8xf32, #tpu.memory_space<vmem>>[vector<16xi32>, vector<16xi32>], vector<16xf32>,
      %mul3A_80 = arith.mulf %gather3A_78, %gather3A_79 : vector<16xf32>
      tpu.vector_store_idx %arg14[%add3A_77, %and3A_4], %mul3A_80 : memref<128x8xf32, #tpu.memory_space<vmem>>[vector<16xi32>, vector<16xi32>], vector<16xf32>,
      %add3A_81 = arith.constant 20 : i32
      %add3A_82 = vector.broadcast %add3A_81 : i32 to vector<16xi32>
      %add3A_83 = arith.addi %shift_right_arithmetic3A_2, %add3A_82 : vector<16xi32>
      %gather3A_84 = tpu.vector_load_idx %arg12[%add3A_83, %and3A_4] : memref<128x8xf32, #tpu.memory_space<vmem>>[vector<16xi32>, vector<16xi32>], vector<16xf32>,
      %gather3A_85 = tpu.vector_load_idx %arg13[%add3A_83, %and3A_4] : memref<128x8xf32, #tpu.memory_space<vmem>>[vector<16xi32>, vector<16xi32>], vector<16xf32>,
      %mul3A_86 = arith.mulf %gather3A_84, %gather3A_85 : vector<16xf32>
      tpu.vector_store_idx %arg14[%add3A_83, %and3A_4], %mul3A_86 : memref<128x8xf32, #tpu.memory_space<vmem>>[vector<16xi32>, vector<16xi32>], vector<16xf32>,
      %add3A_87 = arith.constant 22 : i32
      %add3A_88 = vector.broadcast %add3A_87 : i32 to vector<16xi32>
      %add3A_89 = arith.addi %shift_right_arithmetic3A_2, %add3A_88 : vector<16xi32>
      %gather3A_90 = tpu.vector_load_idx %arg12[%add3A_89, %and3A_4] : memref<128x8xf32, #tpu.memory_space<vmem>>[vector<16xi32>, vector<16xi32>], vector<16xf32>,
      %gather3A_91 = tpu.vector_load_idx %arg13[%add3A_89, %and3A_4] : memref<128x8xf32, #tpu.memory_space<vmem>>[vector<16xi32>, vector<16xi32>], vector<16xf32>,
      %mul3A_92 = arith.mulf %gather3A_90, %gather3A_91 : vector<16xf32>
      tpu.vector_store_idx %arg14[%add3A_89, %and3A_4], %mul3A_92 : memref<128x8xf32, #tpu.memory_space<vmem>>[vector<16xi32>, vector<16xi32>], vector<16xf32>,
      %add3A_93 = arith.constant 24 : i32
      %add3A_94 = vector.broadcast %add3A_93 : i32 to vector<16xi32>
      %add3A_95 = arith.addi %shift_right_arithmetic3A_2, %add3A_94 : vector<16xi32>
      %gather3A_96 = tpu.vector_load_idx %arg12[%add3A_95, %and3A_4] : memref<128x8xf32, #tpu.memory_space<vmem>>[vector<16xi32>, vector<16xi32>], vector<16xf32>,
      %gather3A_97 = tpu.vector_load_idx %arg13[%add3A_95, %and3A_4] : memref<128x8xf32, #tpu.memory_space<vmem>>[vector<16xi32>, vector<16xi32>], vector<16xf32>,
      %mul3A_98 = arith.mulf %gather3A_96, %gather3A_97 : vector<16xf32>
      tpu.vector_store_idx %arg14[%add3A_95, %and3A_4], %mul3A_98 : memref<128x8xf32, #tpu.memory_space<vmem>>[vector<16xi32>, vector<16xi32>], vector<16xf32>,
      %add3A_99 = arith.constant 26 : i32
      %add3A_100 = vector.broadcast %add3A_99 : i32 to vector<16xi32>
      %add3A_101 = arith.addi %shift_right_arithmetic3A_2, %add3A_100 : vector<16xi32>
      %gather3A_102 = tpu.vector_load_idx %arg12[%add3A_101, %and3A_4] : memref<128x8xf32, #tpu.memory_space<vmem>>[vector<16xi32>, vector<16xi32>], vector<16xf32>,
      %gather3A_103 = tpu.vector_load_idx %arg13[%add3A_101, %and3A_4] : memref<128x8xf32, #tpu.memory_space<vmem>>[vector<16xi32>, vector<16xi32>], vector<16xf32>,
      %mul3A_104 = arith.mulf %gather3A_102, %gather3A_103 : vector<16xf32>
      tpu.vector_store_idx %arg14[%add3A_101, %and3A_4], %mul3A_104 : memref<128x8xf32, #tpu.memory_space<vmem>>[vector<16xi32>, vector<16xi32>], vector<16xf32>,
      %add3A_105 = arith.constant 28 : i32
      %add3A_106 = vector.broadcast %add3A_105 : i32 to vector<16xi32>
      %add3A_107 = arith.addi %shift_right_arithmetic3A_2, %add3A_106 : vector<16xi32>
      %gather3A_108 = tpu.vector_load_idx %arg12[%add3A_107, %and3A_4] : memref<128x8xf32, #tpu.memory_space<vmem>>[vector<16xi32>, vector<16xi32>], vector<16xf32>,
      %gather3A_109 = tpu.vector_load_idx %arg13[%add3A_107, %and3A_4] : memref<128x8xf32, #tpu.memory_space<vmem>>[vector<16xi32>, vector<16xi32>], vector<16xf32>,
      %mul3A_110 = arith.mulf %gather3A_108, %gather3A_109 : vector<16xf32>
      tpu.vector_store_idx %arg14[%add3A_107, %and3A_4], %mul3A_110 : memref<128x8xf32, #tpu.memory_space<vmem>>[vector<16xi32>, vector<16xi32>], vector<16xf32>,
      %add3A_111 = arith.constant 30 : i32
      %add3A_112 = vector.broadcast %add3A_111 : i32 to vector<16xi32>
      %add3A_113 = arith.addi %shift_right_arithmetic3A_2, %add3A_112 : vector<16xi32>
      %gather3A_114 = tpu.vector_load_idx %arg12[%add3A_113, %and3A_4] : memref<128x8xf32, #tpu.memory_space<vmem>>[vector<16xi32>, vector<16xi32>], vector<16xf32>,
      %gather3A_115 = tpu.vector_load_idx %arg13[%add3A_113, %and3A_4] : memref<128x8xf32, #tpu.memory_space<vmem>>[vector<16xi32>, vector<16xi32>], vector<16xf32>,
      %mul3A_116 = arith.mulf %gather3A_114, %gather3A_115 : vector<16xf32>
      tpu.vector_store_idx %arg14[%add3A_113, %and3A_4], %mul3A_116 : memref<128x8xf32, #tpu.memory_space<vmem>>[vector<16xi32>, vector<16xi32>], vector<16xf32>,
      %add3A_117 = arith.constant 32 : i32
      %add3A_118 = vector.broadcast %add3A_117 : i32 to vector<16xi32>
      %add3A_119 = arith.addi %shift_right_arithmetic3A_2, %add3A_118 : vector<16xi32>
      %gather3A_120 = tpu.vector_load_idx %arg12[%add3A_119, %and3A_4] : memref<128x8xf32, #tpu.memory_space<vmem>>[vector<16xi32>, vector<16xi32>], vector<16xf32>,
      %gather3A_121 = tpu.vector_load_idx %arg13[%add3A_119, %and3A_4] : memref<128x8xf32, #tpu.memory_space<vmem>>[vector<16xi32>, vector<16xi32>], vector<16xf32>,
      %mul3A_122 = arith.mulf %gather3A_120, %gather3A_121 : vector<16xf32>
      tpu.vector_store_idx %arg14[%add3A_119, %and3A_4], %mul3A_122 : memref<128x8xf32, #tpu.memory_space<vmem>>[vector<16xi32>, vector<16xi32>], vector<16xf32>,
      %add3A_123 = arith.constant 34 : i32
      %add3A_124 = vector.broadcast %add3A_123 : i32 to vector<16xi32>
      %add3A_125 = arith.addi %shift_right_arithmetic3A_2, %add3A_124 : vector<16xi32>
      %gather3A_126 = tpu.vector_load_idx %arg12[%add3A_125, %and3A_4] : memref<128x8xf32, #tpu.memory_space<vmem>>[vector<16xi32>, vector<16xi32>], vector<16xf32>,
      %gather3A_127 = tpu.vector_load_idx %arg13[%add3A_125, %and3A_4] : memref<128x8xf32, #tpu.memory_space<vmem>>[vector<16xi32>, vector<16xi32>], vector<16xf32>,
      %mul3A_128 = arith.mulf %gather3A_126, %gather3A_127 : vector<16xf32>
      tpu.vector_store_idx %arg14[%add3A_125, %and3A_4], %mul3A_128 : memref<128x8xf32, #tpu.memory_space<vmem>>[vector<16xi32>, vector<16xi32>], vector<16xf32>,
      %add3A_129 = arith.constant 36 : i32
      %add3A_130 = vector.broadcast %add3A_129 : i32 to vector<16xi32>
      %add3A_131 = arith.addi %shift_right_arithmetic3A_2, %add3A_130 : vector<16xi32>
      %gather3A_132 = tpu.vector_load_idx %arg12[%add3A_131, %and3A_4] : memref<128x8xf32, #tpu.memory_space<vmem>>[vector<16xi32>, vector<16xi32>], vector<16xf32>,
      %gather3A_133 = tpu.vector_load_idx %arg13[%add3A_131, %and3A_4] : memref<128x8xf32, #tpu.memory_space<vmem>>[vector<16xi32>, vector<16xi32>], vector<16xf32>,
      %mul3A_134 = arith.mulf %gather3A_132, %gather3A_133 : vector<16xf32>
      tpu.vector_store_idx %arg14[%add3A_131, %and3A_4], %mul3A_134 : memref<128x8xf32, #tpu.memory_space<vmem>>[vector<16xi32>, vector<16xi32>], vector<16xf32>,
      %add3A_135 = arith.constant 38 : i32
      %add3A_136 = vector.broadcast %add3A_135 : i32 to vector<16xi32>
      %add3A_137 = arith.addi %shift_right_arithmetic3A_2, %add3A_136 : vector<16xi32>
      %gather3A_138 = tpu.vector_load_idx %arg12[%add3A_137, %and3A_4] : memref<128x8xf32, #tpu.memory_space<vmem>>[vector<16xi32>, vector<16xi32>], vector<16xf32>,
      %gather3A_139 = tpu.vector_load_idx %arg13[%add3A_137, %and3A_4] : memref<128x8xf32, #tpu.memory_space<vmem>>[vector<16xi32>, vector<16xi32>], vector<16xf32>,
      %mul3A_140 = arith.mulf %gather3A_138, %gather3A_139 : vector<16xf32>
      tpu.vector_store_idx %arg14[%add3A_137, %and3A_4], %mul3A_140 : memref<128x8xf32, #tpu.memory_space<vmem>>[vector<16xi32>, vector<16xi32>], vector<16xf32>,
      %add3A_141 = arith.constant 40 : i32
      %add3A_142 = vector.broadcast %add3A_141 : i32 to vector<16xi32>
      %add3A_143 = arith.addi %shift_right_arithmetic3A_2, %add3A_142 : vector<16xi32>
      %gather3A_144 = tpu.vector_load_idx %arg12[%add3A_143, %and3A_4] : memref<128x8xf32, #tpu.memory_space<vmem>>[vector<16xi32>, vector<16xi32>], vector<16xf32>,
      %gather3A_145 = tpu.vector_load_idx %arg13[%add3A_143, %and3A_4] : memref<128x8xf32, #tpu.memory_space<vmem>>[vector<16xi32>, vector<16xi32>], vector<16xf32>,
      %mul3A_146 = arith.mulf %gather3A_144, %gather3A_145 : vector<16xf32>
      tpu.vector_store_idx %arg14[%add3A_143, %and3A_4], %mul3A_146 : memref<128x8xf32, #tpu.memory_space<vmem>>[vector<16xi32>, vector<16xi32>], vector<16xf32>,
      %add3A_147 = arith.constant 42 : i32
      %add3A_148 = vector.broadcast %add3A_147 : i32 to vector<16xi32>
      %add3A_149 = arith.addi %shift_right_arithmetic3A_2, %add3A_148 : vector<16xi32>
      %gather3A_150 = tpu.vector_load_idx %arg12[%add3A_149, %and3A_4] : memref<128x8xf32, #tpu.memory_space<vmem>>[vector<16xi32>, vector<16xi32>], vector<16xf32>,
      %gather3A_151 = tpu.vector_load_idx %arg13[%add3A_149, %and3A_4] : memref<128x8xf32, #tpu.memory_space<vmem>>[vector<16xi32>, vector<16xi32>], vector<16xf32>,
      %mul3A_152 = arith.mulf %gather3A_150, %gather3A_151 : vector<16xf32>
      tpu.vector_store_idx %arg14[%add3A_149, %and3A_4], %mul3A_152 : memref<128x8xf32, #tpu.memory_space<vmem>>[vector<16xi32>, vector<16xi32>], vector<16xf32>,
      %add3A_153 = arith.constant 44 : i32
      %add3A_154 = vector.broadcast %add3A_153 : i32 to vector<16xi32>
      %add3A_155 = arith.addi %shift_right_arithmetic3A_2, %add3A_154 : vector<16xi32>
      %gather3A_156 = tpu.vector_load_idx %arg12[%add3A_155, %and3A_4] : memref<128x8xf32, #tpu.memory_space<vmem>>[vector<16xi32>, vector<16xi32>], vector<16xf32>,
      %gather3A_157 = tpu.vector_load_idx %arg13[%add3A_155, %and3A_4] : memref<128x8xf32, #tpu.memory_space<vmem>>[vector<16xi32>, vector<16xi32>], vector<16xf32>,
      %mul3A_158 = arith.mulf %gather3A_156, %gather3A_157 : vector<16xf32>
      tpu.vector_store_idx %arg14[%add3A_155, %and3A_4], %mul3A_158 : memref<128x8xf32, #tpu.memory_space<vmem>>[vector<16xi32>, vector<16xi32>], vector<16xf32>,
      %add3A_159 = arith.constant 46 : i32
      %add3A_160 = vector.broadcast %add3A_159 : i32 to vector<16xi32>
      %add3A_161 = arith.addi %shift_right_arithmetic3A_2, %add3A_160 : vector<16xi32>
      %gather3A_162 = tpu.vector_load_idx %arg12[%add3A_161, %and3A_4] : memref<128x8xf32, #tpu.memory_space<vmem>>[vector<16xi32>, vector<16xi32>], vector<16xf32>,
      %gather3A_163 = tpu.vector_load_idx %arg13[%add3A_161, %and3A_4] : memref<128x8xf32, #tpu.memory_space<vmem>>[vector<16xi32>, vector<16xi32>], vector<16xf32>,
      %mul3A_164 = arith.mulf %gather3A_162, %gather3A_163 : vector<16xf32>
      tpu.vector_store_idx %arg14[%add3A_161, %and3A_4], %mul3A_164 : memref<128x8xf32, #tpu.memory_space<vmem>>[vector<16xi32>, vector<16xi32>], vector<16xf32>,
      %add3A_165 = arith.constant 48 : i32
      %add3A_166 = vector.broadcast %add3A_165 : i32 to vector<16xi32>
      %add3A_167 = arith.addi %shift_right_arithmetic3A_2, %add3A_166 : vector<16xi32>
      %gather3A_168 = tpu.vector_load_idx %arg12[%add3A_167, %and3A_4] : memref<128x8xf32, #tpu.memory_space<vmem>>[vector<16xi32>, vector<16xi32>], vector<16xf32>,
      %gather3A_169 = tpu.vector_load_idx %arg13[%add3A_167, %and3A_4] : memref<128x8xf32, #tpu.memory_space<vmem>>[vector<16xi32>, vector<16xi32>], vector<16xf32>,
      %mul3A_170 = arith.mulf %gather3A_168, %gather3A_169 : vector<16xf32>
      tpu.vector_store_idx %arg14[%add3A_167, %and3A_4], %mul3A_170 : memref<128x8xf32, #tpu.memory_space<vmem>>[vector<16xi32>, vector<16xi32>], vector<16xf32>,
      %add3A_171 = arith.constant 50 : i32
      %add3A_172 = vector.broadcast %add3A_171 : i32 to vector<16xi32>
      %add3A_173 = arith.addi %shift_right_arithmetic3A_2, %add3A_172 : vector<16xi32>
      %gather3A_174 = tpu.vector_load_idx %arg12[%add3A_173, %and3A_4] : memref<128x8xf32, #tpu.memory_space<vmem>>[vector<16xi32>, vector<16xi32>], vector<16xf32>,
      %gather3A_175 = tpu.vector_load_idx %arg13[%add3A_173, %and3A_4] : memref<128x8xf32, #tpu.memory_space<vmem>>[vector<16xi32>, vector<16xi32>], vector<16xf32>,
      %mul3A_176 = arith.mulf %gather3A_174, %gather3A_175 : vector<16xf32>
      tpu.vector_store_idx %arg14[%add3A_173, %and3A_4], %mul3A_176 : memref<128x8xf32, #tpu.memory_space<vmem>>[vector<16xi32>, vector<16xi32>], vector<16xf32>,
      %add3A_177 = arith.constant 52 : i32
      %add3A_178 = vector.broadcast %add3A_177 : i32 to vector<16xi32>
      %add3A_179 = arith.addi %shift_right_arithmetic3A_2, %add3A_178 : vector<16xi32>
      %gather3A_180 = tpu.vector_load_idx %arg12[%add3A_179, %and3A_4] : memref<128x8xf32, #tpu.memory_space<vmem>>[vector<16xi32>, vector<16xi32>], vector<16xf32>,
      %gather3A_181 = tpu.vector_load_idx %arg13[%add3A_179, %and3A_4] : memref<128x8xf32, #tpu.memory_space<vmem>>[vector<16xi32>, vector<16xi32>], vector<16xf32>,
      %mul3A_182 = arith.mulf %gather3A_180, %gather3A_181 : vector<16xf32>
      tpu.vector_store_idx %arg14[%add3A_179, %and3A_4], %mul3A_182 : memref<128x8xf32, #tpu.memory_space<vmem>>[vector<16xi32>, vector<16xi32>], vector<16xf32>,
      %add3A_183 = arith.constant 54 : i32
      %add3A_184 = vector.broadcast %add3A_183 : i32 to vector<16xi32>
      %add3A_185 = arith.addi %shift_right_arithmetic3A_2, %add3A_184 : vector<16xi32>
      %gather3A_186 = tpu.vector_load_idx %arg12[%add3A_185, %and3A_4] : memref<128x8xf32, #tpu.memory_space<vmem>>[vector<16xi32>, vector<16xi32>], vector<16xf32>,
      %gather3A_187 = tpu.vector_load_idx %arg13[%add3A_185, %and3A_4] : memref<128x8xf32, #tpu.memory_space<vmem>>[vector<16xi32>, vector<16xi32>], vector<16xf32>,
      %mul3A_188 = arith.mulf %gather3A_186, %gather3A_187 : vector<16xf32>
      tpu.vector_store_idx %arg14[%add3A_185, %and3A_4], %mul3A_188 : memref<128x8xf32, #tpu.memory_space<vmem>>[vector<16xi32>, vector<16xi32>], vector<16xf32>,
      %add3A_189 = arith.constant 56 : i32
      %add3A_190 = vector.broadcast %add3A_189 : i32 to vector<16xi32>
      %add3A_191 = arith.addi %shift_right_arithmetic3A_2, %add3A_190 : vector<16xi32>
      %gather3A_192 = tpu.vector_load_idx %arg12[%add3A_191, %and3A_4] : memref<128x8xf32, #tpu.memory_space<vmem>>[vector<16xi32>, vector<16xi32>], vector<16xf32>,
      %gather3A_193 = tpu.vector_load_idx %arg13[%add3A_191, %and3A_4] : memref<128x8xf32, #tpu.memory_space<vmem>>[vector<16xi32>, vector<16xi32>], vector<16xf32>,
      %mul3A_194 = arith.mulf %gather3A_192, %gather3A_193 : vector<16xf32>
      tpu.vector_store_idx %arg14[%add3A_191, %and3A_4], %mul3A_194 : memref<128x8xf32, #tpu.memory_space<vmem>>[vector<16xi32>, vector<16xi32>], vector<16xf32>,
      %add3A_195 = arith.constant 58 : i32
      %add3A_196 = vector.broadcast %add3A_195 : i32 to vector<16xi32>
      %add3A_197 = arith.addi %shift_right_arithmetic3A_2, %add3A_196 : vector<16xi32>
      %gather3A_198 = tpu.vector_load_idx %arg12[%add3A_197, %and3A_4] : memref<128x8xf32, #tpu.memory_space<vmem>>[vector<16xi32>, vector<16xi32>], vector<16xf32>,
      %gather3A_199 = tpu.vector_load_idx %arg13[%add3A_197, %and3A_4] : memref<128x8xf32, #tpu.memory_space<vmem>>[vector<16xi32>, vector<16xi32>], vector<16xf32>,
      %mul3A_200 = arith.mulf %gather3A_198, %gather3A_199 : vector<16xf32>
      tpu.vector_store_idx %arg14[%add3A_197, %and3A_4], %mul3A_200 : memref<128x8xf32, #tpu.memory_space<vmem>>[vector<16xi32>, vector<16xi32>], vector<16xf32>,
      %add3A_201 = arith.constant 60 : i32
      %add3A_202 = vector.broadcast %add3A_201 : i32 to vector<16xi32>
      %add3A_203 = arith.addi %shift_right_arithmetic3A_2, %add3A_202 : vector<16xi32>
      %gather3A_204 = tpu.vector_load_idx %arg12[%add3A_203, %and3A_4] : memref<128x8xf32, #tpu.memory_space<vmem>>[vector<16xi32>, vector<16xi32>], vector<16xf32>,
      %gather3A_205 = tpu.vector_load_idx %arg13[%add3A_203, %and3A_4] : memref<128x8xf32, #tpu.memory_space<vmem>>[vector<16xi32>, vector<16xi32>], vector<16xf32>,
      %mul3A_206 = arith.mulf %gather3A_204, %gather3A_205 : vector<16xf32>
      tpu.vector_store_idx %arg14[%add3A_203, %and3A_4], %mul3A_206 : memref<128x8xf32, #tpu.memory_space<vmem>>[vector<16xi32>, vector<16xi32>], vector<16xf32>,
      %add3A_207 = arith.constant 62 : i32
      %add3A_208 = vector.broadcast %add3A_207 : i32 to vector<16xi32>
      %add3A_209 = arith.addi %shift_right_arithmetic3A_2, %add3A_208 : vector<16xi32>
      %gather3A_210 = tpu.vector_load_idx %arg12[%add3A_209, %and3A_4] : memref<128x8xf32, #tpu.memory_space<vmem>>[vector<16xi32>, vector<16xi32>], vector<16xf32>,
      %gather3A_211 = tpu.vector_load_idx %arg13[%add3A_209, %and3A_4] : memref<128x8xf32, #tpu.memory_space<vmem>>[vector<16xi32>, vector<16xi32>], vector<16xf32>,
      %mul3A_212 = arith.mulf %gather3A_210, %gather3A_211 : vector<16xf32>
      tpu.vector_store_idx %arg14[%add3A_209, %and3A_4], %mul3A_212 : memref<128x8xf32, #tpu.memory_space<vmem>>[vector<16xi32>, vector<16xi32>], vector<16xf32>,
      %add3A_213 = arith.constant 64 : i32
      %add3A_214 = vector.broadcast %add3A_213 : i32 to vector<16xi32>
      %add3A_215 = arith.addi %shift_right_arithmetic3A_2, %add3A_214 : vector<16xi32>
      %gather3A_216 = tpu.vector_load_idx %arg12[%add3A_215, %and3A_4] : memref<128x8xf32, #tpu.memory_space<vmem>>[vector<16xi32>, vector<16xi32>], vector<16xf32>,
      %gather3A_217 = tpu.vector_load_idx %arg13[%add3A_215, %and3A_4] : memref<128x8xf32, #tpu.memory_space<vmem>>[vector<16xi32>, vector<16xi32>], vector<16xf32>,
      %mul3A_218 = arith.mulf %gather3A_216, %gather3A_217 : vector<16xf32>
      tpu.vector_store_idx %arg14[%add3A_215, %and3A_4], %mul3A_218 : memref<128x8xf32, #tpu.memory_space<vmem>>[vector<16xi32>, vector<16xi32>], vector<16xf32>,
      %add3A_219 = arith.constant 66 : i32
      %add3A_220 = vector.broadcast %add3A_219 : i32 to vector<16xi32>
      %add3A_221 = arith.addi %shift_right_arithmetic3A_2, %add3A_220 : vector<16xi32>
      %gather3A_222 = tpu.vector_load_idx %arg12[%add3A_221, %and3A_4] : memref<128x8xf32, #tpu.memory_space<vmem>>[vector<16xi32>, vector<16xi32>], vector<16xf32>,
      %gather3A_223 = tpu.vector_load_idx %arg13[%add3A_221, %and3A_4] : memref<128x8xf32, #tpu.memory_space<vmem>>[vector<16xi32>, vector<16xi32>], vector<16xf32>,
      %mul3A_224 = arith.mulf %gather3A_222, %gather3A_223 : vector<16xf32>
      tpu.vector_store_idx %arg14[%add3A_221, %and3A_4], %mul3A_224 : memref<128x8xf32, #tpu.memory_space<vmem>>[vector<16xi32>, vector<16xi32>], vector<16xf32>,
      %add3A_225 = arith.constant 68 : i32
      %add3A_226 = vector.broadcast %add3A_225 : i32 to vector<16xi32>
      %add3A_227 = arith.addi %shift_right_arithmetic3A_2, %add3A_226 : vector<16xi32>
      %gather3A_228 = tpu.vector_load_idx %arg12[%add3A_227, %and3A_4] : memref<128x8xf32, #tpu.memory_space<vmem>>[vector<16xi32>, vector<16xi32>], vector<16xf32>,
      %gather3A_229 = tpu.vector_load_idx %arg13[%add3A_227, %and3A_4] : memref<128x8xf32, #tpu.memory_space<vmem>>[vector<16xi32>, vector<16xi32>], vector<16xf32>,
      %mul3A_230 = arith.mulf %gather3A_228, %gather3A_229 : vector<16xf32>
      tpu.vector_store_idx %arg14[%add3A_227, %and3A_4], %mul3A_230 : memref<128x8xf32, #tpu.memory_space<vmem>>[vector<16xi32>, vector<16xi32>], vector<16xf32>,
      %add3A_231 = arith.constant 70 : i32
      %add3A_232 = vector.broadcast %add3A_231 : i32 to vector<16xi32>
      %add3A_233 = arith.addi %shift_right_arithmetic3A_2, %add3A_232 : vector<16xi32>
      %gather3A_234 = tpu.vector_load_idx %arg12[%add3A_233, %and3A_4] : memref<128x8xf32, #tpu.memory_space<vmem>>[vector<16xi32>, vector<16xi32>], vector<16xf32>,
      %gather3A_235 = tpu.vector_load_idx %arg13[%add3A_233, %and3A_4] : memref<128x8xf32, #tpu.memory_space<vmem>>[vector<16xi32>, vector<16xi32>], vector<16xf32>,
      %mul3A_236 = arith.mulf %gather3A_234, %gather3A_235 : vector<16xf32>
      tpu.vector_store_idx %arg14[%add3A_233, %and3A_4], %mul3A_236 : memref<128x8xf32, #tpu.memory_space<vmem>>[vector<16xi32>, vector<16xi32>], vector<16xf32>,
      %add3A_237 = arith.constant 72 : i32
      %add3A_238 = vector.broadcast %add3A_237 : i32 to vector<16xi32>
      %add3A_239 = arith.addi %shift_right_arithmetic3A_2, %add3A_238 : vector<16xi32>
      %gather3A_240 = tpu.vector_load_idx %arg12[%add3A_239, %and3A_4] : memref<128x8xf32, #tpu.memory_space<vmem>>[vector<16xi32>, vector<16xi32>], vector<16xf32>,
      %gather3A_241 = tpu.vector_load_idx %arg13[%add3A_239, %and3A_4] : memref<128x8xf32, #tpu.memory_space<vmem>>[vector<16xi32>, vector<16xi32>], vector<16xf32>,
      %mul3A_242 = arith.mulf %gather3A_240, %gather3A_241 : vector<16xf32>
      tpu.vector_store_idx %arg14[%add3A_239, %and3A_4], %mul3A_242 : memref<128x8xf32, #tpu.memory_space<vmem>>[vector<16xi32>, vector<16xi32>], vector<16xf32>,
      %add3A_243 = arith.constant 74 : i32
      %add3A_244 = vector.broadcast %add3A_243 : i32 to vector<16xi32>
      %add3A_245 = arith.addi %shift_right_arithmetic3A_2, %add3A_244 : vector<16xi32>
      %gather3A_246 = tpu.vector_load_idx %arg12[%add3A_245, %and3A_4] : memref<128x8xf32, #tpu.memory_space<vmem>>[vector<16xi32>, vector<16xi32>], vector<16xf32>,
      %gather3A_247 = tpu.vector_load_idx %arg13[%add3A_245, %and3A_4] : memref<128x8xf32, #tpu.memory_space<vmem>>[vector<16xi32>, vector<16xi32>], vector<16xf32>,
      %mul3A_248 = arith.mulf %gather3A_246, %gather3A_247 : vector<16xf32>
      tpu.vector_store_idx %arg14[%add3A_245, %and3A_4], %mul3A_248 : memref<128x8xf32, #tpu.memory_space<vmem>>[vector<16xi32>, vector<16xi32>], vector<16xf32>,
      %add3A_249 = arith.constant 76 : i32
      %add3A_250 = vector.broadcast %add3A_249 : i32 to vector<16xi32>
      %add3A_251 = arith.addi %shift_right_arithmetic3A_2, %add3A_250 : vector<16xi32>
      %gather3A_252 = tpu.vector_load_idx %arg12[%add3A_251, %and3A_4] : memref<128x8xf32, #tpu.memory_space<vmem>>[vector<16xi32>, vector<16xi32>], vector<16xf32>,
      %gather3A_253 = tpu.vector_load_idx %arg13[%add3A_251, %and3A_4] : memref<128x8xf32, #tpu.memory_space<vmem>>[vector<16xi32>, vector<16xi32>], vector<16xf32>,
      %mul3A_254 = arith.mulf %gather3A_252, %gather3A_253 : vector<16xf32>
      tpu.vector_store_idx %arg14[%add3A_251, %and3A_4], %mul3A_254 : memref<128x8xf32, #tpu.memory_space<vmem>>[vector<16xi32>, vector<16xi32>], vector<16xf32>,
      %add3A_255 = arith.constant 78 : i32
      %add3A_256 = vector.broadcast %add3A_255 : i32 to vector<16xi32>
      %add3A_257 = arith.addi %shift_right_arithmetic3A_2, %add3A_256 : vector<16xi32>
      %gather3A_258 = tpu.vector_load_idx %arg12[%add3A_257, %and3A_4] : memref<128x8xf32, #tpu.memory_space<vmem>>[vector<16xi32>, vector<16xi32>], vector<16xf32>,
      %gather3A_259 = tpu.vector_load_idx %arg13[%add3A_257, %and3A_4] : memref<128x8xf32, #tpu.memory_space<vmem>>[vector<16xi32>, vector<16xi32>], vector<16xf32>,
      %mul3A_260 = arith.mulf %gather3A_258, %gather3A_259 : vector<16xf32>
      tpu.vector_store_idx %arg14[%add3A_257, %and3A_4], %mul3A_260 : memref<128x8xf32, #tpu.memory_space<vmem>>[vector<16xi32>, vector<16xi32>], vector<16xf32>,
      %add3A_261 = arith.constant 80 : i32
      %add3A_262 = vector.broadcast %add3A_261 : i32 to vector<16xi32>
      %add3A_263 = arith.addi %shift_right_arithmetic3A_2, %add3A_262 : vector<16xi32>
      %gather3A_264 = tpu.vector_load_idx %arg12[%add3A_263, %and3A_4] : memref<128x8xf32, #tpu.memory_space<vmem>>[vector<16xi32>, vector<16xi32>], vector<16xf32>,
      %gather3A_265 = tpu.vector_load_idx %arg13[%add3A_263, %and3A_4] : memref<128x8xf32, #tpu.memory_space<vmem>>[vector<16xi32>, vector<16xi32>], vector<16xf32>,
      %mul3A_266 = arith.mulf %gather3A_264, %gather3A_265 : vector<16xf32>
      tpu.vector_store_idx %arg14[%add3A_263, %and3A_4], %mul3A_266 : memref<128x8xf32, #tpu.memory_space<vmem>>[vector<16xi32>, vector<16xi32>], vector<16xf32>,
      %add3A_267 = arith.constant 82 : i32
      %add3A_268 = vector.broadcast %add3A_267 : i32 to vector<16xi32>
      %add3A_269 = arith.addi %shift_right_arithmetic3A_2, %add3A_268 : vector<16xi32>
      %gather3A_270 = tpu.vector_load_idx %arg12[%add3A_269, %and3A_4] : memref<128x8xf32, #tpu.memory_space<vmem>>[vector<16xi32>, vector<16xi32>], vector<16xf32>,
      %gather3A_271 = tpu.vector_load_idx %arg13[%add3A_269, %and3A_4] : memref<128x8xf32, #tpu.memory_space<vmem>>[vector<16xi32>, vector<16xi32>], vector<16xf32>,
      %mul3A_272 = arith.mulf %gather3A_270, %gather3A_271 : vector<16xf32>
      tpu.vector_store_idx %arg14[%add3A_269, %and3A_4], %mul3A_272 : memref<128x8xf32, #tpu.memory_space<vmem>>[vector<16xi32>, vector<16xi32>], vector<16xf32>,
      %add3A_273 = arith.constant 84 : i32
      %add3A_274 = vector.broadcast %add3A_273 : i32 to vector<16xi32>
      %add3A_275 = arith.addi %shift_right_arithmetic3A_2, %add3A_274 : vector<16xi32>
      %gather3A_276 = tpu.vector_load_idx %arg12[%add3A_275, %and3A_4] : memref<128x8xf32, #tpu.memory_space<vmem>>[vector<16xi32>, vector<16xi32>], vector<16xf32>,
      %gather3A_277 = tpu.vector_load_idx %arg13[%add3A_275, %and3A_4] : memref<128x8xf32, #tpu.memory_space<vmem>>[vector<16xi32>, vector<16xi32>], vector<16xf32>,
      %mul3A_278 = arith.mulf %gather3A_276, %gather3A_277 : vector<16xf32>
      tpu.vector_store_idx %arg14[%add3A_275, %and3A_4], %mul3A_278 : memref<128x8xf32, #tpu.memory_space<vmem>>[vector<16xi32>, vector<16xi32>], vector<16xf32>,
      %add3A_279 = arith.constant 86 : i32
      %add3A_280 = vector.broadcast %add3A_279 : i32 to vector<16xi32>
      %add3A_281 = arith.addi %shift_right_arithmetic3A_2, %add3A_280 : vector<16xi32>
      %gather3A_282 = tpu.vector_load_idx %arg12[%add3A_281, %and3A_4] : memref<128x8xf32, #tpu.memory_space<vmem>>[vector<16xi32>, vector<16xi32>], vector<16xf32>,
      %gather3A_283 = tpu.vector_load_idx %arg13[%add3A_281, %and3A_4] : memref<128x8xf32, #tpu.memory_space<vmem>>[vector<16xi32>, vector<16xi32>], vector<16xf32>,
      %mul3A_284 = arith.mulf %gather3A_282, %gather3A_283 : vector<16xf32>
      tpu.vector_store_idx %arg14[%add3A_281, %and3A_4], %mul3A_284 : memref<128x8xf32, #tpu.memory_space<vmem>>[vector<16xi32>, vector<16xi32>], vector<16xf32>,
      %add3A_285 = arith.constant 88 : i32
      %add3A_286 = vector.broadcast %add3A_285 : i32 to vector<16xi32>
      %add3A_287 = arith.addi %shift_right_arithmetic3A_2, %add3A_286 : vector<16xi32>
      %gather3A_288 = tpu.vector_load_idx %arg12[%add3A_287, %and3A_4] : memref<128x8xf32, #tpu.memory_space<vmem>>[vector<16xi32>, vector<16xi32>], vector<16xf32>,
      %gather3A_289 = tpu.vector_load_idx %arg13[%add3A_287, %and3A_4] : memref<128x8xf32, #tpu.memory_space<vmem>>[vector<16xi32>, vector<16xi32>], vector<16xf32>,
      %mul3A_290 = arith.mulf %gather3A_288, %gather3A_289 : vector<16xf32>
      tpu.vector_store_idx %arg14[%add3A_287, %and3A_4], %mul3A_290 : memref<128x8xf32, #tpu.memory_space<vmem>>[vector<16xi32>, vector<16xi32>], vector<16xf32>,
      %add3A_291 = arith.constant 90 : i32
      %add3A_292 = vector.broadcast %add3A_291 : i32 to vector<16xi32>
      %add3A_293 = arith.addi %shift_right_arithmetic3A_2, %add3A_292 : vector<16xi32>
      %gather3A_294 = tpu.vector_load_idx %arg12[%add3A_293, %and3A_4] : memref<128x8xf32, #tpu.memory_space<vmem>>[vector<16xi32>, vector<16xi32>], vector<16xf32>,
      %gather3A_295 = tpu.vector_load_idx %arg13[%add3A_293, %and3A_4] : memref<128x8xf32, #tpu.memory_space<vmem>>[vector<16xi32>, vector<16xi32>], vector<16xf32>,
      %mul3A_296 = arith.mulf %gather3A_294, %gather3A_295 : vector<16xf32>
      tpu.vector_store_idx %arg14[%add3A_293, %and3A_4], %mul3A_296 : memref<128x8xf32, #tpu.memory_space<vmem>>[vector<16xi32>, vector<16xi32>], vector<16xf32>,
      %add3A_297 = arith.constant 92 : i32
      %add3A_298 = vector.broadcast %add3A_297 : i32 to vector<16xi32>
      %add3A_299 = arith.addi %shift_right_arithmetic3A_2, %add3A_298 : vector<16xi32>
      %gather3A_300 = tpu.vector_load_idx %arg12[%add3A_299, %and3A_4] : memref<128x8xf32, #tpu.memory_space<vmem>>[vector<16xi32>, vector<16xi32>], vector<16xf32>,
      %gather3A_301 = tpu.vector_load_idx %arg13[%add3A_299, %and3A_4] : memref<128x8xf32, #tpu.memory_space<vmem>>[vector<16xi32>, vector<16xi32>], vector<16xf32>,
      %mul3A_302 = arith.mulf %gather3A_300, %gather3A_301 : vector<16xf32>
      tpu.vector_store_idx %arg14[%add3A_299, %and3A_4], %mul3A_302 : memref<128x8xf32, #tpu.memory_space<vmem>>[vector<16xi32>, vector<16xi32>], vector<16xf32>,
      %add3A_303 = arith.constant 94 : i32
      %add3A_304 = vector.broadcast %add3A_303 : i32 to vector<16xi32>
      %add3A_305 = arith.addi %shift_right_arithmetic3A_2, %add3A_304 : vector<16xi32>
      %gather3A_306 = tpu.vector_load_idx %arg12[%add3A_305, %and3A_4] : memref<128x8xf32, #tpu.memory_space<vmem>>[vector<16xi32>, vector<16xi32>], vector<16xf32>,
      %gather3A_307 = tpu.vector_load_idx %arg13[%add3A_305, %and3A_4] : memref<128x8xf32, #tpu.memory_space<vmem>>[vector<16xi32>, vector<16xi32>], vector<16xf32>,
      %mul3A_308 = arith.mulf %gather3A_306, %gather3A_307 : vector<16xf32>
      tpu.vector_store_idx %arg14[%add3A_305, %and3A_4], %mul3A_308 : memref<128x8xf32, #tpu.memory_space<vmem>>[vector<16xi32>, vector<16xi32>], vector<16xf32>,
      %add3A_309 = arith.constant 96 : i32
      %add3A_310 = vector.broadcast %add3A_309 : i32 to vector<16xi32>
      %add3A_311 = arith.addi %shift_right_arithmetic3A_2, %add3A_310 : vector<16xi32>
      %gather3A_312 = tpu.vector_load_idx %arg12[%add3A_311, %and3A_4] : memref<128x8xf32, #tpu.memory_space<vmem>>[vector<16xi32>, vector<16xi32>], vector<16xf32>,
      %gather3A_313 = tpu.vector_load_idx %arg13[%add3A_311, %and3A_4] : memref<128x8xf32, #tpu.memory_space<vmem>>[vector<16xi32>, vector<16xi32>], vector<16xf32>,
      %mul3A_314 = arith.mulf %gather3A_312, %gather3A_313 : vector<16xf32>
      tpu.vector_store_idx %arg14[%add3A_311, %and3A_4], %mul3A_314 : memref<128x8xf32, #tpu.memory_space<vmem>>[vector<16xi32>, vector<16xi32>], vector<16xf32>,
      %add3A_315 = arith.constant 98 : i32
      %add3A_316 = vector.broadcast %add3A_315 : i32 to vector<16xi32>
      %add3A_317 = arith.addi %shift_right_arithmetic3A_2, %add3A_316 : vector<16xi32>
      %gather3A_318 = tpu.vector_load_idx %arg12[%add3A_317, %and3A_4] : memref<128x8xf32, #tpu.memory_space<vmem>>[vector<16xi32>, vector<16xi32>], vector<16xf32>,
      %gather3A_319 = tpu.vector_load_idx %arg13[%add3A_317, %and3A_4] : memref<128x8xf32, #tpu.memory_space<vmem>>[vector<16xi32>, vector<16xi32>], vector<16xf32>,
      %mul3A_320 = arith.mulf %gather3A_318, %gather3A_319 : vector<16xf32>
      tpu.vector_store_idx %arg14[%add3A_317, %and3A_4], %mul3A_320 : memref<128x8xf32, #tpu.memory_space<vmem>>[vector<16xi32>, vector<16xi32>], vector<16xf32>,
      %add3A_321 = arith.constant 100 : i32
      %add3A_322 = vector.broadcast %add3A_321 : i32 to vector<16xi32>
      %add3A_323 = arith.addi %shift_right_arithmetic3A_2, %add3A_322 : vector<16xi32>
      %gather3A_324 = tpu.vector_load_idx %arg12[%add3A_323, %and3A_4] : memref<128x8xf32, #tpu.memory_space<vmem>>[vector<16xi32>, vector<16xi32>], vector<16xf32>,
      %gather3A_325 = tpu.vector_load_idx %arg13[%add3A_323, %and3A_4] : memref<128x8xf32, #tpu.memory_space<vmem>>[vector<16xi32>, vector<16xi32>], vector<16xf32>,
      %mul3A_326 = arith.mulf %gather3A_324, %gather3A_325 : vector<16xf32>
      tpu.vector_store_idx %arg14[%add3A_323, %and3A_4], %mul3A_326 : memref<128x8xf32, #tpu.memory_space<vmem>>[vector<16xi32>, vector<16xi32>], vector<16xf32>,
      %add3A_327 = arith.constant 102 : i32
      %add3A_328 = vector.broadcast %add3A_327 : i32 to vector<16xi32>
      %add3A_329 = arith.addi %shift_right_arithmetic3A_2, %add3A_328 : vector<16xi32>
      %gather3A_330 = tpu.vector_load_idx %arg12[%add3A_329, %and3A_4] : memref<128x8xf32, #tpu.memory_space<vmem>>[vector<16xi32>, vector<16xi32>], vector<16xf32>,
      %gather3A_331 = tpu.vector_load_idx %arg13[%add3A_329, %and3A_4] : memref<128x8xf32, #tpu.memory_space<vmem>>[vector<16xi32>, vector<16xi32>], vector<16xf32>,
      %mul3A_332 = arith.mulf %gather3A_330, %gather3A_331 : vector<16xf32>
      tpu.vector_store_idx %arg14[%add3A_329, %and3A_4], %mul3A_332 : memref<128x8xf32, #tpu.memory_space<vmem>>[vector<16xi32>, vector<16xi32>], vector<16xf32>,
      %add3A_333 = arith.constant 104 : i32
      %add3A_334 = vector.broadcast %add3A_333 : i32 to vector<16xi32>
      %add3A_335 = arith.addi %shift_right_arithmetic3A_2, %add3A_334 : vector<16xi32>
      %gather3A_336 = tpu.vector_load_idx %arg12[%add3A_335, %and3A_4] : memref<128x8xf32, #tpu.memory_space<vmem>>[vector<16xi32>, vector<16xi32>], vector<16xf32>,
      %gather3A_337 = tpu.vector_load_idx %arg13[%add3A_335, %and3A_4] : memref<128x8xf32, #tpu.memory_space<vmem>>[vector<16xi32>, vector<16xi32>], vector<16xf32>,
      %mul3A_338 = arith.mulf %gather3A_336, %gather3A_337 : vector<16xf32>
      tpu.vector_store_idx %arg14[%add3A_335, %and3A_4], %mul3A_338 : memref<128x8xf32, #tpu.memory_space<vmem>>[vector<16xi32>, vector<16xi32>], vector<16xf32>,
      %add3A_339 = arith.constant 106 : i32
      %add3A_340 = vector.broadcast %add3A_339 : i32 to vector<16xi32>
      %add3A_341 = arith.addi %shift_right_arithmetic3A_2, %add3A_340 : vector<16xi32>
      %gather3A_342 = tpu.vector_load_idx %arg12[%add3A_341, %and3A_4] : memref<128x8xf32, #tpu.memory_space<vmem>>[vector<16xi32>, vector<16xi32>], vector<16xf32>,
      %gather3A_343 = tpu.vector_load_idx %arg13[%add3A_341, %and3A_4] : memref<128x8xf32, #tpu.memory_space<vmem>>[vector<16xi32>, vector<16xi32>], vector<16xf32>,
      %mul3A_344 = arith.mulf %gather3A_342, %gather3A_343 : vector<16xf32>
      tpu.vector_store_idx %arg14[%add3A_341, %and3A_4], %mul3A_344 : memref<128x8xf32, #tpu.memory_space<vmem>>[vector<16xi32>, vector<16xi32>], vector<16xf32>,
      %add3A_345 = arith.constant 108 : i32
      %add3A_346 = vector.broadcast %add3A_345 : i32 to vector<16xi32>
      %add3A_347 = arith.addi %shift_right_arithmetic3A_2, %add3A_346 : vector<16xi32>
      %gather3A_348 = tpu.vector_load_idx %arg12[%add3A_347, %and3A_4] : memref<128x8xf32, #tpu.memory_space<vmem>>[vector<16xi32>, vector<16xi32>], vector<16xf32>,
      %gather3A_349 = tpu.vector_load_idx %arg13[%add3A_347, %and3A_4] : memref<128x8xf32, #tpu.memory_space<vmem>>[vector<16xi32>, vector<16xi32>], vector<16xf32>,
      %mul3A_350 = arith.mulf %gather3A_348, %gather3A_349 : vector<16xf32>
      tpu.vector_store_idx %arg14[%add3A_347, %and3A_4], %mul3A_350 : memref<128x8xf32, #tpu.memory_space<vmem>>[vector<16xi32>, vector<16xi32>], vector<16xf32>,
      %add3A_351 = arith.constant 110 : i32
      %add3A_352 = vector.broadcast %add3A_351 : i32 to vector<16xi32>
      %add3A_353 = arith.addi %shift_right_arithmetic3A_2, %add3A_352 : vector<16xi32>
      %gather3A_354 = tpu.vector_load_idx %arg12[%add3A_353, %and3A_4] : memref<128x8xf32, #tpu.memory_space<vmem>>[vector<16xi32>, vector<16xi32>], vector<16xf32>,
      %gather3A_355 = tpu.vector_load_idx %arg13[%add3A_353, %and3A_4] : memref<128x8xf32, #tpu.memory_space<vmem>>[vector<16xi32>, vector<16xi32>], vector<16xf32>,
      %mul3A_356 = arith.mulf %gather3A_354, %gather3A_355 : vector<16xf32>
      tpu.vector_store_idx %arg14[%add3A_353, %and3A_4], %mul3A_356 : memref<128x8xf32, #tpu.memory_space<vmem>>[vector<16xi32>, vector<16xi32>], vector<16xf32>,
      %add3A_357 = arith.constant 112 : i32
      %add3A_358 = vector.broadcast %add3A_357 : i32 to vector<16xi32>
      %add3A_359 = arith.addi %shift_right_arithmetic3A_2, %add3A_358 : vector<16xi32>
      %gather3A_360 = tpu.vector_load_idx %arg12[%add3A_359, %and3A_4] : memref<128x8xf32, #tpu.memory_space<vmem>>[vector<16xi32>, vector<16xi32>], vector<16xf32>,
      %gather3A_361 = tpu.vector_load_idx %arg13[%add3A_359, %and3A_4] : memref<128x8xf32, #tpu.memory_space<vmem>>[vector<16xi32>, vector<16xi32>], vector<16xf32>,
      %mul3A_362 = arith.mulf %gather3A_360, %gather3A_361 : vector<16xf32>
      tpu.vector_store_idx %arg14[%add3A_359, %and3A_4], %mul3A_362 : memref<128x8xf32, #tpu.memory_space<vmem>>[vector<16xi32>, vector<16xi32>], vector<16xf32>,
      %add3A_363 = arith.constant 114 : i32
      %add3A_364 = vector.broadcast %add3A_363 : i32 to vector<16xi32>
      %add3A_365 = arith.addi %shift_right_arithmetic3A_2, %add3A_364 : vector<16xi32>
      %gather3A_366 = tpu.vector_load_idx %arg12[%add3A_365, %and3A_4] : memref<128x8xf32, #tpu.memory_space<vmem>>[vector<16xi32>, vector<16xi32>], vector<16xf32>,
      %gather3A_367 = tpu.vector_load_idx %arg13[%add3A_365, %and3A_4] : memref<128x8xf32, #tpu.memory_space<vmem>>[vector<16xi32>, vector<16xi32>], vector<16xf32>,
      %mul3A_368 = arith.mulf %gather3A_366, %gather3A_367 : vector<16xf32>
      tpu.vector_store_idx %arg14[%add3A_365, %and3A_4], %mul3A_368 : memref<128x8xf32, #tpu.memory_space<vmem>>[vector<16xi32>, vector<16xi32>], vector<16xf32>,
      %add3A_369 = arith.constant 116 : i32
      %add3A_370 = vector.broadcast %add3A_369 : i32 to vector<16xi32>
      %add3A_371 = arith.addi %shift_right_arithmetic3A_2, %add3A_370 : vector<16xi32>
      %gather3A_372 = tpu.vector_load_idx %arg12[%add3A_371, %and3A_4] : memref<128x8xf32, #tpu.memory_space<vmem>>[vector<16xi32>, vector<16xi32>], vector<16xf32>,
      %gather3A_373 = tpu.vector_load_idx %arg13[%add3A_371, %and3A_4] : memref<128x8xf32, #tpu.memory_space<vmem>>[vector<16xi32>, vector<16xi32>], vector<16xf32>,
      %mul3A_374 = arith.mulf %gather3A_372, %gather3A_373 : vector<16xf32>
      tpu.vector_store_idx %arg14[%add3A_371, %and3A_4], %mul3A_374 : memref<128x8xf32, #tpu.memory_space<vmem>>[vector<16xi32>, vector<16xi32>], vector<16xf32>,
      %add3A_375 = arith.constant 118 : i32
      %add3A_376 = vector.broadcast %add3A_375 : i32 to vector<16xi32>
      %add3A_377 = arith.addi %shift_right_arithmetic3A_2, %add3A_376 : vector<16xi32>
      %gather3A_378 = tpu.vector_load_idx %arg12[%add3A_377, %and3A_4] : memref<128x8xf32, #tpu.memory_space<vmem>>[vector<16xi32>, vector<16xi32>], vector<16xf32>,
      %gather3A_379 = tpu.vector_load_idx %arg13[%add3A_377, %and3A_4] : memref<128x8xf32, #tpu.memory_space<vmem>>[vector<16xi32>, vector<16xi32>], vector<16xf32>,
      %mul3A_380 = arith.mulf %gather3A_378, %gather3A_379 : vector<16xf32>
      tpu.vector_store_idx %arg14[%add3A_377, %and3A_4], %mul3A_380 : memref<128x8xf32, #tpu.memory_space<vmem>>[vector<16xi32>, vector<16xi32>], vector<16xf32>,
      %add3A_381 = arith.constant 120 : i32
      %add3A_382 = vector.broadcast %add3A_381 : i32 to vector<16xi32>
      %add3A_383 = arith.addi %shift_right_arithmetic3A_2, %add3A_382 : vector<16xi32>
      %gather3A_384 = tpu.vector_load_idx %arg12[%add3A_383, %and3A_4] : memref<128x8xf32, #tpu.memory_space<vmem>>[vector<16xi32>, vector<16xi32>], vector<16xf32>,
      %gather3A_385 = tpu.vector_load_idx %arg13[%add3A_383, %and3A_4] : memref<128x8xf32, #tpu.memory_space<vmem>>[vector<16xi32>, vector<16xi32>], vector<16xf32>,
      %mul3A_386 = arith.mulf %gather3A_384, %gather3A_385 : vector<16xf32>
      tpu.vector_store_idx %arg14[%add3A_383, %and3A_4], %mul3A_386 : memref<128x8xf32, #tpu.memory_space<vmem>>[vector<16xi32>, vector<16xi32>], vector<16xf32>,
      %add3A_387 = arith.constant 122 : i32
      %add3A_388 = vector.broadcast %add3A_387 : i32 to vector<16xi32>
      %add3A_389 = arith.addi %shift_right_arithmetic3A_2, %add3A_388 : vector<16xi32>
      %gather3A_390 = tpu.vector_load_idx %arg12[%add3A_389, %and3A_4] : memref<128x8xf32, #tpu.memory_space<vmem>>[vector<16xi32>, vector<16xi32>], vector<16xf32>,
      %gather3A_391 = tpu.vector_load_idx %arg13[%add3A_389, %and3A_4] : memref<128x8xf32, #tpu.memory_space<vmem>>[vector<16xi32>, vector<16xi32>], vector<16xf32>,
      %mul3A_392 = arith.mulf %gather3A_390, %gather3A_391 : vector<16xf32>
      tpu.vector_store_idx %arg14[%add3A_389, %and3A_4], %mul3A_392 : memref<128x8xf32, #tpu.memory_space<vmem>>[vector<16xi32>, vector<16xi32>], vector<16xf32>,
      %add3A_393 = arith.constant 124 : i32
      %add3A_394 = vector.broadcast %add3A_393 : i32 to vector<16xi32>
      %add3A_395 = arith.addi %shift_right_arithmetic3A_2, %add3A_394 : vector<16xi32>
      %gather3A_396 = tpu.vector_load_idx %arg12[%add3A_395, %and3A_4] : memref<128x8xf32, #tpu.memory_space<vmem>>[vector<16xi32>, vector<16xi32>], vector<16xf32>,
      %gather3A_397 = tpu.vector_load_idx %arg13[%add3A_395, %and3A_4] : memref<128x8xf32, #tpu.memory_space<vmem>>[vector<16xi32>, vector<16xi32>], vector<16xf32>,
      %mul3A_398 = arith.mulf %gather3A_396, %gather3A_397 : vector<16xf32>
      tpu.vector_store_idx %arg14[%add3A_395, %and3A_4], %mul3A_398 : memref<128x8xf32, #tpu.memory_space<vmem>>[vector<16xi32>, vector<16xi32>], vector<16xf32>,
      %add3A_399 = arith.constant 126 : i32
      %add3A_400 = vector.broadcast %add3A_399 : i32 to vector<16xi32>
      %add3A_401 = arith.addi %shift_right_arithmetic3A_2, %add3A_400 : vector<16xi32>
      %gather3A_402 = tpu.vector_load_idx %arg12[%add3A_401, %and3A_4] : memref<128x8xf32, #tpu.memory_space<vmem>>[vector<16xi32>, vector<16xi32>], vector<16xf32>,
      %gather3A_403 = tpu.vector_load_idx %arg13[%add3A_401, %and3A_4] : memref<128x8xf32, #tpu.memory_space<vmem>>[vector<16xi32>, vector<16xi32>], vector<16xf32>,
      %mul3A_404 = arith.mulf %gather3A_402, %gather3A_403 : vector<16xf32>
      tpu.vector_store_idx %arg14[%add3A_401, %and3A_4], %mul3A_404 : memref<128x8xf32, #tpu.memory_space<vmem>>[vector<16xi32>, vector<16xi32>], vector<16xf32>,
      "tpu.region"() ({
        %run_scoped3A = tpu.sem_alloc : memref<!tpu.dma_semaphore, #tpu.memory_space<semaphore_mem>>
        %dma_start3A = arith.constant 0 : i32
        %dma_start3A_405 = arith.constant 0 : i32
        %dma_start3A_406 = tpu.memref_slice %arg9[%dma_start3A, %dma_start3A_405] : memref<200704x8xf32, #tpu.memory_space<vmem_shared>> -> memref<200704x8xf32, #tpu.memory_space<vmem_shared>>
        tpu.enqueue_indirect_dma source(%arg14 : memref<128x8xf32, #tpu.memory_space<vmem>>) target(%dma_start3A_406 : memref<200704x8xf32, #tpu.memory_space<vmem_shared>>) offsets(%arg11 : memref<128xi32, #tpu.memory_space<vmem>>) semaphore(%run_scoped3A : memref<!tpu.dma_semaphore, #tpu.memory_space<semaphore_mem>>) {add = true}
        %dma_wait3A = arith.constant 0 : i32
        %dma_wait3A_407 = arith.constant 0 : i32
        %dma_wait3A_408 = tpu.memref_slice %arg9[%dma_wait3A, %dma_wait3A_407] : memref<200704x8xf32, #tpu.memory_space<vmem_shared>> -> memref<200704x8xf32, #tpu.memory_space<vmem_shared>>
        tpu.wait_indirect_dma semaphore(%run_scoped3A : memref<!tpu.dma_semaphore, #tpu.memory_space<semaphore_mem>>) src(%arg14 : memref<128x8xf32, #tpu.memory_space<vmem>>) dst(%dma_wait3A_408 : memref<200704x8xf32, #tpu.memory_space<vmem_shared>>)
        tpu.yield
      }) : () -> ()
    }
    %scan3A_17 = arith.constant 79 : i32
    %barrier3A_18 = arith.constant 0 : index
    tpu.barrier barrier_id(%barrier3A_18)
    %mul3A_19 = arith.constant 12544 : i32
    %mul3A_20 = arith.muli %arg1, %mul3A_19 : i32
    "tpu.region"() ({
      %run_scoped3A = tpu.sem_alloc : memref<!tpu.dma_semaphore, #tpu.memory_space<semaphore_mem>>
      %dma_start3A = arith.constant 0 : i32
      %dma_start3A_21 = tpu.memref_slice %arg7[%arg0, %mul3A_20, %dma_start3A] : memref<2x200704x8xf32, #tpu.memory_space<hbm>> -> memref<1x12544x8xf32, #tpu.memory_space<hbm>>
      %dma_start3A_22 = tpu.memref_squeeze %dma_start3A_21 : memref<1x12544x8xf32, #tpu.memory_space<hbm>> -> memref<12544x8xf32, #tpu.memory_space<hbm>>
      %dma_start3A_23 = arith.constant 0 : i32
      %dma_start3A_24 = tpu.memref_slice %arg9[%mul3A_20, %dma_start3A_23] : memref<200704x8xf32, #tpu.memory_space<vmem_shared>> -> memref<12544x8xf32, #tpu.memory_space<vmem_shared>>
      tpu.enqueue_dma source(%dma_start3A_24 : memref<12544x8xf32, #tpu.memory_space<vmem_shared>>) target(%dma_start3A_22 : memref<12544x8xf32, #tpu.memory_space<hbm>>) target_semaphore(%run_scoped3A : memref<!tpu.dma_semaphore, #tpu.memory_space<semaphore_mem>>)
      %dma_wait3A = arith.constant 0 : i32
      %dma_wait3A_25 = tpu.memref_slice %arg7[%arg0, %mul3A_20, %dma_wait3A] : memref<2x200704x8xf32, #tpu.memory_space<hbm>> -> memref<1x12544x8xf32, #tpu.memory_space<hbm>>
      %dma_wait3A_26 = tpu.memref_squeeze %dma_wait3A_25 : memref<1x12544x8xf32, #tpu.memory_space<hbm>> -> memref<12544x8xf32, #tpu.memory_space<hbm>>
      %dma_wait3A_27 = arith.constant 0 : i32
      %dma_wait3A_28 = tpu.memref_slice %arg9[%mul3A_20, %dma_wait3A_27] : memref<200704x8xf32, #tpu.memory_space<vmem_shared>> -> memref<12544x8xf32, #tpu.memory_space<vmem_shared>>
      tpu.wait_dma2 semaphore(%run_scoped3A : memref<!tpu.dma_semaphore, #tpu.memory_space<semaphore_mem>>) src(%dma_wait3A_28 : memref<12544x8xf32, #tpu.memory_space<vmem_shared>>) dst(%dma_wait3A_26 : memref<12544x8xf32, #tpu.memory_space<hbm>>)
      tpu.yield
    }) : () -> ()
    return
  }
}

module attributes {stable_mosaic.version = 14 : i64} {
  func.func @_stage1_body(%arg0: i32, %arg1: memref<1024x128xf32, #tpu.memory_space<vmem>>, %arg2: memref<128x1024xf32, #tpu.memory_space<vmem>>, %arg3: memref<1024x8xf32, #tpu.memory_space<vmem>>, %arg4: memref<1024x8xf32, #tpu.memory_space<vmem>>, %arg5: memref<1024x1024xf32, #tpu.memory_space<vmem>>, %arg6: memref<1024x8xf32, #tpu.memory_space<vmem>>, %arg7: memref<1024x8xf32, #tpu.memory_space<vmem>>) attributes {dimension_semantics = [#tpu.dimension_semantics<arbitrary>], iteration_bounds = array<i64: 10>, scalar_prefetch = 0 : i64, scratch_operands = 0 : i64, tpu.core_type = #tpu.core_type<tc>, window_params = [{transform_indices = @transform_0, window_bounds = array<i64: 1024, 128>}, {pipeline_mode = #tpu.pipeline_mode<synchronous>, transform_indices = @transform_1, window_bounds = array<i64: 128, 1024>}, {pipeline_mode = #tpu.pipeline_mode<synchronous>, transform_indices = @transform_2, window_bounds = array<i64: 1024, 8>}, {pipeline_mode = #tpu.pipeline_mode<synchronous>, transform_indices = @transform_3, window_bounds = array<i64: 1024, 8>}, {transform_indices = @transform_4, window_bounds = array<i64: 1024, 1024>}, {transform_indices = @transform_5, window_bounds = array<i64: 1024, 8>}, {transform_indices = @transform_6, window_bounds = array<i64: 1024, 8>}]} {
    %get3A = arith.constant 0 : index
    %get3A_0 = arith.constant 0 : index
    %get3A_1 = vector.load %arg1[%get3A, %get3A_0] : memref<1024x128xf32, #tpu.memory_space<vmem>>, vector<1024x128xf32>
    %get3A_2 = arith.constant 0 : index
    %get3A_3 = arith.constant 0 : index
    %get3A_4 = vector.load %arg2[%get3A_2, %get3A_3] : memref<128x1024xf32, #tpu.memory_space<vmem>>, vector<128x1024xf32>
    %dot_general3A = arith.constant dense<0.000000e+00> : vector<1024x1024xf32>
    %dot_general3A_5 = tpu.matmul %get3A_1, %get3A_4, %dot_general3A {dimension_numbers = #tpu.dot_dimension_numbers<[1], [0], [0], [1], [0, 0, 1, 1], [], []>, transpose_lhs_hint = false} : vector<1024x128xf32>, vector<128x1024xf32>, vector<1024x1024xf32> -> vector<1024x1024xf32>
    %swap3A = arith.constant 0 : index
    %swap3A_6 = arith.constant 0 : index
    %swap3A_7 = vector.load %arg5[%swap3A, %swap3A_6] : memref<1024x1024xf32, #tpu.memory_space<vmem>>, vector<1024x1024xf32>
    tpu.vector_store %arg5[%swap3A, %swap3A_6], %dot_general3A_5 {strides = array<i32>} : memref<1024x1024xf32, #tpu.memory_space<vmem>>, vector<1024x1024xf32>,
    %get3A_8 = arith.constant 0 : index
    %get3A_9 = arith.constant 0 : index
    %get3A_10 = vector.load %arg3[%get3A_8, %get3A_9] : memref<1024x8xf32, #tpu.memory_space<vmem>>, vector<1024x8xf32>
    %dot_general3A_11 = arith.constant dense<0.000000e+00> : vector<1024x8xf32>
    %dot_general3A_12 = tpu.matmul %dot_general3A_5, %get3A_10, %dot_general3A_11 {dimension_numbers = #tpu.dot_dimension_numbers<[1], [0], [0], [1], [0, 0, 1, 1], [], []>, transpose_lhs_hint = false} : vector<1024x1024xf32>, vector<1024x8xf32>, vector<1024x8xf32> -> vector<1024x8xf32>
    %swap3A_13 = arith.constant 0 : index
    %swap3A_14 = arith.constant 0 : index
    %swap3A_15 = vector.load %arg6[%swap3A_13, %swap3A_14] : memref<1024x8xf32, #tpu.memory_space<vmem>>, vector<1024x8xf32>
    tpu.vector_store %arg6[%swap3A_13, %swap3A_14], %dot_general3A_12 {strides = array<i32>} : memref<1024x8xf32, #tpu.memory_space<vmem>>, vector<1024x8xf32>,
    %get3A_16 = arith.constant 0 : index
    %get3A_17 = arith.constant 0 : index
    %get3A_18 = vector.load %arg4[%get3A_16, %get3A_17] : memref<1024x8xf32, #tpu.memory_space<vmem>>, vector<1024x8xf32>
    %dot_general3A_19 = arith.constant dense<0.000000e+00> : vector<1024x8xf32>
    %dot_general3A_20 = tpu.matmul %dot_general3A_5, %get3A_18, %dot_general3A_19 {dimension_numbers = #tpu.dot_dimension_numbers<[1], [0], [0], [1], [0, 0, 1, 1], [], []>, transpose_lhs_hint = false} : vector<1024x1024xf32>, vector<1024x8xf32>, vector<1024x8xf32> -> vector<1024x8xf32>
    %swap3A_21 = arith.constant 0 : index
    %swap3A_22 = arith.constant 0 : index
    %swap3A_23 = vector.load %arg7[%swap3A_21, %swap3A_22] : memref<1024x8xf32, #tpu.memory_space<vmem>>, vector<1024x8xf32>
    tpu.vector_store %arg7[%swap3A_21, %swap3A_22], %dot_general3A_20 {strides = array<i32>} : memref<1024x8xf32, #tpu.memory_space<vmem>>, vector<1024x8xf32>,
    return
  }
  func.func @transform_0(%arg0: i32) -> (i32, i32) {
    %c0_i32 = arith.constant 0 : i32
    %c0_i32_0 = arith.constant 0 : i32
    return %arg0, %c0_i32 : i32, i32
  }
  func.func @transform_1(%arg0: i32) -> (i32, i32) {
    %c0_i32 = arith.constant 0 : i32
    %c0_i32_0 = arith.constant 0 : i32
    %c0_i32_1 = arith.constant 0 : i32
    return %c0_i32, %c0_i32_0 : i32, i32
  }
  func.func @transform_2(%arg0: i32) -> (i32, i32) {
    %c0_i32 = arith.constant 0 : i32
    %c0_i32_0 = arith.constant 0 : i32
    %c0_i32_1 = arith.constant 0 : i32
    return %c0_i32, %c0_i32_0 : i32, i32
  }
  func.func @transform_3(%arg0: i32) -> (i32, i32) {
    %c0_i32 = arith.constant 0 : i32
    %c0_i32_0 = arith.constant 0 : i32
    %c0_i32_1 = arith.constant 0 : i32
    return %c0_i32, %c0_i32_0 : i32, i32
  }
  func.func @transform_4(%arg0: i32) -> (i32, i32) {
    %c0_i32 = arith.constant 0 : i32
    %c0_i32_0 = arith.constant 0 : i32
    return %arg0, %c0_i32 : i32, i32
  }
  func.func @transform_5(%arg0: i32) -> (i32, i32) {
    %c0_i32 = arith.constant 0 : i32
    %c0_i32_0 = arith.constant 0 : i32
    return %arg0, %c0_i32 : i32, i32
  }
  func.func @transform_6(%arg0: i32) -> (i32, i32) {
    %c0_i32 = arith.constant 0 : i32
    %c0_i32_0 = arith.constant 0 : i32
    return %arg0, %c0_i32 : i32, i32
  }
}

module attributes {stable_mosaic.version = 14 : i64} {
  func.func @_stage4_body(%arg0: i32, %arg1: i32, %arg2: i32, %arg3: memref<1x1x24x1024xf32, #tpu.memory_space<vmem>>, %arg4: memref<1024x128xf32, #tpu.memory_space<vmem>>, %arg5: memref<24x128xf32, #tpu.memory_space<vmem>>) attributes {dimension_semantics = [#tpu.dimension_semantics<arbitrary>, #tpu.dimension_semantics<arbitrary>, #tpu.dimension_semantics<arbitrary>], iteration_bounds = array<i64: 8, 2, 10>, scalar_prefetch = 0 : i64, scratch_operands = 0 : i64, tpu.core_type = #tpu.core_type<tc>, window_params = [{transform_indices = @transform_0, window_bounds = array<i64: 1, 1, 24, 1024>}, {transform_indices = @transform_1, window_bounds = array<i64: 1024, 128>}, {transform_indices = @transform_2, window_bounds = array<i64: 24, 128>}]} {
    %eq3A = arith.constant 0 : i32
    %eq3A_0 = arith.cmpi eq, %arg1, %eq3A : i32
    %eq3A_1 = arith.constant 0 : i32
    %eq3A_2 = arith.cmpi eq, %arg2, %eq3A_1 : i32
    %and3A = arith.andi %eq3A_0, %eq3A_2 : i1
    %convert_element_type3A = arith.extui %and3A : i1 to i32
    %cond3A = arith.constant 0 : i32
    %cond3A_3 = arith.cmpi ne, %convert_element_type3A, %cond3A : i32
    scf.if %cond3A_3 {
      %broadcast_in_dim3A = arith.constant 0.000000e+00 : f32
      %broadcast_in_dim3A_17 = vector.broadcast %broadcast_in_dim3A : f32 to vector<24x128xf32>
      %swap3A_18 = arith.constant 0 : index
      %swap3A_19 = arith.constant 0 : index
      %swap3A_20 = vector.load %arg5[%swap3A_18, %swap3A_19] : memref<24x128xf32, #tpu.memory_space<vmem>>, vector<24x128xf32>
      tpu.vector_store %arg5[%swap3A_18, %swap3A_19], %broadcast_in_dim3A_17 {strides = array<i32>} : memref<24x128xf32, #tpu.memory_space<vmem>>, vector<24x128xf32>,
    } else {
    }
    %get3A = arith.constant 0 : index
    %get3A_4 = arith.constant 0 : index
    %get3A_5 = arith.constant 0 : index
    %get3A_6 = arith.constant 0 : index
    %get3A_7 = vector.load %arg3[%get3A, %get3A_4, %get3A_5, %get3A_6] : memref<1x1x24x1024xf32, #tpu.memory_space<vmem>>, vector<1x1x24x1024xf32>
    %reshape3A = vector.shape_cast %get3A_7 : vector<1x1x24x1024xf32> to vector<24x1024xf32>
    %get3A_8 = arith.constant 0 : index
    %get3A_9 = arith.constant 0 : index
    %get3A_10 = vector.load %arg5[%get3A_8, %get3A_9] : memref<24x128xf32, #tpu.memory_space<vmem>>, vector<24x128xf32>
    %get3A_11 = arith.constant 0 : index
    %get3A_12 = arith.constant 0 : index
    %get3A_13 = vector.load %arg4[%get3A_11, %get3A_12] : memref<1024x128xf32, #tpu.memory_space<vmem>>, vector<1024x128xf32>
    %dot_general3A = arith.constant dense<0.000000e+00> : vector<24x128xf32>
    %dot_general3A_14 = tpu.matmul %reshape3A, %get3A_13, %dot_general3A {dimension_numbers = #tpu.dot_dimension_numbers<[1], [0], [0], [1], [0, 0, 1, 1], [], []>, transpose_lhs_hint = false} : vector<24x1024xf32>, vector<1024x128xf32>, vector<24x128xf32> -> vector<24x128xf32>
    %add3A = arith.addf %get3A_10, %dot_general3A_14 : vector<24x128xf32>
    %swap3A = arith.constant 0 : index
    %swap3A_15 = arith.constant 0 : index
    %swap3A_16 = vector.load %arg5[%swap3A, %swap3A_15] : memref<24x128xf32, #tpu.memory_space<vmem>>, vector<24x128xf32>
    tpu.vector_store %arg5[%swap3A, %swap3A_15], %add3A {strides = array<i32>} : memref<24x128xf32, #tpu.memory_space<vmem>>, vector<24x128xf32>,
    return
  }
  func.func @transform_0(%arg0: i32, %arg1: i32, %arg2: i32) -> (i32, i32, i32, i32) {
    %c0_i32 = arith.constant 0 : i32
    %c0_i32_0 = arith.constant 0 : i32
    return %arg1, %arg0, %c0_i32, %arg2 : i32, i32, i32, i32
  }
  func.func @transform_1(%arg0: i32, %arg1: i32, %arg2: i32) -> (i32, i32) {
    %c0_i32 = arith.constant 0 : i32
    return %arg2, %arg0 : i32, i32
  }
  func.func @transform_2(%arg0: i32, %arg1: i32, %arg2: i32) -> (i32, i32) {
    %c0_i32 = arith.constant 0 : i32
    %c0_i32_0 = arith.constant 0 : i32
    return %c0_i32, %arg0 : i32, i32
  }
}

module attributes {stable_mosaic.version = 14 : i64} {
  func.func @_stage5_body(%arg0: memref<24x1024xf32, #tpu.memory_space<vmem>>, %arg1: memref<1024x512xf32, #tpu.memory_space<vmem>>, %arg2: memref<1x512xf32, #tpu.memory_space<vmem>>, %arg3: memref<512x128xf32, #tpu.memory_space<vmem>>, %arg4: memref<1x128xf32, #tpu.memory_space<vmem>>, %arg5: memref<24x128xf32, #tpu.memory_space<vmem>>) attributes {dimension_semantics = [], scalar_prefetch = 0 : i64, scratch_operands = 0 : i64, tpu.core_type = #tpu.core_type<tc>} {
    %get3A = arith.constant 0 : index
    %get3A_0 = arith.constant 0 : index
    %get3A_1 = vector.load %arg0[%get3A, %get3A_0] : memref<24x1024xf32, #tpu.memory_space<vmem>>, vector<24x1024xf32>
    %mul3A = arith.constant 2.000000e-03 : f32
    %mul3A_2 = vector.broadcast %mul3A : f32 to vector<24x1024xf32>
    %mul3A_3 = arith.mulf %get3A_1, %mul3A_2 : vector<24x1024xf32>
    %get3A_4 = arith.constant 0 : index
    %get3A_5 = arith.constant 0 : index
    %get3A_6 = vector.load %arg1[%get3A_4, %get3A_5] : memref<1024x512xf32, #tpu.memory_space<vmem>>, vector<1024x512xf32>
    %dot_general3A = arith.constant dense<0.000000e+00> : vector<24x512xf32>
    %dot_general3A_7 = tpu.matmul %mul3A_3, %get3A_6, %dot_general3A {dimension_numbers = #tpu.dot_dimension_numbers<[1], [0], [0], [1], [0, 0, 1, 1], [], []>, transpose_lhs_hint = false} : vector<24x1024xf32>, vector<1024x512xf32>, vector<24x512xf32> -> vector<24x512xf32>
    %get3A_8 = arith.constant 0 : index
    %get3A_9 = arith.constant 0 : index
    %get3A_10 = vector.load %arg2[%get3A_8, %get3A_9] : memref<1x512xf32, #tpu.memory_space<vmem>>, vector<1x512xf32>
    %add3A = vector.broadcast %get3A_10 : vector<1x512xf32> to vector<24x512xf32>
    %add3A_11 = arith.addf %dot_general3A_7, %add3A : vector<24x512xf32>
    %max3A = arith.constant 0.000000e+00 : f32
    %max3A_12 = vector.broadcast %max3A : f32 to vector<24x512xf32>
    %max3A_13 = arith.maximumf %add3A_11, %max3A_12 : vector<24x512xf32>
    %get3A_14 = arith.constant 0 : index
    %get3A_15 = arith.constant 0 : index
    %get3A_16 = vector.load %arg3[%get3A_14, %get3A_15] : memref<512x128xf32, #tpu.memory_space<vmem>>, vector<512x128xf32>
    %dot_general3A_17 = arith.constant dense<0.000000e+00> : vector<24x128xf32>
    %dot_general3A_18 = tpu.matmul %max3A_13, %get3A_16, %dot_general3A_17 {dimension_numbers = #tpu.dot_dimension_numbers<[1], [0], [0], [1], [0, 0, 1, 1], [], []>, transpose_lhs_hint = false} : vector<24x512xf32>, vector<512x128xf32>, vector<24x128xf32> -> vector<24x128xf32>
    %get3A_19 = arith.constant 0 : index
    %get3A_20 = arith.constant 0 : index
    %get3A_21 = vector.load %arg4[%get3A_19, %get3A_20] : memref<1x128xf32, #tpu.memory_space<vmem>>, vector<1x128xf32>
    %add3A_22 = vector.broadcast %get3A_21 : vector<1x128xf32> to vector<24x128xf32>
    %add3A_23 = arith.addf %dot_general3A_18, %add3A_22 : vector<24x128xf32>
    %swap3A = arith.constant 0 : index
    %swap3A_24 = arith.constant 0 : index
    %swap3A_25 = vector.load %arg5[%swap3A, %swap3A_24] : memref<24x128xf32, #tpu.memory_space<vmem>>, vector<24x128xf32>
    tpu.vector_store %arg5[%swap3A, %swap3A_24], %add3A_23 {strides = array<i32>} : memref<24x128xf32, #tpu.memory_space<vmem>>, vector<24x128xf32>,
    return
  }
}

</mosaic_0001>

<sc_bundles>
// kernel: kernel.10.cloned.1.call-start
scs
__scs_entry_jumppad:
0x0: {  	(pc) =	sbr.rel $0x88, $3  }
0x1: {  	(tag) =	ssettag $0x0;
	lr =	simm.s32 $0x1  }
0x2: {  	[smem:$0x3F98] =	sst lr;
	_ =	strace $0xD0000000  }
0x3: {  	_ = 	snop  }
0x4: {  	_ = 	snop  }
0x5: {  	_ = 	snop  }
0x6: {  	_ = 	snop  }
0x7: {  	_ = 	snop  }
__scs_overlays_trampoline_lowered:
0x8: {  	[smem:$0x3FA7] =	sst s0  }
0x9: {  	[smem:$0x3FA8] =	sst s1  }
0xa: {  	[smem:$0x3FA9] =	sst s2  }
0xb: {  	[smem:$0x3FAA] =	sst s3  }
0xc: {  	[smem:$0x3FAB] =	sst s4  }
0xd: {  	[smem:$0x3FAC] =	sst s5  }
0xe: {  	[smem:$0x3FAD] =	sst s6  }
0xf: {  	[smem:$0x3FAE] =	sst s7  }
0x10: {  	[smem:$0x3FAF] =	sst s8  }
0x11: {  	[smem:$0x3FB0] =	sst s9;
	s0 =	simm.s32 @!p0 $0x0  }
0x12: {  	s1 =	sld [smem:$0x3F96];
	s0 =	simm.s32 @p0 $0x1  }
0x13: {  	[smem:$0x3FB1] =	sst s0;
	s0 =	simm.s32 @!p1 $0x0  }
0x14: {  	s2 =	sld [smem:$0x3F95];
	s0 =	simm.s32 @p1 $0x1  }
0x15: {  	[smem:$0x3FB2] =	sst s0;
	s0 =	simm.s32 @!p2 $0x0  }
0x16: {  	s3 =	sld [smem:$0x3FDB];
	s0 =	simm.s32 @p2 $0x1  }
0x17: {  	s4 =	simm.s32 $0x1BF5;
	[smem:$0x3FB4] =	sst s0  }
0x18: {  	s0 =	sld [smem:$0x3F97];
	_ =	swait.ge [sflag:s4], $0x0  }
0x19: {  	s7 =	sld [smem:$0x3F98]  }
0x1a: {  	s8 =	sadd.s32 $0xFFFFE003, lr  }
0x1b: {  	s9 =	sadd.s32 $0xFFFFFEF7, lr;
	s5 =	simm.s32 $0xFFFFFFFF;
	p2 =	slt.u32 s8, $0xFFFFF086  }
0x1c: {  	p1 =	slt.u32 s9, $0xF7A;
	s5 =	simm.s32 @!p2 $0x0  }
0x1d: {  	s5 =	simm.s32 @p1 $0x1;
	p0 =	seq.s32 s7, s2  }
0x1e: {  	s7 =	smul.u32 @!p0 $0xF7A, s2;
	p2 =	seq.s32 @!p0 s5, $0x0  }
0x1f: {  	s9 =	smul.u32 $0xF7A, s1;
	s8 =	simm.s32 @!p0 $0x1BF5;
	p2 =	por !p2, p0  }
0x20: {  	[sflag:s8] =	ssyncset.s32 @!p0 $0xFFFFF086;
	s6 =	sadd.s32 @!p0 s3, s7;
	s7 =	simm.s32 @!p0 $0x108  }
0x21: {  	s3 =	sadd.s32 s3, s9;
	s6 =	sadd.s32 @!p0 $0x88, s6;
	s7 =	simm.s32 @p2 $0x1082  }
0x22: {  	[simem:s7], [sflag:s8] =	dma.local @!p0 [hbm:s6], $0xF7A  }
0x23: {  	s9 =	sor.u32 $0xD0000000, s2;
	s6 =	simm.s32 $0x108;
	_ =	swait.ge @!p0 [sflag:s8], $0x0  }
0x24: {  	s3 =	sadd.s32 $0x88, s3;
	s6 =	simm.s32 @!p1 $0x1082;
	[sflag:s4] =	ssyncset.s32 $0xFFFFF086  }
0x25: {  	[simem:s6], [sflag:s4] =	dma.local [hbm:s3], $0xF7A  }
0x26: {  	[smem:$0x3F98] =	sst s1;
	(tag) =	ssettag s2;
	_ =	strace s9  }
0x27: {  	s1 =	sld [smem:$0x3FA8]  }
0x28: {  	s2 =	sld [smem:$0x3FA9]  }
0x29: {  	s4 =	sld [smem:$0x3FAB]  }
0x2a: {  	p0 =	seq.s32 s5, $0x0;
	s5 =	sld [smem:$0x3FAC]  }
0x2b: {  	s6 =	sld [smem:$0x3FAD]  }
0x2c: {  	s7 =	sld [smem:$0x3FAE]  }
0x2d: {  	s3 =	simm.s32 $0x108;
	s8 =	sld [smem:$0x3FAF]  }
0x2e: {  	s3 =	simm.s32 @!p0 $0x1082;
	s9 =	sld [smem:$0x3FB0]  }
0x2f: {  	lr =	sadd.s32 s0, s3;
	s0 =	sld [smem:$0x3FA7]  }
0x30: {  	s3 =	sld [smem:$0x3FAA]  }
0x31: {  	[smem:$0x3FB3] =	sst s10  }
0x32: {  	s10 =	sld [smem:$0x3FB1];
	_ =	sdelay $0x3  }
0x33: {  	p0 =	seq.s32 s10, $0x1;
	s10 =	sld [smem:$0x3FB3];
	_ =	sdelay $0x3  }
0x34: {  	[smem:$0x3FB3] =	sst s10  }
0x35: {  	s10 =	sld [smem:$0x3FB2];
	_ =	sdelay $0x3  }
0x36: {  	p1 =	seq.s32 s10, $0x1;
	s10 =	sld [smem:$0x3FB3];
	_ =	sdelay $0x3  }
0x37: {  	[smem:$0x3FB3] =	sst s10  }
0x38: {  	s10 =	sld [smem:$0x3FB4]  }
0x39: {  	_ = 	snop;
	(pc) =	sbr.ind lr, $3  }
0x3a: {  	_ = 	snop  }
0x3b: {  	_ = 	snop  }
0x3c: {  	p2 =	seq.s32 s10, $0x1;
	s10 =	sld [smem:$0x3FB3]  }
0x3d: {  	_ =	shalt  }
0x3e: {  	_ =	shalt  }
0x3f: {  	_ =	shalt  }
0x40: {  	_ =	shalt  }
0x41: {  	_ =	shalt  }
0x42: {  	_ =	shalt  }
0x43: {  	_ =	shalt  }
0x44: {  	_ =	shalt  }
0x45: {  	_ =	shalt  }
0x46: {  	_ =	shalt  }
0x47: {  	_ =	shalt  }
0x48: {  	_ =	shalt  }
0x49: {  	_ =	shalt  }
0x4a: {  	_ =	shalt  }
0x4b: {  	_ =	shalt  }
0x4c: {  	_ =	shalt  }
0x4d: {  	_ =	shalt  }
0x4e: {  	_ =	shalt  }
0x4f: {  	_ =	shalt  }
0x50: {  	_ =	shalt  }
0x51: {  	_ =	shalt  }
0x52: {  	_ =	shalt  }
0x53: {  	_ =	shalt  }
0x54: {  	_ =	shalt  }
0x55: {  	_ =	shalt  }
0x56: {  	_ =	shalt  }
0x57: {  	_ =	shalt  }
0x58: {  	_ =	shalt  }
0x59: {  	_ =	shalt  }
0x5a: {  	_ =	shalt  }
0x5b: {  	_ =	shalt  }
0x5c: {  	_ =	shalt  }
0x5d: {  	_ =	shalt  }
0x5e: {  	_ =	shalt  }
0x5f: {  	_ =	shalt  }
0x60: {  	_ =	shalt  }
0x61: {  	_ =	shalt  }
0x62: {  	_ =	shalt  }
0x63: {  	_ =	shalt  }
0x64: {  	_ =	shalt  }
0x65: {  	_ =	shalt  }
0x66: {  	_ =	shalt  }
0x67: {  	_ =	shalt  }
0x68: {  	_ =	shalt  }
0x69: {  	_ =	shalt  }
0x6a: {  	_ =	shalt  }
0x6b: {  	_ =	shalt  }
0x6c: {  	_ =	shalt  }
0x6d: {  	_ =	shalt  }
0x6e: {  	_ =	shalt  }
0x6f: {  	_ =	shalt  }
0x70: {  	_ =	shalt  }
0x71: {  	_ =	shalt  }
0x72: {  	_ =	shalt  }
0x73: {  	_ =	shalt  }
0x74: {  	_ =	shalt  }
0x75: {  	_ =	shalt  }
0x76: {  	_ =	shalt  }
0x77: {  	_ =	shalt  }
0x78: {  	_ =	shalt  }
0x79: {  	_ =	shalt  }
0x7a: {  	_ =	shalt  }
0x7b: {  	_ =	shalt  }
0x7c: {  	_ =	shalt  }
0x7d: {  	_ =	shalt  }
0x7e: {  	_ =	shalt  }
0x7f: {  	_ =	shalt  }
0x80: {  	_ =	shalt  }
0x81: {  	_ =	shalt  }
0x82: {  	_ =	shalt  }
0x83: {  	_ =	shalt  }
0x84: {  	_ =	shalt  }
0x85: {  	_ =	shalt  }
0x86: {  	_ =	shalt  }
0x87: {  	_ =	shalt  }
.Lfunc_end0:
.L_simem_size_0:
called_computation.1_lowered:
.L_overlay_start_0:
0x88: {  	s2 =	sld [smem:$0x3FD9]  }
0x89: {  	s3 =	sld [smem:$0x3FFE];
	_ =	sdelay $0x1  }
0x8a: {  	s1 =	srdreg.scid  }
0x8b: {  	s0 =	sand.u32 $0x1, s1  }
0x8c: {  	s16 =	sshll.u32 s0, $0xA;
	s2 =	sadd.s32 s3, s2  }
0x8d: {  	s2 =	sadd.s32 s2, s16  }
0x8e: {  	[smem:$0x3FBF] =	sst s2  }
0x8f: {  	_ = 	snop  }
0x90: {  	(tm) =	ssettm $0x1  }
0x91: {  	s17 =	sld [smem:$0x3FFB];
	_ =	sdelay $0x3  }
0x92: {  	_ =	strace s17  }
0x93: {  	s2 =	sld [smem:$0x3FFC];
	_ =	sdelay $0x3  }
0x94: {  	_ =	strace s2  }
0x95: {  	s2 =	sld [smem:$0x3FFD];
	_ =	sdelay $0x3  }
0x96: {  	_ =	strace s2  }
0x97: {  	_ =	strace $0x8FFFFFFF  }
0x98: {  	s18 =	sld [smem:$0x3FDB];
	_ =	sdelay $0x1  }
0x99: {  	s19 =	simm.s32 $_scs_section_size  }
0x9a: {  	s4 =	simm.s32 $_size__tile_overlayer_lowered;
	s5 =	simm.s32 $_tile_overlayer_lowered  }
0x9b: {  	s22 =	simm.s32 $0x1BFF;
	s21 =	sshll.u32 s5, $0x1;
	s2 =	sadd.s32 s19, s18  }
0x9c: {  	s6 =	simm.s32 $0x0;
	s20 =	sshll.u32 s4, $0x1;
	s4 =	sadd.s32 s21, s2  }
0x9d: {  	[timem:s6], [sflag:s22] =	dma.local [hbm:s4], s20  }
0x9e: {  	_ =	swait.ge [sflag:s22], s20  }
0x9f: {  	s3 =	ssub.s32 $0x0, s20;
	[sflag:s22] =	ssyncset.done $0x0  }
0xa0: {  	[sflag:s22] =	ssyncadd.s32 s3;
	_ =	sdelay $0x1  }
0xa1: {  	s23 =	simm.s32 $0x1B8B  }
0xa2: {  	_ =	swait.ge [sflag:s23], $0x1  }
0xa3: {  	[sflag:s23] =	ssyncset.done $0x0  }
0xa4: {  	s25 =	simm.s32 $0x1B8E;
	s24 =	sld [smem:$0x3FFE];
	[sflag:s23] =	ssyncadd.s32 $0xFFFFFFFF  }
0xa5: {  	s26 =	simm.s32 $execute0_lowered;
	[smem:$0x3FD2] =	sst s25  }
0xa6: {  	s4 =	sshll.u32 s26, $0x1;
	_ =	strace $0x80000049;
	[dreg:$0x1] =	wrdreg $0xFFFFFFFF  }
0xa7: {  	s28 =	simm.s32 $_size_execute0_lowered;
	s2 =	sadd.s32 s2, s4;
	[dreg:$0x0] =	wrdreg $0x0  }
0xa8: {  	s4 =	sshll.u32 s28, $0x1;
	[dreg:$0x2] =	wrdreg s2  }
0xa9: {  	[dreg:$0x3] =	wrdreg s4  }
0xaa: {  	[dreg:$0x4] =	wrdreg $0xC0  }
0xab: {  	_ =	task [dreg:s6], $0x5FFFF  }
0xac: {  	[dreg:$0x1] =	wrdreg $0xFFFFFFFF  }
0xad: {  	[dreg:$0x0] =	wrdreg $0x60  }
0xae: {  	[dreg:$0x2] =	wrdreg s24  }
0xaf: {  	[dreg:$0x3] =	wrdreg $0x0  }
0xb0: {  	[dreg:$0x4] =	wrdreg $0x14000  }
0xb1: {  	[dreg:$0x5] =	wrdreg $0x9  }
0xb2: {  	_ =	task.clear_ibuf [dreg:s6], $0x6FFFF;
	_ =	strace $0x90000049  }
0xb3: {  	s29 =	simm.s32 $0x9;
	_ =	strace $0x8000004B  }
0xb4: {  	_ =	swait.ge [sflag:s29], $0x1  }
0xb5: {  	[sflag:s29] =	ssyncadd.s32 $0xFFFFFFFF  }
0xb6: {  	_ =	strace $0x9000004B  }
0xb7: {  	_ =	sfence  }
0xb8: {  	s30 =	sld [smem:$0x0];
	_ =	sdelay $0x2  }
0xb9: {  	s31 =	sshll.u32 s1, $0xD;
	s1 =	sshrl.u32 s1, $0x2  }
0xba: {  	s3 =	sand.u32 $0x4000, s31;
	s1 =	sadd.s32 s1, s30  }
0xbb: {  	s0 =	sor.u32 s3, s0;
	s1 =	sshll.u32 s1, $0x11  }
0xbc: {  	s0 =	sor.u32 s1, s0  }
0xbd: {  	s0 =	sadd.s32 $0x8F2B, s0  }
0xbe: {  	[sflag:s0] =	ssyncadd.remote.s32 $0x1  }
0xbf: {  	_ =	sfence.sel $0xFFFF  }
0xc0: {  	[dreg:$0x0] =	wrdreg $0xFFFFFFFF;
	(pc) =	sbr.abs _section_cstart, $3  }
0xc1: {  	[dreg:$0x1] =	wrdreg $0xFFFFFFFF  }
0xc2: {  	_ =	task.clear_ibuf [dreg:s6], $0x2FFFF;
	_ =	strace $0x9FFFFFFF  }
0xc3: {  	(tm) =	ssettm $0x7FFFFFFF  }
tec
execute0_lowered:
.L_overlay_start_1:
0x0: {  	(tag) =	ssettag $0x1  }
0x1: {  	v4 =	vlaneseq.u32  }
0x2: {  	v0 =	vshrl.u32 v4, $0x3;
	v5 =	vor.u32 $0x10, v4;
	v6 =	vor.u32 $0x20, v4  }
0x3: {  	v7 =	vor.u32 $0x30, v4;
	v8 =	vor.u32 $0x40, v4;
	v9 =	vor.u32 $0x50, v4  }
0x4: {  	v10 =	vor.u32 $0x60, v4;
	v11 =	vor.u32 $0x70, v4;
	v12 =	vor.u32 $0x80, v4  }
0x5: {  	v13 =	vor.u32 $0x90, v4;
	v14 =	vor.u32 $0xA0, v4;
	v15 =	vor.u32 $0xB0, v4  }
0x6: {  	s10 =	rddreg [dreg:$0x0];
	v16 =	vor.u32 $0xC0, v4;
	v17 =	vor.u32 $0xD0, v4;
	v18 =	vor.u32 $0xE0, v4  }
0x7: {  	s1 =	rddreg [dreg:$0x1];
	v19 =	vor.u32 $0xF0, v4;
	v20 =	vor.u32 $0x100, v4;
	v21 =	vor.u32 $0x110, v4  }
0x8: {  	s3 =	rddreg [dreg:$0x2];
	v23 =	vor.u32 $0x120, v4;
	v22 =	vor.u32 $0x130, v4;
	v24 =	vor.u32 $0x150, v4  }
0x9: {  	s0 =	srdreg.scid;
	s2 =	rddreg [dreg:$0x3];
	v27 =	vor.u32 $0x170, v4;
	v29 =	vor.u32 $0x180, v4;
	v28 =	vor.u32 $0x190, v4  }
0xa: {  	s4 =	simm.s32 $0x0;
	s16 =	simm.s32 $0x1B100;
	s7 =	sand.u32 $0x1, s0;
	v31 =	vor.u32 $0x1A0, v4;
	v30 =	vor.u32 $0x1B0, v4;
	v32 =	vor.u32 $0x1C0, v4  }
0xb: {  	s17 =	simm.s32 $0x19C00;
	s0 =	stileid.u32;
	v33 =	vor.u32 $0x1D0, v4;
	v35 =	vor.u32 $0x1E0, v4;
	v34 =	vor.u32 $0x1F0, v4;
	s5 =	smul.u32 $0x13C000, s7  }
0xc: {  	s18 =	simm.s32 $0x19C80;
	s19 =	simm.s32 $0x19D00;
	v37 =	vor.u32 $0x200, v4;
	v36 =	vor.u32 $0x210, v4;
	v38 =	vor.u32 $0x220, v4;
	s6 =	smul.u32 $0x13C00, s0  }
0xd: {  	s20 =	simm.s32 $0x80;
	s21 =	simm.s32 $0x1A100;
	v39 =	vor.u32 $0x230, v4;
	v41 =	vor.u32 $0x240, v4;
	v40 =	vor.u32 $0x250, v4;
	s8 =	smul.u32 $0x27800, s7  }
0xe: {  	s22 =	simm.s32 $0x1A500;
	s23 =	simm.s32 $0x0;
	v43 =	vor.u32 $0x260, v4;
	v42 =	vor.u32 $0x270, v4;
	v44 =	vor.u32 $0x280, v4;
	s12 =	smul.u32 $0x18800, s0  }
0xf: {  	[smem:$0x7FF] =	sst s4;
	v45 =	vor.u32 $0x290, v4;
	v47 =	vor.u32 $0x2A0, v4;
	v46 =	vor.u32 $0x2B0, v4;
	s9 =	smul.u32 $0x188000, s7;
	s30 =	ssub.s32 $0x2, s7  }
0x10: {  	v49 =	vor.u32 $0x2C0, v4;
	v48 =	vor.u32 $0x2D0, v4;
	v50 =	vor.u32 $0x2E0, v4;
	_ =	strace $0x8000004A;
	s11 =	smul.u32 $0x2780, s0;
	s15 =	sshrl.u32 s30, $0x1  }
0x11: {  	v51 =	vor.u32 $0x2F0, v4;
	v53 =	vor.u32 $0x300, v4;
	v52 =	vor.u32 $0x310, v4;
	s6 =	sadd.s32 s6, s5;
	s5 =	sadd.s32 $0x15D800, s10;
	s9 =	sadd.s32 s12, s9  }
0x12: {  	v55 =	vor.u32 $0x320, v4;
	v54 =	vor.u32 $0x330, v4;
	v56 =	vor.u32 $0x340, v4;
	s26 =	sadd.s32 s11, s8;
	s31 =	ssub.s32 s30, s15;
	s12 =	sadd.s32 s12, s3  }
0x13: {  	v57 =	vor.u32 $0x350, v4;
	v59 =	vor.u32 $0x360, v4;
	v58 =	vor.u32 $0x370, v4;
	s15 =	simm.s32 $0x1;
	s6 =	sshrl.u32 s6, $0x3;
	s28 =	sshrl.u32 s9, $0x3  }
0x14: {  	v61 =	vor.u32 $0x380, v4;
	v60 =	vor.u32 $0x390, v4;
	v63 =	vor.u32 $0x3B0, v4;
	s29 =	sshrl.u32 s26, $0x3;
	s13 =	sadd.s32 s6, s10;
	s8 =	sadd.s32 s28, s10  }
0x15: {  	v1 =	vmul.u32 $0x8, v0;
	v0 =	vor.u32 $0x3C0, v4;
	[tilespmem:$0x1FFF0] =	vst v63;
	s6 =	sadd.s32 $0x15A600, s10;
	s14 =	sadd.s32 s29, s10;
	s7 =	sadd.s32 $0x1BB600, s8  }
0x16: {  	v25 =	vor.u32 $0x140, v4;
	v26 =	vor.u32 $0x160, v4;
	[tilespmem:$0x1FFD0] =	vst v0;
	v0 =	vor.u32 $0x3D0, v4;
	s10 =	sadd.s32 $0x160000, s10;
	s8 =	smul.u32 $0x140, s0;
	s9 =	sadd.s32 $0x162800, s13  }
0x17: {  	v2 =	vand.u32 $0x7, v4;
	v62 =	vor.u32 $0x3A0, v4;
	[tilespmem:$0x1FFE0] =	vst v0;
	s11 =	sadd.s32 $0x1B1800, s14;
	s13 =	smax.u32 s31, $0x1;
	s14 =	sadd.s32 $0x146A00, s14  }
.LBB2_1:
0x18: {  	s24 =	simm.s32 $0x0  }
.LBB2_2:
0x19: {  	s25 =	sshll.u32 s24, $0x6  }
0x1a: {  	s25 =	sadd.s32 s8, s25  }
0x1b: {  	s29 =	sshll.u32 s25, $0x1  }
0x1c: {  	s26 =	simm.s32 $0x0;
	s28 =	simm.s32 $0x1A900;
	s30 =	sadd.s32 s5, s29  }
0x1d: {  	[tilespmem:s28], [sflag:$0x1] =	stream.linear.gather [hbm4b:s30+s26], $0x400, $0x38;
	[tilespmem:$0x1B500] =	vst v63  }
0x1e: {  	_ =	swait.ge [sflag:s15], $0x400  }
0x1f: {  	[sflag:s15] =	ssyncset.done $0x0  }
0x20: {  	s30 =	sadd.s32 s29, s10;
	s29 =	simm.s32 $0x1AD00;
	[sflag:s15] =	ssyncadd.s32 $0xFFFFFC00  }
0x21: {  	[tilespmem:s29], [sflag:$0x1] =	stream.linear.gather [hbm4b:s30+s26], $0x400, $0x38;
	[tilespmem:$0x1B500] =	vst v63  }
0x22: {  	_ =	swait.ge [sflag:s15], $0x400  }
0x23: {  	[sflag:s15] =	ssyncset.done $0x0  }
0x24: {  	[sflag:s15] =	ssyncadd.s32 $0xFFFFFC00  }
0x25: {  	v0 =	vld [tilespmem:s29+$0x0]  }
0x26: {  	s30 =	simm.s32 $0x2;
	v3 =	vld [tilespmem:s28+$0x0]  }
.LBB2_3:
0x27: {  	p0 =	sne.s32 s30, $0x7E;
	_ =	sdelay $0x3  }
0x28: {  	v0 =	vadd.f32 v0, v3;
	_ =	sdelay $0x1  }
0x29: {  	v0 =	vadd.f32 $9.999999710e-10, v0;
	_ =	sdelay $0x1  }
0x2a: {  	(erf) = vrcp.f32 v0;
	_ =	sdelay $0x1  }
0x2b: {  	v0 =	vmov s26;
	s26 =	smov.u32 s30  }
0x2c: {  	v0 =	vshll.u32 v0, $0x3  }
0x2d: {  	v0 =	vor.u32 v1, v0  }
0x2e: {  	v0 =	vor.u32 v2, v0;
	_ =	sdelay $0x2  }
.Ltmp0:
0x2f: {  	(pc) =	sbr.rel @p0 .LBB2_3-.Ltmp0, $4  }
0x30: {  	v3 =	vpop (erf)  }
0x31: {  	s29 =	sadd.s32 $0x10, s29;
	[tilespmem:v0+s16+$0x0] =	vst.idx.msk $0xffff, v3  }
0x32: {  	s28 =	sadd.s32 $0x10, s28;
	v0 =	vld [tilespmem:s29+$0x0]  }
0x33: {  	s30 =	sadd.s32 $0x2, s30;
	v3 =	vld [tilespmem:s28+$0x0]  }
0x34: {  	_ =	sdelay $0x3  }
0x35: {  	v0 =	vadd.f32 v0, v3;
	_ =	sdelay $0x1  }
0x36: {  	v0 =	vadd.f32 $9.999999710e-10, v0;
	_ =	sdelay $0x1  }
0x37: {  	(erf) = vrcp.f32 v0;
	_ =	sdelay $0x1  }
0x38: {  	v0 =	vmov s26  }
0x39: {  	v0 =	vshll.u32 v0, $0x3  }
0x3a: {  	v0 =	vor.u32 v1, v0  }
0x3b: {  	v0 =	vor.u32 v2, v0;
	_ =	sdelay $0x2  }
0x3c: {  	s25 =	sshll.u32 s25, $0x4;
	s24 =	sadd.s32 $0x1, s24  }
0x3d: {  	s25 =	sand.u32 $0x3FFFFFF0, s25;
	p0 =	sne.s32 s24, $0x5;
	v3 =	vpop (erf)  }
.Ltmp1:
0x3e: {  	s25 =	sadd.s32 s25, s1;
	[tilespmem:v0+s16+$0x0] =	vst.idx.msk $0xffff, v3;
	(pc) =	sbr.rel @p0 .LBB2_2-.Ltmp1, $4  }
0x3f: {  	[spmem:s25] =	stream.linear.scatter [tilespmem:s16], [sflag:$0x1], $0x400, $0x38;
	[tilespmem:$0x1B500] =	vst v63  }
0x40: {  	_ =	swait.ge [sflag:s15], $0x400  }
0x41: {  	[sflag:s15] =	ssyncset.done $0x0  }
0x42: {  	[sflag:s15] =	ssyncadd.s32 $0xFFFFFC00  }
0x43: {  	s24 =	sshll.u32 s0, $0x6  }
0x44: {  	s25 =	sshrl.u32 s12, $0x3;
	s24 =	sor.u32 $0x1C01, s24  }
0x45: {  	[spmem:s25], [sflag:s24] =	dma.local [hbm:s6], $0x3100  }
0x46: {  	_ =	swait.ge [sflag:s15], $0x3100  }
0x47: {  	[sflag:s15] =	ssyncset.done $0x0  }
0x48: {  	[sflag:s15] =	ssyncadd.s32 $0xFFFFCF00  }
0x49: {  	s26 =	simm.s32 $0x0;
	s28 =	smov.u32 s9;
	[bflag:$0x0] =	sbarrier.arrive $0xFFFF  }
.LBB2_6:
0x4a: {  	s29 =	sadd.s32 s26, s14  }
0x4b: {  	[tilespmem:s17], [sflag:$0x1] =	stream.linear.gather [hbm4b:s29+s4], $0x80, $0x38;
	[tilespmem:$0x1B500] =	vst v63  }
0x4c: {  	_ =	swait.ge [sflag:s15], $0x80  }
0x4d: {  	[sflag:s15] =	ssyncset.done $0x0  }
0x4e: {  	s31 =	sadd.s32 s26, s11;
	[sflag:s15] =	ssyncadd.s32 $0xFFFFFF80  }
0x4f: {  	[tilespmem:s18], [sflag:$0x1] =	stream.linear.gather [hbm4b:s31+s4], $0x80, $0x38;
	[tilespmem:$0x1B500] =	vst v63  }
0x50: {  	_ =	swait.ge [sflag:s15], $0x80  }
0x51: {  	[sflag:s15] =	ssyncset.done $0x0  }
0x52: {  	[sflag:s15] =	ssyncadd.s32 $0xFFFFFF80  }
0x53: {  	[tilespmem:s19], [sflag:$0x1] =	stream.linear.gather [hbm4b:s28+s4], $0x400, $0x38;
	[tilespmem:$0x1B500] =	vst v63  }
0x54: {  	_ =	swait.ge [sflag:s15], $0x400  }
0x55: {  	[sflag:s15] =	ssyncset.done $0x0  }
0x56: {  	[sflag:s15] =	ssyncadd.s32 $0xFFFFFC00  }
0x57: {  	[tilespmem:s21], [sflag:$0x1] =	stream.indirect.gather [spmem:s1], $0x8, s17, s20, $0xb8;
	[tilespmem:$0x1B500] =	vst v63  }
0x58: {  	_ =	swait.ge [sflag:s15], $0x400  }
0x59: {  	[sflag:s15] =	ssyncset.done $0x0  }
0x5a: {  	[sflag:s15] =	ssyncadd.s32 $0xFFFFFC00  }
0x5b: {  	v0 =	vld.idx.msk [tilespmem:v4+s19+$0x0], $0xffff  }
0x5c: {  	v3 =	vld.idx.msk [tilespmem:v4+s21+$0x0], $0xffff;
	_ =	sdelay $0x4  }
0x5d: {  	v0 =	vmul.f32 v3, v0;
	_ =	sdelay $0x1  }
0x5e: {  	[tilespmem:v4+s22+$0x0] =	vst.idx.msk $0xffff, v0  }
0x5f: {  	v0 =	vld.idx.msk [tilespmem:v5+s19+$0x0], $0xffff  }
0x60: {  	v3 =	vld.idx.msk [tilespmem:v5+s21+$0x0], $0xffff;
	_ =	sdelay $0x4  }
0x61: {  	v0 =	vmul.f32 v3, v0;
	_ =	sdelay $0x1  }
0x62: {  	[tilespmem:v5+s22+$0x0] =	vst.idx.msk $0xffff, v0  }
0x63: {  	v0 =	vld.idx.msk [tilespmem:v6+s19+$0x0], $0xffff  }
0x64: {  	v3 =	vld.idx.msk [tilespmem:v6+s21+$0x0], $0xffff;
	_ =	sdelay $0x4  }
0x65: {  	v0 =	vmul.f32 v3, v0;
	_ =	sdelay $0x1  }
0x66: {  	[tilespmem:v6+s22+$0x0] =	vst.idx.msk $0xffff, v0  }
0x67: {  	v0 =	vld.idx.msk [tilespmem:v7+s19+$0x0], $0xffff  }
0x68: {  	v3 =	vld.idx.msk [tilespmem:v7+s21+$0x0], $0xffff;
	_ =	sdelay $0x4  }
0x69: {  	v0 =	vmul.f32 v3, v0;
	_ =	sdelay $0x1  }
0x6a: {  	[tilespmem:v7+s22+$0x0] =	vst.idx.msk $0xffff, v0  }
0x6b: {  	v0 =	vld.idx.msk [tilespmem:v8+s19+$0x0], $0xffff  }
0x6c: {  	v3 =	vld.idx.msk [tilespmem:v8+s21+$0x0], $0xffff;
	_ =	sdelay $0x4  }
0x6d: {  	v0 =	vmul.f32 v3, v0;
	_ =	sdelay $0x1  }
0x6e: {  	[tilespmem:v8+s22+$0x0] =	vst.idx.msk $0xffff, v0  }
0x6f: {  	v0 =	vld.idx.msk [tilespmem:v9+s19+$0x0], $0xffff  }
0x70: {  	v3 =	vld.idx.msk [tilespmem:v9+s21+$0x0], $0xffff;
	_ =	sdelay $0x4  }
0x71: {  	v0 =	vmul.f32 v3, v0;
	_ =	sdelay $0x1  }
0x72: {  	[tilespmem:v9+s22+$0x0] =	vst.idx.msk $0xffff, v0  }
0x73: {  	v0 =	vld.idx.msk [tilespmem:v10+s19+$0x0], $0xffff  }
0x74: {  	v3 =	vld.idx.msk [tilespmem:v10+s21+$0x0], $0xffff;
	_ =	sdelay $0x4  }
0x75: {  	v0 =	vmul.f32 v3, v0;
	_ =	sdelay $0x1  }
0x76: {  	[tilespmem:v10+s22+$0x0] =	vst.idx.msk $0xffff, v0  }
0x77: {  	v0 =	vld.idx.msk [tilespmem:v11+s19+$0x0], $0xffff  }
0x78: {  	v3 =	vld.idx.msk [tilespmem:v11+s21+$0x0], $0xffff;
	_ =	sdelay $0x4  }
0x79: {  	v0 =	vmul.f32 v3, v0;
	_ =	sdelay $0x1  }
0x7a: {  	[tilespmem:v11+s22+$0x0] =	vst.idx.msk $0xffff, v0  }
0x7b: {  	v0 =	vld.idx.msk [tilespmem:v12+s19+$0x0], $0xffff  }
0x7c: {  	v3 =	vld.idx.msk [tilespmem:v12+s21+$0x0], $0xffff;
	_ =	sdelay $0x4  }
0x7d: {  	v0 =	vmul.f32 v3, v0;
	_ =	sdelay $0x1  }
0x7e: {  	[tilespmem:v12+s22+$0x0] =	vst.idx.msk $0xffff, v0  }
0x7f: {  	v0 =	vld.idx.msk [tilespmem:v13+s19+$0x0], $0xffff  }
0x80: {  	v3 =	vld.idx.msk [tilespmem:v13+s21+$0x0], $0xffff;
	_ =	sdelay $0x4  }
0x81: {  	v0 =	vmul.f32 v3, v0;
	_ =	sdelay $0x1  }
0x82: {  	[tilespmem:v13+s22+$0x0] =	vst.idx.msk $0xffff, v0  }
0x83: {  	v0 =	vld.idx.msk [tilespmem:v14+s19+$0x0], $0xffff  }
0x84: {  	v3 =	vld.idx.msk [tilespmem:v14+s21+$0x0], $0xffff;
	_ =	sdelay $0x4  }
0x85: {  	v0 =	vmul.f32 v3, v0;
	_ =	sdelay $0x1  }
0x86: {  	[tilespmem:v14+s22+$0x0] =	vst.idx.msk $0xffff, v0  }
0x87: {  	v0 =	vld.idx.msk [tilespmem:v15+s19+$0x0], $0xffff  }
0x88: {  	v3 =	vld.idx.msk [tilespmem:v15+s21+$0x0], $0xffff;
	_ =	sdelay $0x4  }
0x89: {  	v0 =	vmul.f32 v3, v0;
	_ =	sdelay $0x1  }
0x8a: {  	[tilespmem:v15+s22+$0x0] =	vst.idx.msk $0xffff, v0  }
0x8b: {  	v0 =	vld.idx.msk [tilespmem:v16+s19+$0x0], $0xffff  }
0x8c: {  	v3 =	vld.idx.msk [tilespmem:v16+s21+$0x0], $0xffff;
	_ =	sdelay $0x4  }
0x8d: {  	v0 =	vmul.f32 v3, v0;
	_ =	sdelay $0x1  }
0x8e: {  	[tilespmem:v16+s22+$0x0] =	vst.idx.msk $0xffff, v0  }
0x8f: {  	v0 =	vld.idx.msk [tilespmem:v17+s19+$0x0], $0xffff  }
0x90: {  	v3 =	vld.idx.msk [tilespmem:v17+s21+$0x0], $0xffff;
	_ =	sdelay $0x4  }
0x91: {  	v0 =	vmul.f32 v3, v0;
	_ =	sdelay $0x1  }
0x92: {  	[tilespmem:v17+s22+$0x0] =	vst.idx.msk $0xffff, v0  }
0x93: {  	v0 =	vld.idx.msk [tilespmem:v18+s19+$0x0], $0xffff  }
0x94: {  	v3 =	vld.idx.msk [tilespmem:v18+s21+$0x0], $0xffff;
	_ =	sdelay $0x4  }
0x95: {  	v0 =	vmul.f32 v3, v0;
	_ =	sdelay $0x1  }
0x96: {  	[tilespmem:v18+s22+$0x0] =	vst.idx.msk $0xffff, v0  }
0x97: {  	v0 =	vld.idx.msk [tilespmem:v19+s19+$0x0], $0xffff  }
0x98: {  	v3 =	vld.idx.msk [tilespmem:v19+s21+$0x0], $0xffff;
	_ =	sdelay $0x4  }
0x99: {  	v0 =	vmul.f32 v3, v0;
	_ =	sdelay $0x1  }
0x9a: {  	[tilespmem:v19+s22+$0x0] =	vst.idx.msk $0xffff, v0  }
0x9b: {  	v0 =	vld.idx.msk [tilespmem:v20+s19+$0x0], $0xffff  }
0x9c: {  	v3 =	vld.idx.msk [tilespmem:v20+s21+$0x0], $0xffff;
	_ =	sdelay $0x4  }
0x9d: {  	v0 =	vmul.f32 v3, v0;
	_ =	sdelay $0x1  }
0x9e: {  	[tilespmem:v20+s22+$0x0] =	vst.idx.msk $0xffff, v0  }
0x9f: {  	v0 =	vld.idx.msk [tilespmem:v21+s19+$0x0], $0xffff  }
0xa0: {  	v3 =	vld.idx.msk [tilespmem:v21+s21+$0x0], $0xffff;
	_ =	sdelay $0x4  }
0xa1: {  	v0 =	vmul.f32 v3, v0;
	_ =	sdelay $0x1  }
0xa2: {  	[tilespmem:v21+s22+$0x0] =	vst.idx.msk $0xffff, v0  }
0xa3: {  	v0 =	vld.idx.msk [tilespmem:v23+s19+$0x0], $0xffff  }
0xa4: {  	v3 =	vld.idx.msk [tilespmem:v23+s21+$0x0], $0xffff;
	_ =	sdelay $0x4  }
0xa5: {  	v0 =	vmul.f32 v3, v0;
	_ =	sdelay $0x1  }
0xa6: {  	[tilespmem:v23+s22+$0x0] =	vst.idx.msk $0xffff, v0  }
0xa7: {  	v0 =	vld.idx.msk [tilespmem:v22+s19+$0x0], $0xffff  }
0xa8: {  	v3 =	vld.idx.msk [tilespmem:v22+s21+$0x0], $0xffff;
	_ =	sdelay $0x4  }
0xa9: {  	v0 =	vmul.f32 v3, v0;
	_ =	sdelay $0x1  }
0xaa: {  	[tilespmem:v22+s22+$0x0] =	vst.idx.msk $0xffff, v0  }
0xab: {  	v0 =	vld.idx.msk [tilespmem:v25+s19+$0x0], $0xffff  }
0xac: {  	v3 =	vld.idx.msk [tilespmem:v25+s21+$0x0], $0xffff;
	_ =	sdelay $0x4  }
0xad: {  	v0 =	vmul.f32 v3, v0;
	_ =	sdelay $0x1  }
0xae: {  	[tilespmem:v25+s22+$0x0] =	vst.idx.msk $0xffff, v0  }
0xaf: {  	v0 =	vld.idx.msk [tilespmem:v24+s19+$0x0], $0xffff  }
0xb0: {  	v3 =	vld.idx.msk [tilespmem:v24+s21+$0x0], $0xffff;
	_ =	sdelay $0x4  }
0xb1: {  	v0 =	vmul.f32 v3, v0;
	_ =	sdelay $0x1  }
0xb2: {  	[tilespmem:v24+s22+$0x0] =	vst.idx.msk $0xffff, v0  }
0xb3: {  	v0 =	vld.idx.msk [tilespmem:v26+s19+$0x0], $0xffff  }
0xb4: {  	v3 =	vld.idx.msk [tilespmem:v26+s21+$0x0], $0xffff;
	_ =	sdelay $0x4  }
0xb5: {  	v0 =	vmul.f32 v3, v0;
	_ =	sdelay $0x1  }
0xb6: {  	[tilespmem:v26+s22+$0x0] =	vst.idx.msk $0xffff, v0  }
0xb7: {  	v0 =	vld.idx.msk [tilespmem:v27+s19+$0x0], $0xffff  }
0xb8: {  	v3 =	vld.idx.msk [tilespmem:v27+s21+$0x0], $0xffff;
	_ =	sdelay $0x4  }
0xb9: {  	v0 =	vmul.f32 v3, v0;
	_ =	sdelay $0x1  }
0xba: {  	[tilespmem:v27+s22+$0x0] =	vst.idx.msk $0xffff, v0  }
0xbb: {  	v0 =	vld.idx.msk [tilespmem:v29+s19+$0x0], $0xffff  }
0xbc: {  	v3 =	vld.idx.msk [tilespmem:v29+s21+$0x0], $0xffff;
	_ =	sdelay $0x4  }
0xbd: {  	v0 =	vmul.f32 v3, v0;
	_ =	sdelay $0x1  }
0xbe: {  	[tilespmem:v29+s22+$0x0] =	vst.idx.msk $0xffff, v0  }
0xbf: {  	v0 =	vld.idx.msk [tilespmem:v28+s19+$0x0], $0xffff  }
0xc0: {  	v3 =	vld.idx.msk [tilespmem:v28+s21+$0x0], $0xffff;
	_ =	sdelay $0x4  }
0xc1: {  	v0 =	vmul.f32 v3, v0;
	_ =	sdelay $0x1  }
0xc2: {  	[tilespmem:v28+s22+$0x0] =	vst.idx.msk $0xffff, v0  }
0xc3: {  	v0 =	vld.idx.msk [tilespmem:v31+s19+$0x0], $0xffff  }
0xc4: {  	v3 =	vld.idx.msk [tilespmem:v31+s21+$0x0], $0xffff;
	_ =	sdelay $0x4  }
0xc5: {  	v0 =	vmul.f32 v3, v0;
	_ =	sdelay $0x1  }
0xc6: {  	[tilespmem:v31+s22+$0x0] =	vst.idx.msk $0xffff, v0  }
0xc7: {  	v0 =	vld.idx.msk [tilespmem:v30+s19+$0x0], $0xffff  }
0xc8: {  	v3 =	vld.idx.msk [tilespmem:v30+s21+$0x0], $0xffff;
	_ =	sdelay $0x4  }
0xc9: {  	v0 =	vmul.f32 v3, v0;
	_ =	sdelay $0x1  }
0xca: {  	[tilespmem:v30+s22+$0x0] =	vst.idx.msk $0xffff, v0  }
0xcb: {  	v0 =	vld.idx.msk [tilespmem:v32+s19+$0x0], $0xffff  }
0xcc: {  	v3 =	vld.idx.msk [tilespmem:v32+s21+$0x0], $0xffff;
	_ =	sdelay $0x4  }
0xcd: {  	v0 =	vmul.f32 v3, v0;
	_ =	sdelay $0x1  }
0xce: {  	[tilespmem:v32+s22+$0x0] =	vst.idx.msk $0xffff, v0  }
0xcf: {  	v0 =	vld.idx.msk [tilespmem:v33+s19+$0x0], $0xffff  }
0xd0: {  	v3 =	vld.idx.msk [tilespmem:v33+s21+$0x0], $0xffff;
	_ =	sdelay $0x4  }
0xd1: {  	v0 =	vmul.f32 v3, v0;
	_ =	sdelay $0x1  }
0xd2: {  	[tilespmem:v33+s22+$0x0] =	vst.idx.msk $0xffff, v0  }
0xd3: {  	v0 =	vld.idx.msk [tilespmem:v35+s19+$0x0], $0xffff  }
0xd4: {  	v3 =	vld.idx.msk [tilespmem:v35+s21+$0x0], $0xffff;
	_ =	sdelay $0x4  }
0xd5: {  	v0 =	vmul.f32 v3, v0;
	_ =	sdelay $0x1  }
0xd6: {  	[tilespmem:v35+s22+$0x0] =	vst.idx.msk $0xffff, v0  }
0xd7: {  	v0 =	vld.idx.msk [tilespmem:v34+s19+$0x0], $0xffff  }
0xd8: {  	v3 =	vld.idx.msk [tilespmem:v34+s21+$0x0], $0xffff;
	_ =	sdelay $0x4  }
0xd9: {  	v0 =	vmul.f32 v3, v0;
	_ =	sdelay $0x1  }
0xda: {  	[tilespmem:v34+s22+$0x0] =	vst.idx.msk $0xffff, v0  }
0xdb: {  	v0 =	vld.idx.msk [tilespmem:v37+s19+$0x0], $0xffff  }
0xdc: {  	v3 =	vld.idx.msk [tilespmem:v37+s21+$0x0], $0xffff;
	_ =	sdelay $0x4  }
0xdd: {  	v0 =	vmul.f32 v3, v0;
	_ =	sdelay $0x1  }
0xde: {  	[tilespmem:v37+s22+$0x0] =	vst.idx.msk $0xffff, v0  }
0xdf: {  	v0 =	vld.idx.msk [tilespmem:v36+s19+$0x0], $0xffff  }
0xe0: {  	v3 =	vld.idx.msk [tilespmem:v36+s21+$0x0], $0xffff;
	_ =	sdelay $0x4  }
0xe1: {  	v0 =	vmul.f32 v3, v0;
	_ =	sdelay $0x1  }
0xe2: {  	[tilespmem:v36+s22+$0x0] =	vst.idx.msk $0xffff, v0  }
0xe3: {  	v0 =	vld.idx.msk [tilespmem:v38+s19+$0x0], $0xffff  }
0xe4: {  	v3 =	vld.idx.msk [tilespmem:v38+s21+$0x0], $0xffff;
	_ =	sdelay $0x4  }
0xe5: {  	v0 =	vmul.f32 v3, v0;
	_ =	sdelay $0x1  }
0xe6: {  	[tilespmem:v38+s22+$0x0] =	vst.idx.msk $0xffff, v0  }
0xe7: {  	v0 =	vld.idx.msk [tilespmem:v39+s19+$0x0], $0xffff  }
0xe8: {  	v3 =	vld.idx.msk [tilespmem:v39+s21+$0x0], $0xffff;
	_ =	sdelay $0x4  }
0xe9: {  	v0 =	vmul.f32 v3, v0;
	_ =	sdelay $0x1  }
0xea: {  	[tilespmem:v39+s22+$0x0] =	vst.idx.msk $0xffff, v0  }
0xeb: {  	v0 =	vld.idx.msk [tilespmem:v41+s19+$0x0], $0xffff  }
0xec: {  	v3 =	vld.idx.msk [tilespmem:v41+s21+$0x0], $0xffff;
	_ =	sdelay $0x4  }
0xed: {  	v0 =	vmul.f32 v3, v0;
	_ =	sdelay $0x1  }
0xee: {  	[tilespmem:v41+s22+$0x0] =	vst.idx.msk $0xffff, v0  }
0xef: {  	v0 =	vld.idx.msk [tilespmem:v40+s19+$0x0], $0xffff  }
0xf0: {  	v3 =	vld.idx.msk [tilespmem:v40+s21+$0x0], $0xffff;
	_ =	sdelay $0x4  }
0xf1: {  	v0 =	vmul.f32 v3, v0;
	_ =	sdelay $0x1  }
0xf2: {  	[tilespmem:v40+s22+$0x0] =	vst.idx.msk $0xffff, v0  }
0xf3: {  	v0 =	vld.idx.msk [tilespmem:v43+s19+$0x0], $0xffff  }
0xf4: {  	v3 =	vld.idx.msk [tilespmem:v43+s21+$0x0], $0xffff;
	_ =	sdelay $0x4  }
0xf5: {  	v0 =	vmul.f32 v3, v0;
	_ =	sdelay $0x1  }
0xf6: {  	[tilespmem:v43+s22+$0x0] =	vst.idx.msk $0xffff, v0  }
0xf7: {  	v0 =	vld.idx.msk [tilespmem:v42+s19+$0x0], $0xffff  }
0xf8: {  	v3 =	vld.idx.msk [tilespmem:v42+s21+$0x0], $0xffff;
	_ =	sdelay $0x4  }
0xf9: {  	v0 =	vmul.f32 v3, v0;
	_ =	sdelay $0x1  }
0xfa: {  	[tilespmem:v42+s22+$0x0] =	vst.idx.msk $0xffff, v0  }
0xfb: {  	v0 =	vld.idx.msk [tilespmem:v44+s19+$0x0], $0xffff  }
0xfc: {  	v3 =	vld.idx.msk [tilespmem:v44+s21+$0x0], $0xffff;
	_ =	sdelay $0x4  }
0xfd: {  	v0 =	vmul.f32 v3, v0;
	_ =	sdelay $0x1  }
0xfe: {  	[tilespmem:v44+s22+$0x0] =	vst.idx.msk $0xffff, v0  }
0xff: {  	v0 =	vld.idx.msk [tilespmem:v45+s19+$0x0], $0xffff  }
0x100: {  	v3 =	vld.idx.msk [tilespmem:v45+s21+$0x0], $0xffff;
	_ =	sdelay $0x4  }
0x101: {  	v0 =	vmul.f32 v3, v0;
	_ =	sdelay $0x1  }
0x102: {  	[tilespmem:v45+s22+$0x0] =	vst.idx.msk $0xffff, v0  }
0x103: {  	v0 =	vld.idx.msk [tilespmem:v47+s19+$0x0], $0xffff  }
0x104: {  	v3 =	vld.idx.msk [tilespmem:v47+s21+$0x0], $0xffff;
	_ =	sdelay $0x4  }
0x105: {  	v0 =	vmul.f32 v3, v0;
	_ =	sdelay $0x1  }
0x106: {  	[tilespmem:v47+s22+$0x0] =	vst.idx.msk $0xffff, v0  }
0x107: {  	v0 =	vld.idx.msk [tilespmem:v46+s19+$0x0], $0xffff  }
0x108: {  	v3 =	vld.idx.msk [tilespmem:v46+s21+$0x0], $0xffff;
	_ =	sdelay $0x4  }
0x109: {  	v0 =	vmul.f32 v3, v0;
	_ =	sdelay $0x1  }
0x10a: {  	[tilespmem:v46+s22+$0x0] =	vst.idx.msk $0xffff, v0  }
0x10b: {  	v0 =	vld.idx.msk [tilespmem:v49+s19+$0x0], $0xffff  }
0x10c: {  	v3 =	vld.idx.msk [tilespmem:v49+s21+$0x0], $0xffff;
	_ =	sdelay $0x4  }
0x10d: {  	v0 =	vmul.f32 v3, v0;
	_ =	sdelay $0x1  }
0x10e: {  	[tilespmem:v49+s22+$0x0] =	vst.idx.msk $0xffff, v0  }
0x10f: {  	v0 =	vld.idx.msk [tilespmem:v48+s19+$0x0], $0xffff  }
0x110: {  	v3 =	vld.idx.msk [tilespmem:v48+s21+$0x0], $0xffff;
	_ =	sdelay $0x4  }
0x111: {  	v0 =	vmul.f32 v3, v0;
	_ =	sdelay $0x1  }
0x112: {  	[tilespmem:v48+s22+$0x0] =	vst.idx.msk $0xffff, v0  }
0x113: {  	v0 =	vld.idx.msk [tilespmem:v50+s19+$0x0], $0xffff  }
0x114: {  	v3 =	vld.idx.msk [tilespmem:v50+s21+$0x0], $0xffff;
	_ =	sdelay $0x4  }
0x115: {  	v0 =	vmul.f32 v3, v0;
	_ =	sdelay $0x1  }
0x116: {  	[tilespmem:v50+s22+$0x0] =	vst.idx.msk $0xffff, v0  }
0x117: {  	v0 =	vld.idx.msk [tilespmem:v51+s19+$0x0], $0xffff  }
0x118: {  	v3 =	vld.idx.msk [tilespmem:v51+s21+$0x0], $0xffff;
	_ =	sdelay $0x4  }
0x119: {  	v0 =	vmul.f32 v3, v0;
	_ =	sdelay $0x1  }
0x11a: {  	[tilespmem:v51+s22+$0x0] =	vst.idx.msk $0xffff, v0  }
0x11b: {  	v0 =	vld.idx.msk [tilespmem:v53+s19+$0x0], $0xffff  }
0x11c: {  	v3 =	vld.idx.msk [tilespmem:v53+s21+$0x0], $0xffff;
	_ =	sdelay $0x4  }
0x11d: {  	v0 =	vmul.f32 v3, v0;
	_ =	sdelay $0x1  }
0x11e: {  	[tilespmem:v53+s22+$0x0] =	vst.idx.msk $0xffff, v0  }
0x11f: {  	v0 =	vld.idx.msk [tilespmem:v52+s19+$0x0], $0xffff  }
0x120: {  	v3 =	vld.idx.msk [tilespmem:v52+s21+$0x0], $0xffff;
	_ =	sdelay $0x4  }
0x121: {  	v0 =	vmul.f32 v3, v0;
	_ =	sdelay $0x1  }
0x122: {  	[tilespmem:v52+s22+$0x0] =	vst.idx.msk $0xffff, v0  }
0x123: {  	v0 =	vld.idx.msk [tilespmem:v55+s19+$0x0], $0xffff  }
0x124: {  	v3 =	vld.idx.msk [tilespmem:v55+s21+$0x0], $0xffff;
	_ =	sdelay $0x4  }
0x125: {  	v0 =	vmul.f32 v3, v0;
	_ =	sdelay $0x1  }
0x126: {  	[tilespmem:v55+s22+$0x0] =	vst.idx.msk $0xffff, v0  }
0x127: {  	v0 =	vld.idx.msk [tilespmem:v54+s19+$0x0], $0xffff  }
0x128: {  	v3 =	vld.idx.msk [tilespmem:v54+s21+$0x0], $0xffff;
	_ =	sdelay $0x4  }
0x129: {  	v0 =	vmul.f32 v3, v0;
	_ =	sdelay $0x1  }
0x12a: {  	[tilespmem:v54+s22+$0x0] =	vst.idx.msk $0xffff, v0  }
0x12b: {  	v0 =	vld.idx.msk [tilespmem:v56+s19+$0x0], $0xffff  }
0x12c: {  	v3 =	vld.idx.msk [tilespmem:v56+s21+$0x0], $0xffff;
	_ =	sdelay $0x4  }
0x12d: {  	v0 =	vmul.f32 v3, v0;
	_ =	sdelay $0x1  }
0x12e: {  	[tilespmem:v56+s22+$0x0] =	vst.idx.msk $0xffff, v0  }
0x12f: {  	v0 =	vld.idx.msk [tilespmem:v57+s19+$0x0], $0xffff  }
0x130: {  	v3 =	vld.idx.msk [tilespmem:v57+s21+$0x0], $0xffff;
	_ =	sdelay $0x4  }
0x131: {  	v0 =	vmul.f32 v3, v0;
	_ =	sdelay $0x1  }
0x132: {  	[tilespmem:v57+s22+$0x0] =	vst.idx.msk $0xffff, v0  }
0x133: {  	v0 =	vld.idx.msk [tilespmem:v59+s19+$0x0], $0xffff  }
0x134: {  	v3 =	vld.idx.msk [tilespmem:v59+s21+$0x0], $0xffff;
	_ =	sdelay $0x4  }
0x135: {  	v0 =	vmul.f32 v3, v0;
	_ =	sdelay $0x1  }
0x136: {  	[tilespmem:v59+s22+$0x0] =	vst.idx.msk $0xffff, v0  }
0x137: {  	v0 =	vld.idx.msk [tilespmem:v58+s19+$0x0], $0xffff  }
0x138: {  	v3 =	vld.idx.msk [tilespmem:v58+s21+$0x0], $0xffff;
	_ =	sdelay $0x4  }
0x139: {  	v0 =	vmul.f32 v3, v0;
	_ =	sdelay $0x1  }
0x13a: {  	[tilespmem:v58+s22+$0x0] =	vst.idx.msk $0xffff, v0  }
0x13b: {  	v0 =	vld.idx.msk [tilespmem:v61+s19+$0x0], $0xffff  }
0x13c: {  	v3 =	vld.idx.msk [tilespmem:v61+s21+$0x0], $0xffff;
	_ =	sdelay $0x4  }
0x13d: {  	v0 =	vmul.f32 v3, v0;
	_ =	sdelay $0x1  }
0x13e: {  	[tilespmem:v61+s22+$0x0] =	vst.idx.msk $0xffff, v0  }
0x13f: {  	v0 =	vld.idx.msk [tilespmem:v60+s19+$0x0], $0xffff  }
0x140: {  	v3 =	vld.idx.msk [tilespmem:v60+s21+$0x0], $0xffff;
	_ =	sdelay $0x4  }
0x141: {  	v0 =	vmul.f32 v3, v0;
	_ =	sdelay $0x1  }
0x142: {  	[tilespmem:v60+s22+$0x0] =	vst.idx.msk $0xffff, v0  }
0x143: {  	v0 =	vld.idx.msk [tilespmem:v62+s19+$0x0], $0xffff  }
0x144: {  	v3 =	vld.idx.msk [tilespmem:v62+s21+$0x0], $0xffff;
	_ =	sdelay $0x4  }
0x145: {  	v0 =	vmul.f32 v3, v0;
	_ =	sdelay $0x1  }
0x146: {  	[tilespmem:v62+s22+$0x0] =	vst.idx.msk $0xffff, v0  }
0x147: {  	v0 =	vld.idx.msk [tilespmem:v63+s19+$0x0], $0xffff  }
0x148: {  	v3 =	vld.idx.msk [tilespmem:v63+s21+$0x0], $0xffff;
	_ =	sdelay $0x4  }
0x149: {  	v0 =	vmul.f32 v3, v0;
	_ =	sdelay $0x1  }
0x14a: {  	[tilespmem:v63+s22+$0x0] =	vst.idx.msk $0xffff, v0;
	v63 =	vld [tilespmem:$0x1FFD0];
	_ =	sdelay $0x7  }
0x14b: {  	v0 =	vld.idx.msk [tilespmem:v63+s19+$0x0], $0xffff  }
0x14c: {  	v3 =	vld.idx.msk [tilespmem:v63+s21+$0x0], $0xffff;
	_ =	sdelay $0x4  }
0x14d: {  	v0 =	vmul.f32 v3, v0;
	_ =	sdelay $0x1  }
0x14e: {  	[tilespmem:v63+s22+$0x0] =	vst.idx.msk $0xffff, v0;
	v63 =	vld [tilespmem:$0x1FFE0];
	_ =	sdelay $0x7  }
0x14f: {  	v0 =	vld.idx.msk [tilespmem:v63+s19+$0x0], $0xffff  }
0x150: {  	v3 =	vld.idx.msk [tilespmem:v63+s21+$0x0], $0xffff;
	_ =	sdelay $0x4  }
0x151: {  	v0 =	vmul.f32 v3, v0;
	_ =	sdelay $0x1  }
0x152: {  	v4 =	vor.u32 $0x3E0, v4;
	[tilespmem:v63+s22+$0x0] =	vst.idx.msk $0xffff, v0;
	v63 =	vmovc v62;
	v62 =	vmovc v61;
	v61 =	vmov v60;
	v60 =	vmov v59  }
0x153: {  	v59 =	vmovc v58;
	v58 =	vmovc v57;
	v57 =	vmov v56;
	v56 =	vmov v55;
	v55 =	vmov v54  }
0x154: {  	v54 =	vmovc v53;
	v53 =	vmovc v52;
	v52 =	vmov v51;
	v51 =	vmov v50;
	v50 =	vmov v49  }
0x155: {  	v49 =	vmovc v48;
	v48 =	vmovc v47;
	v47 =	vmov v46;
	v46 =	vmov v45;
	v45 =	vmov v44  }
0x156: {  	v44 =	vmovc v43;
	v43 =	vmovc v42;
	v42 =	vmov v41;
	v41 =	vmov v40;
	v40 =	vmov v39  }
0x157: {  	v39 =	vmovc v38;
	v38 =	vmovc v37;
	v37 =	vmov v36;
	v36 =	vmov v35;
	v35 =	vmov v34  }
0x158: {  	v34 =	vmovc v33;
	v33 =	vmovc v32;
	v32 =	vmov v31;
	v31 =	vmov v30;
	v30 =	vmov v29  }
0x159: {  	v29 =	vmovc v28;
	v28 =	vmovc v27;
	v27 =	vmov v26;
	v26 =	vmov v25;
	v25 =	vmov v24  }
0x15a: {  	v24 =	vmovc v23;
	v23 =	vmovc v22;
	v22 =	vmov v21;
	v21 =	vmov v20;
	v20 =	vmov v19;
	v0 =	vld.idx.msk [tilespmem:v4+s19+$0x0], $0xffff  }
0x15b: {  	v19 =	vmovc v18;
	v18 =	vmovc v17;
	v17 =	vmov v16;
	v16 =	vmov v15;
	v15 =	vmov v14;
	v3 =	vld.idx.msk [tilespmem:v4+s21+$0x0], $0xffff  }
0x15c: {  	v14 =	vmovc v13;
	v13 =	vmovc v12;
	v12 =	vmov v11;
	v11 =	vmov v10;
	v10 =	vmov v9  }
0x15d: {  	v9 =	vmovc v8;
	v8 =	vmovc v7;
	v7 =	vmov v6;
	v6 =	vmov v5;
	v5 =	vlaneseq.u32  }
0x15e: {  	v5 =	vor.u32 $0x3F0, v5;
	_ =	sdelay $0x1  }
0x15f: {  	v0 =	vmul.f32 v3, v0;
	_ =	sdelay $0x1  }
0x160: {  	[tilespmem:v4+s22+$0x0] =	vst.idx.msk $0xffff, v0  }
0x161: {  	v0 =	vld.idx.msk [tilespmem:v5+s19+$0x0], $0xffff  }
0x162: {  	v3 =	vld.idx.msk [tilespmem:v5+s21+$0x0], $0xffff;
	_ =	sdelay $0x4  }
0x163: {  	v0 =	vmul.f32 v3, v0;
	_ =	sdelay $0x1  }
0x164: {  	[tilespmem:v5+s22+$0x0] =	vst.idx.msk $0xffff, v0;
	v5 =	vmov v6;
	v6 =	vmov v7;
	v7 =	vmov v8  }
0x165: {  	v8 =	vmovc v9;
	v9 =	vmovc v10;
	v10 =	vmov v11;
	v11 =	vmov v12;
	v12 =	vmov v13  }
0x166: {  	v13 =	vmovc v14;
	v14 =	vmovc v15;
	v15 =	vmov v16;
	v16 =	vmov v17;
	v17 =	vmov v18  }
0x167: {  	v18 =	vmovc v19;
	v19 =	vmovc v20;
	v20 =	vmov v21;
	v21 =	vmov v22;
	v22 =	vmov v23  }
0x168: {  	v23 =	vmovc v24;
	v24 =	vmovc v25;
	v25 =	vmov v26;
	v26 =	vmov v27;
	v27 =	vmov v28  }
0x169: {  	v28 =	vmovc v29;
	v29 =	vmovc v30;
	v30 =	vmov v31;
	v31 =	vmov v32;
	v32 =	vmov v33  }
0x16a: {  	v33 =	vmovc v34;
	v34 =	vmovc v35;
	v35 =	vmov v36;
	v36 =	vmov v37;
	v37 =	vmov v38  }
0x16b: {  	v38 =	vmovc v39;
	v39 =	vmovc v40;
	v40 =	vmov v41;
	v41 =	vmov v42;
	v42 =	vmov v43  }
0x16c: {  	p0 =	sne.s32 s26, $0x4E0;
	v43 =	vmovc v44;
	v44 =	vmovc v45;
	v45 =	vmov v46;
	v46 =	vmov v47;
	v47 =	vmov v48  }
.Ltmp2:
0x16d: {  	v48 =	vmovc v49;
	v49 =	vmovc v50;
	v50 =	vmov v51;
	v51 =	vmov v52;
	v52 =	vmov v53;
	(pc) =	sbr.rel @p0 .LBB2_6-.Ltmp2, $4  }
0x16e: {  	v53 =	vmovc v54;
	v54 =	vmovc v55;
	v55 =	vmov v56;
	v56 =	vmov v57;
	v57 =	vmov v58;
	[spmem:s3] =	stream.indirect.scatter.add.f32 [tilespmem:s22], [sflag:$0x1], $0x8, s18, s20, $0xb8;
	[tilespmem:$0x1B500] =	vst v63  }
0x16f: {  	v58 =	vmovc v59;
	v59 =	vmovc v60;
	v60 =	vmov v61;
	v61 =	vmov v62;
	v62 =	vmov v63;
	v63 =	vld [tilespmem:$0x1FFF0];
	_ =	swait.ge [sflag:s15], $0x400  }
0x170: {  	[sflag:s15] =	ssyncset.done $0x0  }
0x171: {  	s26 =	sadd.s32 $0x10, s26;
	s28 =	sadd.s32 $0x80, s28;
	v4 =	vlaneseq.u32;
	[sflag:s15] =	ssyncadd.s32 $0xFFFFFC00  }
0x172: {  	s23 =	sadd.s32 $0x1, s23  }
0x173: {  	p0 =	sne.s32 s23, s13  }
.Ltmp3:
0x174: {  	[bflag:$0x0] =	sbarrier.arrive $0xFFFF;
	(pc) =	sbr.rel @p0 .LBB2_1-.Ltmp3, $4  }
0x175: {  	[hbm:s7], [sflag:s24] =	dma.local [spmem:s25], $0x3100  }
0x176: {  	_ =	swait.ge [sflag:s15], $0x3100  }
0x177: {  	[sflag:s15] =	ssyncset.done $0x0  }
0x178: {  	[sflag:s15] =	ssyncadd.s32 $0xFFFFCF00  }
0x179: {  	_ =	sfence.sel $0x180000  }
0x17a: {  	[bflag:$0x0] =	sbarrier.arrive $0xFFFF  }
0x17b: {  	p0 =	sne.s32 s0, $0x0;
	_ =	strace $0x9000004A  }
0x17c: {  	s0 =	sadd.s32 @!p0 $0x100000, s2;
	[bflag:$0x2] =	sbarrier.arrive $0xFFFF  }
0x17d: {  	[sflag:s0] =	ssyncadd.tile.s32 @!p0 $0x1;
	_ =	shalt  }
.Lfunc_end2:
_tile_overlayer_lowered:
.L_overlay_start_2:
0x17e: {  	(tag) =	ssettag $0x2  }
0x17f: {  	s0 =	rddreg [dreg:$0x0];
	s2 =	stileid.u32  }
0x180: {  	s1 =	rddreg [dreg:$0x1];
	p0 =	sne.s32 s2, $0x0  }
0x181: {  	s3 =	rddreg [dreg:$0x2];
	[bflag:$0x3] =	sbarrier.arrive $0xFFFF;
	s2 =	simm.s32 @!p0 $0x1C01  }
0x182: {  	[timem:s3], [sflag:s2] =	dma.local @!p0 [hbm:s0], s1  }
0x183: {  	s0 =	simm.s32 @!p0 $0x1  }
0x184: {  	_ =	swait.ge @!p0 [sflag:s0], s1  }
0x185: {  	s1 =	ssub.s32 @!p0 $0x0, s1;
	[sflag:s0] =	ssyncset.done @!p0 $0x0  }
0x186: {  	[sflag:s0] =	ssyncadd.s32 @!p0 s1  }
0x187: {  	[bflag:$0x3] =	sbarrier.arrive $0xFFFF  }
0x188: {  	_ =	shalt  }

// kernel: kernel.7.cloned.1.call-start
scs
__scs_entry_jumppad:
0x0: {  	(pc) =	sbr.rel $0x88, $3  }
0x1: {  	(tag) =	ssettag $0x0;
	lr =	simm.s32 $0x1  }
0x2: {  	[smem:$0x3F98] =	sst lr;
	_ =	strace $0xD0000000  }
0x3: {  	_ = 	snop  }
0x4: {  	_ = 	snop  }
0x5: {  	_ = 	snop  }
0x6: {  	_ = 	snop  }
0x7: {  	_ = 	snop  }
__scs_overlays_trampoline_lowered:
0x8: {  	[smem:$0x3FA7] =	sst s0  }
0x9: {  	[smem:$0x3FA8] =	sst s1  }
0xa: {  	[smem:$0x3FA9] =	sst s2  }
0xb: {  	[smem:$0x3FAA] =	sst s3  }
0xc: {  	[smem:$0x3FAB] =	sst s4  }
0xd: {  	[smem:$0x3FAC] =	sst s5  }
0xe: {  	[smem:$0x3FAD] =	sst s6  }
0xf: {  	[smem:$0x3FAE] =	sst s7  }
0x10: {  	[smem:$0x3FAF] =	sst s8  }
0x11: {  	[smem:$0x3FB0] =	sst s9;
	s0 =	simm.s32 @!p0 $0x0  }
0x12: {  	s1 =	sld [smem:$0x3F96];
	s0 =	simm.s32 @p0 $0x1  }
0x13: {  	[smem:$0x3FB1] =	sst s0;
	s0 =	simm.s32 @!p1 $0x0  }
0x14: {  	s2 =	sld [smem:$0x3F95];
	s0 =	simm.s32 @p1 $0x1  }
0x15: {  	[smem:$0x3FB2] =	sst s0;
	s0 =	simm.s32 @!p2 $0x0  }
0x16: {  	s3 =	sld [smem:$0x3FDB];
	s0 =	simm.s32 @p2 $0x1  }
0x17: {  	s4 =	simm.s32 $0x1BF5;
	[smem:$0x3FB4] =	sst s0  }
0x18: {  	s0 =	sld [smem:$0x3F97];
	_ =	swait.ge [sflag:s4], $0x0  }
0x19: {  	s7 =	sld [smem:$0x3F98]  }
0x1a: {  	s8 =	sadd.s32 $0xFFFFE003, lr  }
0x1b: {  	s9 =	sadd.s32 $0xFFFFFEF7, lr;
	s5 =	simm.s32 $0xFFFFFFFF;
	p2 =	slt.u32 s8, $0xFFFFF086  }
0x1c: {  	p1 =	slt.u32 s9, $0xF7A;
	s5 =	simm.s32 @!p2 $0x0  }
0x1d: {  	s5 =	simm.s32 @p1 $0x1;
	p0 =	seq.s32 s7, s2  }
0x1e: {  	s7 =	smul.u32 @!p0 $0xF7A, s2;
	p2 =	seq.s32 @!p0 s5, $0x0  }
0x1f: {  	s9 =	smul.u32 $0xF7A, s1;
	s8 =	simm.s32 @!p0 $0x1BF5;
	p2 =	por !p2, p0  }
0x20: {  	[sflag:s8] =	ssyncset.s32 @!p0 $0xFFFFF086;
	s6 =	sadd.s32 @!p0 s3, s7;
	s7 =	simm.s32 @!p0 $0x108  }
0x21: {  	s3 =	sadd.s32 s3, s9;
	s6 =	sadd.s32 @!p0 $0x88, s6;
	s7 =	simm.s32 @p2 $0x1082  }
0x22: {  	[simem:s7], [sflag:s8] =	dma.local @!p0 [hbm:s6], $0xF7A  }
0x23: {  	s9 =	sor.u32 $0xD0000000, s2;
	s6 =	simm.s32 $0x108;
	_ =	swait.ge @!p0 [sflag:s8], $0x0  }
0x24: {  	s3 =	sadd.s32 $0x88, s3;
	s6 =	simm.s32 @!p1 $0x1082;
	[sflag:s4] =	ssyncset.s32 $0xFFFFF086  }
0x25: {  	[simem:s6], [sflag:s4] =	dma.local [hbm:s3], $0xF7A  }
0x26: {  	[smem:$0x3F98] =	sst s1;
	(tag) =	ssettag s2;
	_ =	strace s9  }
0x27: {  	s1 =	sld [smem:$0x3FA8]  }
0x28: {  	s2 =	sld [smem:$0x3FA9]  }
0x29: {  	s4 =	sld [smem:$0x3FAB]  }
0x2a: {  	p0 =	seq.s32 s5, $0x0;
	s5 =	sld [smem:$0x3FAC]  }
0x2b: {  	s6 =	sld [smem:$0x3FAD]  }
0x2c: {  	s7 =	sld [smem:$0x3FAE]  }
0x2d: {  	s3 =	simm.s32 $0x108;
	s8 =	sld [smem:$0x3FAF]  }
0x2e: {  	s3 =	simm.s32 @!p0 $0x1082;
	s9 =	sld [smem:$0x3FB0]  }
0x2f: {  	lr =	sadd.s32 s0, s3;
	s0 =	sld [smem:$0x3FA7]  }
0x30: {  	s3 =	sld [smem:$0x3FAA]  }
0x31: {  	[smem:$0x3FB3] =	sst s10  }
0x32: {  	s10 =	sld [smem:$0x3FB1];
	_ =	sdelay $0x3  }
0x33: {  	p0 =	seq.s32 s10, $0x1;
	s10 =	sld [smem:$0x3FB3];
	_ =	sdelay $0x3  }
0x34: {  	[smem:$0x3FB3] =	sst s10  }
0x35: {  	s10 =	sld [smem:$0x3FB2];
	_ =	sdelay $0x3  }
0x36: {  	p1 =	seq.s32 s10, $0x1;
	s10 =	sld [smem:$0x3FB3];
	_ =	sdelay $0x3  }
0x37: {  	[smem:$0x3FB3] =	sst s10  }
0x38: {  	s10 =	sld [smem:$0x3FB4]  }
0x39: {  	_ = 	snop;
	(pc) =	sbr.ind lr, $3  }
0x3a: {  	_ = 	snop  }
0x3b: {  	_ = 	snop  }
0x3c: {  	p2 =	seq.s32 s10, $0x1;
	s10 =	sld [smem:$0x3FB3]  }
0x3d: {  	_ =	shalt  }
0x3e: {  	_ =	shalt  }
0x3f: {  	_ =	shalt  }
0x40: {  	_ =	shalt  }
0x41: {  	_ =	shalt  }
0x42: {  	_ =	shalt  }
0x43: {  	_ =	shalt  }
0x44: {  	_ =	shalt  }
0x45: {  	_ =	shalt  }
0x46: {  	_ =	shalt  }
0x47: {  	_ =	shalt  }
0x48: {  	_ =	shalt  }
0x49: {  	_ =	shalt  }
0x4a: {  	_ =	shalt  }
0x4b: {  	_ =	shalt  }
0x4c: {  	_ =	shalt  }
0x4d: {  	_ =	shalt  }
0x4e: {  	_ =	shalt  }
0x4f: {  	_ =	shalt  }
0x50: {  	_ =	shalt  }
0x51: {  	_ =	shalt  }
0x52: {  	_ =	shalt  }
0x53: {  	_ =	shalt  }
0x54: {  	_ =	shalt  }
0x55: {  	_ =	shalt  }
0x56: {  	_ =	shalt  }
0x57: {  	_ =	shalt  }
0x58: {  	_ =	shalt  }
0x59: {  	_ =	shalt  }
0x5a: {  	_ =	shalt  }
0x5b: {  	_ =	shalt  }
0x5c: {  	_ =	shalt  }
0x5d: {  	_ =	shalt  }
0x5e: {  	_ =	shalt  }
0x5f: {  	_ =	shalt  }
0x60: {  	_ =	shalt  }
0x61: {  	_ =	shalt  }
0x62: {  	_ =	shalt  }
0x63: {  	_ =	shalt  }
0x64: {  	_ =	shalt  }
0x65: {  	_ =	shalt  }
0x66: {  	_ =	shalt  }
0x67: {  	_ =	shalt  }
0x68: {  	_ =	shalt  }
0x69: {  	_ =	shalt  }
0x6a: {  	_ =	shalt  }
0x6b: {  	_ =	shalt  }
0x6c: {  	_ =	shalt  }
0x6d: {  	_ =	shalt  }
0x6e: {  	_ =	shalt  }
0x6f: {  	_ =	shalt  }
0x70: {  	_ =	shalt  }
0x71: {  	_ =	shalt  }
0x72: {  	_ =	shalt  }
0x73: {  	_ =	shalt  }
0x74: {  	_ =	shalt  }
0x75: {  	_ =	shalt  }
0x76: {  	_ =	shalt  }
0x77: {  	_ =	shalt  }
0x78: {  	_ =	shalt  }
0x79: {  	_ =	shalt  }
0x7a: {  	_ =	shalt  }
0x7b: {  	_ =	shalt  }
0x7c: {  	_ =	shalt  }
0x7d: {  	_ =	shalt  }
0x7e: {  	_ =	shalt  }
0x7f: {  	_ =	shalt  }
0x80: {  	_ =	shalt  }
0x81: {  	_ =	shalt  }
0x82: {  	_ =	shalt  }
0x83: {  	_ =	shalt  }
0x84: {  	_ =	shalt  }
0x85: {  	_ =	shalt  }
0x86: {  	_ =	shalt  }
0x87: {  	_ =	shalt  }
.Lfunc_end0:
.L_simem_size_0:
called_computation_lowered:
.L_overlay_start_0:
0x88: {  	s2 =	sld [smem:$0x3FD9]  }
0x89: {  	s3 =	sld [smem:$0x3FFE];
	_ =	sdelay $0x1  }
0x8a: {  	s1 =	srdreg.scid  }
0x8b: {  	s0 =	sand.u32 $0x1, s1  }
0x8c: {  	s16 =	sshll.u32 s0, $0xA;
	s2 =	sadd.s32 s3, s2  }
0x8d: {  	s2 =	sadd.s32 s2, s16  }
0x8e: {  	[smem:$0x3FBF] =	sst s2  }
0x8f: {  	_ = 	snop  }
0x90: {  	(tm) =	ssettm $0x1  }
0x91: {  	s17 =	sld [smem:$0x3FFB];
	_ =	sdelay $0x3  }
0x92: {  	_ =	strace s17  }
0x93: {  	s2 =	sld [smem:$0x3FFC];
	_ =	sdelay $0x3  }
0x94: {  	_ =	strace s2  }
0x95: {  	s2 =	sld [smem:$0x3FFD];
	_ =	sdelay $0x3  }
0x96: {  	_ =	strace s2  }
0x97: {  	_ =	strace $0x8FFFFFFF  }
0x98: {  	s18 =	sld [smem:$0x3FDB];
	_ =	sdelay $0x1  }
0x99: {  	s19 =	simm.s32 $_scs_section_size  }
0x9a: {  	s4 =	simm.s32 $_size__tile_overlayer_lowered;
	s5 =	simm.s32 $_tile_overlayer_lowered  }
0x9b: {  	s22 =	simm.s32 $0x1BFF;
	s21 =	sshll.u32 s5, $0x1;
	s2 =	sadd.s32 s19, s18  }
0x9c: {  	s6 =	simm.s32 $0x0;
	s20 =	sshll.u32 s4, $0x1;
	s4 =	sadd.s32 s21, s2  }
0x9d: {  	[timem:s6], [sflag:s22] =	dma.local [hbm:s4], s20  }
0x9e: {  	_ =	swait.ge [sflag:s22], s20  }
0x9f: {  	s3 =	ssub.s32 $0x0, s20;
	[sflag:s22] =	ssyncset.done $0x0  }
0xa0: {  	[sflag:s22] =	ssyncadd.s32 s3;
	_ =	sdelay $0x1  }
0xa1: {  	s23 =	simm.s32 $0x1B8B  }
0xa2: {  	_ =	swait.ge [sflag:s23], $0x1  }
0xa3: {  	[sflag:s23] =	ssyncset.done $0x0  }
0xa4: {  	s25 =	simm.s32 $0x1B8E;
	s24 =	sld [smem:$0x3FFE];
	[sflag:s23] =	ssyncadd.s32 $0xFFFFFFFF  }
0xa5: {  	s26 =	simm.s32 $execute0_lowered;
	[smem:$0x3FD2] =	sst s25  }
0xa6: {  	s4 =	sshll.u32 s26, $0x1;
	_ =	strace $0x80000046;
	[dreg:$0x1] =	wrdreg $0xFFFFFFFF  }
0xa7: {  	s28 =	simm.s32 $_size_execute0_lowered;
	s2 =	sadd.s32 s2, s4;
	[dreg:$0x0] =	wrdreg $0x0  }
0xa8: {  	s4 =	sshll.u32 s28, $0x1;
	[dreg:$0x2] =	wrdreg s2  }
0xa9: {  	[dreg:$0x3] =	wrdreg s4  }
0xaa: {  	[dreg:$0x4] =	wrdreg $0xC0  }
0xab: {  	_ =	task [dreg:s6], $0x5FFFF  }
0xac: {  	[dreg:$0x1] =	wrdreg $0xFFFFFFFF  }
0xad: {  	[dreg:$0x0] =	wrdreg $0x60  }
0xae: {  	[dreg:$0x2] =	wrdreg s24  }
0xaf: {  	[dreg:$0x3] =	wrdreg $0x0  }
0xb0: {  	[dreg:$0x4] =	wrdreg $0x14000  }
0xb1: {  	[dreg:$0x5] =	wrdreg $0x28000  }
0xb2: {  	[dreg:$0x6] =	wrdreg $0x9  }
0xb3: {  	_ =	task.clear_ibuf [dreg:s6], $0x7FFFF;
	_ =	strace $0x90000046  }
0xb4: {  	s29 =	simm.s32 $0x9;
	_ =	strace $0x80000048  }
0xb5: {  	_ =	swait.ge [sflag:s29], $0x1  }
0xb6: {  	[sflag:s29] =	ssyncadd.s32 $0xFFFFFFFF  }
0xb7: {  	_ =	strace $0x90000048  }
0xb8: {  	_ =	sfence  }
0xb9: {  	s30 =	sld [smem:$0x0];
	_ =	sdelay $0x2  }
0xba: {  	s31 =	sshll.u32 s1, $0xD;
	s1 =	sshrl.u32 s1, $0x2  }
0xbb: {  	s3 =	sand.u32 $0x4000, s31;
	s1 =	sadd.s32 s1, s30  }
0xbc: {  	s0 =	sor.u32 s3, s0;
	s1 =	sshll.u32 s1, $0x11  }
0xbd: {  	s0 =	sor.u32 s1, s0  }
0xbe: {  	s0 =	sadd.s32 $0x8F2B, s0  }
0xbf: {  	[sflag:s0] =	ssyncadd.remote.s32 $0x1  }
0xc0: {  	_ =	sfence.sel $0xFFFF  }
0xc1: {  	[dreg:$0x0] =	wrdreg $0xFFFFFFFF;
	(pc) =	sbr.abs _section_cstart, $3  }
0xc2: {  	[dreg:$0x1] =	wrdreg $0xFFFFFFFF  }
0xc3: {  	_ =	task.clear_ibuf [dreg:s6], $0x2FFFF;
	_ =	strace $0x9FFFFFFF  }
0xc4: {  	(tm) =	ssettm $0x7FFFFFFF  }
0xc5: {  	_ =	shalt  }
tec
execute0_lowered:
.L_overlay_start_1:
0x0: {  	(tag) =	ssettag $0x1  }
0x1: {  	v2 =	vlaneseq.u32  }
0x2: {  	v35 =	vor.u32 $0x10, v2;
	v19 =	vor.u32 $0x20, v2;
	v45 =	vor.u32 $0x30, v2  }
0x3: {  	v6 =	vor.u32 $0x40, v2;
	v15 =	vor.u32 $0x50, v2;
	v16 =	vor.u32 $0x60, v2  }
0x4: {  	s2 =	rddreg [dreg:$0x0];
	v17 =	vor.u32 $0x70, v2;
	v18 =	vor.u32 $0x80, v2;
	v43 =	vor.u32 $0x90, v2  }
0x5: {  	s0 =	rddreg [dreg:$0x1];
	v20 =	vor.u32 $0xA0, v2;
	v27 =	vor.u32 $0xB0, v2;
	v14 =	vor.u32 $0xC0, v2  }
0x6: {  	s1 =	rddreg [dreg:$0x2];
	s5 =	simm.s32 $0x0;
	v23 =	vor.u32 $0xD0, v2;
	v24 =	vor.u32 $0xE0, v2;
	v25 =	vor.u32 $0xF0, v2  }
0x7: {  	[smem:$0x7FF] =	sst s5;
	v26 =	vor.u32 $0x100, v2;
	v9 =	vor.u32 $0x110, v2;
	v0 =	vor.u32 $0x1E0, v2  }
0x8: {  	s3 =	rddreg [dreg:$0x3];
	v28 =	vor.u32 $0x120, v2;
	v21 =	vor.u32 $0x130, v2;
	v11 =	vor.u32 $0x310, v2;
	_ =	strace $0x80000047;
	[tilespmem:$0x1FEF0] =	vst v0  }
0x9: {  	s4 =	stileid.u32;
	s20 =	simm.s32 $0x3C00;
	s21 =	simm.s32 $0x6380;
	v22 =	vor.u32 $0x140, v2;
	v31 =	vor.u32 $0x150, v2;
	v10 =	vor.u32 $0x290, v2;
	[tilespmem:$0x1FF30] =	vst v11  }
0xa: {  	s6 =	srdreg.scid;
	s23 =	simm.s32 $0x8B00;
	s14 =	smul.u32 $0x1400, s4;
	v32 =	vor.u32 $0x160, v2;
	v33 =	vor.u32 $0x170, v2;
	v53 =	vor.u32 $0x330, v2;
	[tilespmem:$0x1FF40] =	vst v10  }
0xb: {  	s17 =	simm.s32 $0x1;
	s24 =	simm.s32 $0x8F00;
	v42 =	vor.u32 $0x180, v2;
	s11 =	smul.u32 $0x13C00, s4;
	v8 =	vor.u32 $0x190, v2;
	v59 =	vor.u32 $0x390, v2;
	[tilespmem:$0x1FF50] =	vst v53  }
0xc: {  	s22 =	simm.s32 $0x80;
	s8 =	sand.u32 $0x1, s6;
	v12 =	vor.u32 $0x1A0, v2;
	v29 =	vor.u32 $0x1B0, v2;
	s6 =	sadd.s32 $0x15A600, s2;
	v54 =	vor.u32 $0x340, v2;
	[tilespmem:$0x1FF60] =	vst v59  }
0xd: {  	s28 =	simm.s32 $0x0;
	v30 =	vor.u32 $0x1C0, v2;
	v13 =	vor.u32 $0x1D0, v2;
	s31 =	sshll.u32 s4, $0x6;
	v3 =	vor.u32 $0x3B0, v2;
	s7 =	smul.u32 $0x14000, s8;
	[tilespmem:$0x1FF70] =	vst v54  }
0xe: {  	v34 =	vor.u32 $0x200, v2;
	v4 =	vor.u32 $0x210, v2;
	v62 =	vor.u32 $0x3C0, v2;
	s10 =	smul.u32 $0x13C000, s8;
	s26 =	sshll.u32 s8, $0x4;
	s30 =	ssub.s32 $0x2, s8;
	[tilespmem:$0x1FF80] =	vst v3  }
0xf: {  	v36 =	vor.u32 $0x220, v2;
	v37 =	vor.u32 $0x230, v2;
	v7 =	vor.u32 $0x370, v2;
	[tilespmem:$0x1FF90] =	vst v62;
	s25 =	sshrl.u32 s14, $0x3;
	s12 =	sor.u32 s4, s26;
	s15 =	sshrl.u32 s30, $0x1  }
0x10: {  	v38 =	vor.u32 $0x240, v2;
	v39 =	vor.u32 $0x250, v2;
	v40 =	vor.u32 $0x260, v2;
	[tilespmem:$0x1FFA0] =	vst v7;
	s16 =	sadd.s32 s14, s0;
	s18 =	sadd.s32 s14, s1;
	s19 =	sadd.s32 s14, s3  }
0x11: {  	v41 =	vor.u32 $0x270, v2;
	v58 =	vor.u32 $0x280, v2;
	v44 =	vor.u32 $0x2A0, v2;
	[tilespmem:$0x1FFB0] =	vst v45;
	s26 =	simm.s32 $0x9700;
	s9 =	sadd.s32 s25, s2;
	s7 =	sadd.s32 s14, s7  }
0x12: {  	v5 =	vor.u32 $0x2B0, v2;
	v46 =	vor.u32 $0x2C0, v2;
	v47 =	vor.u32 $0x2D0, v2;
	[tilespmem:$0x1FFC0] =	vst v15;
	s12 =	smul.u32 $0x4F0, s12;
	s10 =	sadd.s32 s11, s10;
	s15 =	ssub.s32 s30, s15  }
0x13: {  	v48 =	vor.u32 $0x2E0, v2;
	v49 =	vor.u32 $0x2F0, v2;
	v50 =	vor.u32 $0x300, v2;
	[tilespmem:$0x1FFD0] =	vst v16;
	s16 =	sshrl.u32 s16, $0x3;
	s18 =	sshrl.u32 s18, $0x3;
	s19 =	sshrl.u32 s19, $0x3  }
0x14: {  	v52 =	vor.u32 $0x320, v2;
	v55 =	vor.u32 $0x350, v2;
	[tilespmem:$0x1FFE0] =	vst v17;
	s25 =	simm.s32 $0x9300;
	s7 =	sshrl.u32 s7, $0x3;
	s8 =	sadd.s32 $0x141A00, s9  }
0x15: {  	v56 =	vor.u32 $0x360, v2;
	v57 =	vor.u32 $0x380, v2;
	v0 =	vor.u32 $0x1F0, v2;
	[tilespmem:$0x1FFF0] =	vst v18;
	s13 =	sadd.s32 s7, s2;
	s7 =	sadd.s32 $0x144200, s9;
	s29 =	sadd.s32 s12, s2  }
0x16: {  	v60 =	vor.u32 $0x3A0, v2;
	[tilespmem:$0x1FF00] =	vst v0;
	v0 =	vor.u32 $0x3D0, v2;
	s10 =	sshrl.u32 s10, $0x3;
	s12 =	sor.u32 $0x1C01, s31;
	s9 =	sadd.s32 $0x150800, s29  }
0x17: {  	[tilespmem:$0x1FF10] =	vst v0;
	v0 =	vor.u32 $0x3E0, v2;
	s2 =	sadd.s32 s10, s2;
	s10 =	sadd.s32 $0x146A00, s29;
	s11 =	sadd.s32 $0x1B1800, s29  }
0x18: {  	v63 =	vor.u32 $0x3F0, v2;
	s14 =	smax.u32 s15, $0x1;
	[tilespmem:$0x1FF20] =	vst v0;
	s13 =	sadd.s32 $0x15D800, s13;
	s15 =	sadd.s32 $0x162800, s2  }
.LBB2_1:
0x19: {  	[spmem:s16], [sflag:s12] =	dma.local [hbm:s7], $0x280  }
0x1a: {  	_ =	swait.ge [sflag:s17], $0x280  }
0x1b: {  	[sflag:s17] =	ssyncset.done $0x0  }
0x1c: {  	[sflag:s17] =	ssyncadd.s32 $0xFFFFFD80  }
0x1d: {  	[spmem:s18], [sflag:s12] =	dma.local [hbm:s8], $0x280  }
0x1e: {  	_ =	swait.ge [sflag:s17], $0x280  }
0x1f: {  	[sflag:s17] =	ssyncset.done $0x0  }
0x20: {  	[sflag:s17] =	ssyncadd.s32 $0xFFFFFD80  }
0x21: {  	[spmem:s19], [sflag:s12] =	dma.local [hbm:s6], $0x280  }
0x22: {  	_ =	swait.ge [sflag:s17], $0x280  }
0x23: {  	[sflag:s17] =	ssyncset.done $0x0  }
0x24: {  	[sflag:s17] =	ssyncadd.s32 $0xFFFFFD80  }
0x25: {  	[bflag:$0x0] =	sbarrier.arrive $0xFFFF  }
0x26: {  	[tilespmem:s20], [sflag:$0x1] =	stream.linear.gather [hbm4b:s9+s5], $0x2780, $0x38;
	[tilespmem:$0xBE80] =	vst v63  }
0x27: {  	_ =	swait.ge [sflag:s17], $0x2780  }
0x28: {  	[sflag:s17] =	ssyncset.done $0x0  }
0x29: {  	[sflag:s17] =	ssyncadd.s32 $0xFFFFD880  }
0x2a: {  	[tilespmem:s21], [sflag:$0x1] =	stream.linear.gather [hbm4b:s10+s5], $0x2780, $0x38;
	[tilespmem:$0xBE80] =	vst v63  }
0x2b: {  	_ =	swait.ge [sflag:s17], $0x2780  }
0x2c: {  	[sflag:s17] =	ssyncset.done $0x0  }
0x2d: {  	s29 =	simm.s32 $0x0;
	s30 =	smov.u32 s15;
	[sflag:s17] =	ssyncadd.s32 $0xFFFFD880  }
.LBB2_2:
0x2e: {  	s31 =	sshra.s32 s29, $0x2  }
0x2f: {  	s2 =	sadd.s32 $0x3C00, s31  }
0x30: {  	[tilespmem:s23], [sflag:$0x1] =	stream.indirect.gather [spmem:s0], $0x8, s2, s22, $0xb8;
	[tilespmem:$0xBE80] =	vst v63  }
0x31: {  	_ =	swait.ge [sflag:s17], $0x400  }
0x32: {  	[sflag:s17] =	ssyncset.done $0x0  }
0x33: {  	s2 =	sadd.s32 $0x6380, s31;
	[sflag:s17] =	ssyncadd.s32 $0xFFFFFC00  }
0x34: {  	[tilespmem:s24], [sflag:$0x1] =	stream.indirect.gather [spmem:s1], $0x8, s2, s22, $0xb8;
	[tilespmem:$0xBE80] =	vst v63  }
0x35: {  	_ =	swait.ge [sflag:s17], $0x400  }
0x36: {  	[sflag:s17] =	ssyncset.done $0x0  }
0x37: {  	[sflag:s17] =	ssyncadd.s32 $0xFFFFFC00  }
0x38: {  	v0 =	vld.idx.msk [tilespmem:v2+s23+$0x0], $0xffff  }
0x39: {  	v1 =	vld.idx.msk [tilespmem:v2+s24+$0x0], $0xffff;
	_ =	sdelay $0x4  }
0x3a: {  	v0 =	vadd.f32 v1, v0;
	_ =	sdelay $0x1  }
0x3b: {  	v1 =	vmul.f32 $2.000000030e-01, v0;
	_ =	sdelay $0x1  }
0x3c: {  	v0 =	vmax.f32 v0, v1  }
0x3d: {  	v0 =	vmul.f32 $1.442695020e+00, v0;
	_ =	sdelay $0x1  }
0x3e: {  	(erf) = vpow2.f32 v0;
	_ =	sdelay $0x8  }
0x3f: {  	v0 =	vpop (erf)  }
0x40: {  	[tilespmem:v2+s25+$0x0] =	vst.idx.msk $0xffff, v0  }
0x41: {  	v0 =	vld.idx.msk [tilespmem:v35+s23+$0x0], $0xffff  }
0x42: {  	v1 =	vld.idx.msk [tilespmem:v35+s24+$0x0], $0xffff;
	_ =	sdelay $0x4  }
0x43: {  	v0 =	vadd.f32 v1, v0;
	_ =	sdelay $0x1  }
0x44: {  	v1 =	vmul.f32 $2.000000030e-01, v0;
	_ =	sdelay $0x1  }
0x45: {  	v0 =	vmax.f32 v0, v1  }
0x46: {  	v0 =	vmul.f32 $1.442695020e+00, v0;
	_ =	sdelay $0x1  }
0x47: {  	(erf) = vpow2.f32 v0;
	_ =	sdelay $0x8  }
0x48: {  	v0 =	vpop (erf)  }
0x49: {  	[tilespmem:v35+s25+$0x0] =	vst.idx.msk $0xffff, v0  }
0x4a: {  	v0 =	vld.idx.msk [tilespmem:v19+s23+$0x0], $0xffff  }
0x4b: {  	v1 =	vld.idx.msk [tilespmem:v19+s24+$0x0], $0xffff;
	_ =	sdelay $0x4  }
0x4c: {  	v0 =	vadd.f32 v1, v0;
	_ =	sdelay $0x1  }
0x4d: {  	v1 =	vmul.f32 $2.000000030e-01, v0;
	_ =	sdelay $0x1  }
0x4e: {  	v0 =	vmax.f32 v0, v1  }
0x4f: {  	v0 =	vmul.f32 $1.442695020e+00, v0;
	_ =	sdelay $0x1  }
0x50: {  	(erf) = vpow2.f32 v0;
	_ =	sdelay $0x8  }
0x51: {  	v0 =	vpop (erf)  }
0x52: {  	[tilespmem:v19+s25+$0x0] =	vst.idx.msk $0xffff, v0  }
0x53: {  	v0 =	vld.idx.msk [tilespmem:v45+s23+$0x0], $0xffff  }
0x54: {  	v1 =	vld.idx.msk [tilespmem:v45+s24+$0x0], $0xffff;
	_ =	sdelay $0x4  }
0x55: {  	v0 =	vadd.f32 v1, v0;
	_ =	sdelay $0x1  }
0x56: {  	v1 =	vmul.f32 $2.000000030e-01, v0;
	_ =	sdelay $0x1  }
0x57: {  	v0 =	vmax.f32 v0, v1  }
0x58: {  	v0 =	vmul.f32 $1.442695020e+00, v0;
	_ =	sdelay $0x1  }
0x59: {  	(erf) = vpow2.f32 v0;
	_ =	sdelay $0x8  }
0x5a: {  	v0 =	vpop (erf)  }
0x5b: {  	[tilespmem:v45+s25+$0x0] =	vst.idx.msk $0xffff, v0  }
0x5c: {  	v0 =	vld.idx.msk [tilespmem:v6+s23+$0x0], $0xffff  }
0x5d: {  	v1 =	vld.idx.msk [tilespmem:v6+s24+$0x0], $0xffff;
	_ =	sdelay $0x4  }
0x5e: {  	v0 =	vadd.f32 v1, v0;
	_ =	sdelay $0x1  }
0x5f: {  	v1 =	vmul.f32 $2.000000030e-01, v0;
	_ =	sdelay $0x1  }
0x60: {  	v0 =	vmax.f32 v0, v1  }
0x61: {  	v0 =	vmul.f32 $1.442695020e+00, v0;
	_ =	sdelay $0x1  }
0x62: {  	(erf) = vpow2.f32 v0;
	_ =	sdelay $0x8  }
0x63: {  	v0 =	vpop (erf)  }
0x64: {  	[tilespmem:v6+s25+$0x0] =	vst.idx.msk $0xffff, v0  }
0x65: {  	v0 =	vld.idx.msk [tilespmem:v15+s23+$0x0], $0xffff  }
0x66: {  	v1 =	vld.idx.msk [tilespmem:v15+s24+$0x0], $0xffff;
	_ =	sdelay $0x4  }
0x67: {  	v0 =	vadd.f32 v1, v0;
	_ =	sdelay $0x1  }
0x68: {  	v1 =	vmul.f32 $2.000000030e-01, v0;
	_ =	sdelay $0x1  }
0x69: {  	v0 =	vmax.f32 v0, v1  }
0x6a: {  	v0 =	vmul.f32 $1.442695020e+00, v0;
	_ =	sdelay $0x1  }
0x6b: {  	(erf) = vpow2.f32 v0;
	_ =	sdelay $0x8  }
0x6c: {  	v0 =	vpop (erf)  }
0x6d: {  	[tilespmem:v15+s25+$0x0] =	vst.idx.msk $0xffff, v0  }
0x6e: {  	v0 =	vld.idx.msk [tilespmem:v16+s23+$0x0], $0xffff  }
0x6f: {  	v1 =	vld.idx.msk [tilespmem:v16+s24+$0x0], $0xffff;
	_ =	sdelay $0x4  }
0x70: {  	v0 =	vadd.f32 v1, v0;
	_ =	sdelay $0x1  }
0x71: {  	v1 =	vmul.f32 $2.000000030e-01, v0;
	_ =	sdelay $0x1  }
0x72: {  	v0 =	vmax.f32 v0, v1  }
0x73: {  	v0 =	vmul.f32 $1.442695020e+00, v0;
	_ =	sdelay $0x1  }
0x74: {  	(erf) = vpow2.f32 v0;
	_ =	sdelay $0x8  }
0x75: {  	v0 =	vpop (erf)  }
0x76: {  	[tilespmem:v16+s25+$0x0] =	vst.idx.msk $0xffff, v0  }
0x77: {  	v0 =	vld.idx.msk [tilespmem:v17+s23+$0x0], $0xffff  }
0x78: {  	v1 =	vld.idx.msk [tilespmem:v17+s24+$0x0], $0xffff;
	_ =	sdelay $0x4  }
0x79: {  	v0 =	vadd.f32 v1, v0;
	_ =	sdelay $0x1  }
0x7a: {  	v1 =	vmul.f32 $2.000000030e-01, v0;
	_ =	sdelay $0x1  }
0x7b: {  	v0 =	vmax.f32 v0, v1  }
0x7c: {  	v0 =	vmul.f32 $1.442695020e+00, v0;
	_ =	sdelay $0x1  }
0x7d: {  	(erf) = vpow2.f32 v0;
	_ =	sdelay $0x8  }
0x7e: {  	v0 =	vpop (erf)  }
0x7f: {  	[tilespmem:v17+s25+$0x0] =	vst.idx.msk $0xffff, v0  }
0x80: {  	v0 =	vld.idx.msk [tilespmem:v18+s23+$0x0], $0xffff  }
0x81: {  	v1 =	vld.idx.msk [tilespmem:v18+s24+$0x0], $0xffff;
	_ =	sdelay $0x4  }
0x82: {  	v0 =	vadd.f32 v1, v0;
	_ =	sdelay $0x1  }
0x83: {  	v1 =	vmul.f32 $2.000000030e-01, v0;
	_ =	sdelay $0x1  }
0x84: {  	v0 =	vmax.f32 v0, v1  }
0x85: {  	v0 =	vmul.f32 $1.442695020e+00, v0;
	_ =	sdelay $0x1  }
0x86: {  	(erf) = vpow2.f32 v0;
	_ =	sdelay $0x8  }
0x87: {  	v0 =	vpop (erf)  }
0x88: {  	[tilespmem:v18+s25+$0x0] =	vst.idx.msk $0xffff, v0  }
0x89: {  	v0 =	vld.idx.msk [tilespmem:v43+s23+$0x0], $0xffff  }
0x8a: {  	v1 =	vld.idx.msk [tilespmem:v43+s24+$0x0], $0xffff;
	_ =	sdelay $0x4  }
0x8b: {  	v0 =	vadd.f32 v1, v0;
	_ =	sdelay $0x1  }
0x8c: {  	v1 =	vmul.f32 $2.000000030e-01, v0;
	_ =	sdelay $0x1  }
0x8d: {  	v0 =	vmax.f32 v0, v1  }
0x8e: {  	v0 =	vmul.f32 $1.442695020e+00, v0;
	_ =	sdelay $0x1  }
0x8f: {  	(erf) = vpow2.f32 v0;
	_ =	sdelay $0x8  }
0x90: {  	v0 =	vpop (erf)  }
0x91: {  	[tilespmem:v43+s25+$0x0] =	vst.idx.msk $0xffff, v0  }
0x92: {  	v0 =	vld.idx.msk [tilespmem:v20+s23+$0x0], $0xffff  }
0x93: {  	v1 =	vld.idx.msk [tilespmem:v20+s24+$0x0], $0xffff;
	_ =	sdelay $0x4  }
0x94: {  	v0 =	vadd.f32 v1, v0;
	_ =	sdelay $0x1  }
0x95: {  	v1 =	vmul.f32 $2.000000030e-01, v0;
	_ =	sdelay $0x1  }
0x96: {  	v0 =	vmax.f32 v0, v1  }
0x97: {  	v0 =	vmul.f32 $1.442695020e+00, v0;
	_ =	sdelay $0x1  }
0x98: {  	(erf) = vpow2.f32 v0;
	_ =	sdelay $0x8  }
0x99: {  	v0 =	vpop (erf)  }
0x9a: {  	[tilespmem:v20+s25+$0x0] =	vst.idx.msk $0xffff, v0  }
0x9b: {  	v0 =	vld.idx.msk [tilespmem:v27+s23+$0x0], $0xffff  }
0x9c: {  	v1 =	vld.idx.msk [tilespmem:v27+s24+$0x0], $0xffff;
	_ =	sdelay $0x4  }
0x9d: {  	v0 =	vadd.f32 v1, v0;
	_ =	sdelay $0x1  }
0x9e: {  	v1 =	vmul.f32 $2.000000030e-01, v0;
	_ =	sdelay $0x1  }
0x9f: {  	v0 =	vmax.f32 v0, v1  }
0xa0: {  	v0 =	vmul.f32 $1.442695020e+00, v0;
	_ =	sdelay $0x1  }
0xa1: {  	(erf) = vpow2.f32 v0;
	_ =	sdelay $0x8  }
0xa2: {  	v0 =	vpop (erf)  }
0xa3: {  	[tilespmem:v27+s25+$0x0] =	vst.idx.msk $0xffff, v0  }
0xa4: {  	v0 =	vld.idx.msk [tilespmem:v14+s23+$0x0], $0xffff  }
0xa5: {  	v1 =	vld.idx.msk [tilespmem:v14+s24+$0x0], $0xffff;
	_ =	sdelay $0x4  }
0xa6: {  	v0 =	vadd.f32 v1, v0;
	_ =	sdelay $0x1  }
0xa7: {  	v1 =	vmul.f32 $2.000000030e-01, v0;
	_ =	sdelay $0x1  }
0xa8: {  	v0 =	vmax.f32 v0, v1  }
0xa9: {  	v0 =	vmul.f32 $1.442695020e+00, v0;
	_ =	sdelay $0x1  }
0xaa: {  	(erf) = vpow2.f32 v0;
	_ =	sdelay $0x8  }
0xab: {  	v0 =	vpop (erf)  }
0xac: {  	[tilespmem:v14+s25+$0x0] =	vst.idx.msk $0xffff, v0  }
0xad: {  	v0 =	vld.idx.msk [tilespmem:v23+s23+$0x0], $0xffff  }
0xae: {  	v1 =	vld.idx.msk [tilespmem:v23+s24+$0x0], $0xffff;
	_ =	sdelay $0x4  }
0xaf: {  	v0 =	vadd.f32 v1, v0;
	_ =	sdelay $0x1  }
0xb0: {  	v1 =	vmul.f32 $2.000000030e-01, v0;
	_ =	sdelay $0x1  }
0xb1: {  	v0 =	vmax.f32 v0, v1  }
0xb2: {  	v0 =	vmul.f32 $1.442695020e+00, v0;
	_ =	sdelay $0x1  }
0xb3: {  	(erf) = vpow2.f32 v0;
	_ =	sdelay $0x8  }
0xb4: {  	v0 =	vpop (erf)  }
0xb5: {  	[tilespmem:v23+s25+$0x0] =	vst.idx.msk $0xffff, v0  }
0xb6: {  	v0 =	vld.idx.msk [tilespmem:v24+s23+$0x0], $0xffff  }
0xb7: {  	v1 =	vld.idx.msk [tilespmem:v24+s24+$0x0], $0xffff;
	_ =	sdelay $0x4  }
0xb8: {  	v0 =	vadd.f32 v1, v0;
	_ =	sdelay $0x1  }
0xb9: {  	v1 =	vmul.f32 $2.000000030e-01, v0;
	_ =	sdelay $0x1  }
0xba: {  	v0 =	vmax.f32 v0, v1  }
0xbb: {  	v0 =	vmul.f32 $1.442695020e+00, v0;
	_ =	sdelay $0x1  }
0xbc: {  	(erf) = vpow2.f32 v0;
	_ =	sdelay $0x8  }
0xbd: {  	v0 =	vpop (erf)  }
0xbe: {  	[tilespmem:v24+s25+$0x0] =	vst.idx.msk $0xffff, v0  }
0xbf: {  	v0 =	vld.idx.msk [tilespmem:v25+s23+$0x0], $0xffff  }
0xc0: {  	v1 =	vld.idx.msk [tilespmem:v25+s24+$0x0], $0xffff;
	_ =	sdelay $0x4  }
0xc1: {  	v0 =	vadd.f32 v1, v0;
	_ =	sdelay $0x1  }
0xc2: {  	v1 =	vmul.f32 $2.000000030e-01, v0;
	_ =	sdelay $0x1  }
0xc3: {  	v0 =	vmax.f32 v0, v1  }
0xc4: {  	v0 =	vmul.f32 $1.442695020e+00, v0;
	_ =	sdelay $0x1  }
0xc5: {  	(erf) = vpow2.f32 v0;
	_ =	sdelay $0x8  }
0xc6: {  	v0 =	vpop (erf)  }
0xc7: {  	[tilespmem:v25+s25+$0x0] =	vst.idx.msk $0xffff, v0  }
0xc8: {  	v0 =	vld.idx.msk [tilespmem:v26+s23+$0x0], $0xffff  }
0xc9: {  	v1 =	vld.idx.msk [tilespmem:v26+s24+$0x0], $0xffff;
	_ =	sdelay $0x4  }
0xca: {  	v0 =	vadd.f32 v1, v0;
	_ =	sdelay $0x1  }
0xcb: {  	v1 =	vmul.f32 $2.000000030e-01, v0;
	_ =	sdelay $0x1  }
0xcc: {  	v0 =	vmax.f32 v0, v1  }
0xcd: {  	v0 =	vmul.f32 $1.442695020e+00, v0;
	_ =	sdelay $0x1  }
0xce: {  	(erf) = vpow2.f32 v0;
	_ =	sdelay $0x8  }
0xcf: {  	v0 =	vpop (erf)  }
0xd0: {  	[tilespmem:v26+s25+$0x0] =	vst.idx.msk $0xffff, v0  }
0xd1: {  	v0 =	vld.idx.msk [tilespmem:v9+s23+$0x0], $0xffff  }
0xd2: {  	v1 =	vld.idx.msk [tilespmem:v9+s24+$0x0], $0xffff;
	_ =	sdelay $0x4  }
0xd3: {  	v0 =	vadd.f32 v1, v0;
	_ =	sdelay $0x1  }
0xd4: {  	v1 =	vmul.f32 $2.000000030e-01, v0;
	_ =	sdelay $0x1  }
0xd5: {  	v0 =	vmax.f32 v0, v1  }
0xd6: {  	v0 =	vmul.f32 $1.442695020e+00, v0;
	_ =	sdelay $0x1  }
0xd7: {  	(erf) = vpow2.f32 v0;
	_ =	sdelay $0x8  }
0xd8: {  	v0 =	vpop (erf)  }
0xd9: {  	[tilespmem:v9+s25+$0x0] =	vst.idx.msk $0xffff, v0  }
0xda: {  	v0 =	vld.idx.msk [tilespmem:v28+s23+$0x0], $0xffff  }
0xdb: {  	v1 =	vld.idx.msk [tilespmem:v28+s24+$0x0], $0xffff;
	_ =	sdelay $0x4  }
0xdc: {  	v0 =	vadd.f32 v1, v0;
	_ =	sdelay $0x1  }
0xdd: {  	v1 =	vmul.f32 $2.000000030e-01, v0;
	_ =	sdelay $0x1  }
0xde: {  	v0 =	vmax.f32 v0, v1  }
0xdf: {  	v0 =	vmul.f32 $1.442695020e+00, v0;
	_ =	sdelay $0x1  }
0xe0: {  	(erf) = vpow2.f32 v0;
	_ =	sdelay $0x8  }
0xe1: {  	v0 =	vpop (erf)  }
0xe2: {  	[tilespmem:v28+s25+$0x0] =	vst.idx.msk $0xffff, v0  }
0xe3: {  	v0 =	vld.idx.msk [tilespmem:v21+s23+$0x0], $0xffff  }
0xe4: {  	v1 =	vld.idx.msk [tilespmem:v21+s24+$0x0], $0xffff;
	_ =	sdelay $0x4  }
0xe5: {  	v0 =	vadd.f32 v1, v0;
	_ =	sdelay $0x1  }
0xe6: {  	v1 =	vmul.f32 $2.000000030e-01, v0;
	_ =	sdelay $0x1  }
0xe7: {  	v0 =	vmax.f32 v0, v1  }
0xe8: {  	v0 =	vmul.f32 $1.442695020e+00, v0;
	_ =	sdelay $0x1  }
0xe9: {  	(erf) = vpow2.f32 v0;
	_ =	sdelay $0x8  }
0xea: {  	v0 =	vpop (erf)  }
0xeb: {  	[tilespmem:v21+s25+$0x0] =	vst.idx.msk $0xffff, v0  }
0xec: {  	v0 =	vld.idx.msk [tilespmem:v22+s23+$0x0], $0xffff  }
0xed: {  	v1 =	vld.idx.msk [tilespmem:v22+s24+$0x0], $0xffff;
	_ =	sdelay $0x4  }
0xee: {  	v0 =	vadd.f32 v1, v0;
	_ =	sdelay $0x1  }
0xef: {  	v1 =	vmul.f32 $2.000000030e-01, v0;
	_ =	sdelay $0x1  }
0xf0: {  	v0 =	vmax.f32 v0, v1  }
0xf1: {  	v0 =	vmul.f32 $1.442695020e+00, v0;
	_ =	sdelay $0x1  }
0xf2: {  	(erf) = vpow2.f32 v0;
	_ =	sdelay $0x8  }
0xf3: {  	v0 =	vpop (erf)  }
0xf4: {  	[tilespmem:v22+s25+$0x0] =	vst.idx.msk $0xffff, v0  }
0xf5: {  	v0 =	vld.idx.msk [tilespmem:v31+s23+$0x0], $0xffff  }
0xf6: {  	v1 =	vld.idx.msk [tilespmem:v31+s24+$0x0], $0xffff;
	_ =	sdelay $0x4  }
0xf7: {  	v0 =	vadd.f32 v1, v0;
	_ =	sdelay $0x1  }
0xf8: {  	v1 =	vmul.f32 $2.000000030e-01, v0;
	_ =	sdelay $0x1  }
0xf9: {  	v0 =	vmax.f32 v0, v1  }
0xfa: {  	v0 =	vmul.f32 $1.442695020e+00, v0;
	_ =	sdelay $0x1  }
0xfb: {  	(erf) = vpow2.f32 v0;
	_ =	sdelay $0x8  }
0xfc: {  	v0 =	vpop (erf)  }
0xfd: {  	[tilespmem:v31+s25+$0x0] =	vst.idx.msk $0xffff, v0  }
0xfe: {  	v0 =	vld.idx.msk [tilespmem:v32+s23+$0x0], $0xffff  }
0xff: {  	v1 =	vld.idx.msk [tilespmem:v32+s24+$0x0], $0xffff;
	_ =	sdelay $0x4  }
0x100: {  	v0 =	vadd.f32 v1, v0;
	_ =	sdelay $0x1  }
0x101: {  	v1 =	vmul.f32 $2.000000030e-01, v0;
	_ =	sdelay $0x1  }
0x102: {  	v0 =	vmax.f32 v0, v1  }
0x103: {  	v0 =	vmul.f32 $1.442695020e+00, v0;
	_ =	sdelay $0x1  }
0x104: {  	(erf) = vpow2.f32 v0;
	_ =	sdelay $0x8  }
0x105: {  	v0 =	vpop (erf)  }
0x106: {  	[tilespmem:v32+s25+$0x0] =	vst.idx.msk $0xffff, v0  }
0x107: {  	v0 =	vld.idx.msk [tilespmem:v33+s23+$0x0], $0xffff  }
0x108: {  	v1 =	vld.idx.msk [tilespmem:v33+s24+$0x0], $0xffff;
	_ =	sdelay $0x4  }
0x109: {  	v0 =	vadd.f32 v1, v0;
	_ =	sdelay $0x1  }
0x10a: {  	v1 =	vmul.f32 $2.000000030e-01, v0;
	_ =	sdelay $0x1  }
0x10b: {  	v0 =	vmax.f32 v0, v1  }
0x10c: {  	v0 =	vmul.f32 $1.442695020e+00, v0;
	_ =	sdelay $0x1  }
0x10d: {  	(erf) = vpow2.f32 v0;
	_ =	sdelay $0x8  }
0x10e: {  	v0 =	vpop (erf)  }
0x10f: {  	[tilespmem:v33+s25+$0x0] =	vst.idx.msk $0xffff, v0  }
0x110: {  	v0 =	vld.idx.msk [tilespmem:v42+s23+$0x0], $0xffff  }
0x111: {  	v1 =	vld.idx.msk [tilespmem:v42+s24+$0x0], $0xffff;
	_ =	sdelay $0x4  }
0x112: {  	v0 =	vadd.f32 v1, v0;
	_ =	sdelay $0x1  }
0x113: {  	v1 =	vmul.f32 $2.000000030e-01, v0;
	_ =	sdelay $0x1  }
0x114: {  	v0 =	vmax.f32 v0, v1  }
0x115: {  	v0 =	vmul.f32 $1.442695020e+00, v0;
	_ =	sdelay $0x1  }
0x116: {  	(erf) = vpow2.f32 v0;
	_ =	sdelay $0x8  }
0x117: {  	v0 =	vpop (erf)  }
0x118: {  	[tilespmem:v42+s25+$0x0] =	vst.idx.msk $0xffff, v0  }
0x119: {  	v0 =	vld.idx.msk [tilespmem:v8+s23+$0x0], $0xffff  }
0x11a: {  	v1 =	vld.idx.msk [tilespmem:v8+s24+$0x0], $0xffff;
	_ =	sdelay $0x4  }
0x11b: {  	v0 =	vadd.f32 v1, v0;
	_ =	sdelay $0x1  }
0x11c: {  	v1 =	vmul.f32 $2.000000030e-01, v0;
	_ =	sdelay $0x1  }
0x11d: {  	v0 =	vmax.f32 v0, v1  }
0x11e: {  	v0 =	vmul.f32 $1.442695020e+00, v0;
	_ =	sdelay $0x1  }
0x11f: {  	(erf) = vpow2.f32 v0;
	_ =	sdelay $0x8  }
0x120: {  	v0 =	vpop (erf)  }
0x121: {  	[tilespmem:v8+s25+$0x0] =	vst.idx.msk $0xffff, v0  }
0x122: {  	v0 =	vld.idx.msk [tilespmem:v12+s23+$0x0], $0xffff  }
0x123: {  	v1 =	vld.idx.msk [tilespmem:v12+s24+$0x0], $0xffff;
	_ =	sdelay $0x4  }
0x124: {  	v0 =	vadd.f32 v1, v0;
	_ =	sdelay $0x1  }
0x125: {  	v1 =	vmul.f32 $2.000000030e-01, v0;
	_ =	sdelay $0x1  }
0x126: {  	v0 =	vmax.f32 v0, v1  }
0x127: {  	v0 =	vmul.f32 $1.442695020e+00, v0;
	_ =	sdelay $0x1  }
0x128: {  	(erf) = vpow2.f32 v0;
	_ =	sdelay $0x8  }
0x129: {  	v0 =	vpop (erf)  }
0x12a: {  	[tilespmem:v12+s25+$0x0] =	vst.idx.msk $0xffff, v0  }
0x12b: {  	v0 =	vld.idx.msk [tilespmem:v29+s23+$0x0], $0xffff  }
0x12c: {  	v1 =	vld.idx.msk [tilespmem:v29+s24+$0x0], $0xffff;
	_ =	sdelay $0x4  }
0x12d: {  	v0 =	vadd.f32 v1, v0;
	_ =	sdelay $0x1  }
0x12e: {  	v1 =	vmul.f32 $2.000000030e-01, v0;
	_ =	sdelay $0x1  }
0x12f: {  	v0 =	vmax.f32 v0, v1  }
0x130: {  	v0 =	vmul.f32 $1.442695020e+00, v0;
	_ =	sdelay $0x1  }
0x131: {  	(erf) = vpow2.f32 v0;
	_ =	sdelay $0x8  }
0x132: {  	v0 =	vpop (erf)  }
0x133: {  	[tilespmem:v29+s25+$0x0] =	vst.idx.msk $0xffff, v0  }
0x134: {  	v0 =	vld.idx.msk [tilespmem:v30+s23+$0x0], $0xffff  }
0x135: {  	v1 =	vld.idx.msk [tilespmem:v30+s24+$0x0], $0xffff;
	_ =	sdelay $0x4  }
0x136: {  	v0 =	vadd.f32 v1, v0;
	_ =	sdelay $0x1  }
0x137: {  	v1 =	vmul.f32 $2.000000030e-01, v0;
	_ =	sdelay $0x1  }
0x138: {  	v0 =	vmax.f32 v0, v1  }
0x139: {  	v0 =	vmul.f32 $1.442695020e+00, v0;
	_ =	sdelay $0x1  }
0x13a: {  	(erf) = vpow2.f32 v0;
	_ =	sdelay $0x8  }
0x13b: {  	v0 =	vpop (erf)  }
0x13c: {  	[tilespmem:v30+s25+$0x0] =	vst.idx.msk $0xffff, v0  }
0x13d: {  	v0 =	vld.idx.msk [tilespmem:v13+s23+$0x0], $0xffff  }
0x13e: {  	v1 =	vld.idx.msk [tilespmem:v13+s24+$0x0], $0xffff;
	_ =	sdelay $0x4  }
0x13f: {  	v0 =	vadd.f32 v1, v0;
	_ =	sdelay $0x1  }
0x140: {  	v1 =	vmul.f32 $2.000000030e-01, v0;
	_ =	sdelay $0x1  }
0x141: {  	v0 =	vmax.f32 v0, v1  }
0x142: {  	v0 =	vmul.f32 $1.442695020e+00, v0;
	_ =	sdelay $0x1  }
0x143: {  	(erf) = vpow2.f32 v0;
	_ =	sdelay $0x2  }
0x144: {  	v2 =	vld [tilespmem:$0x1FEF0];
	_ =	sdelay $0x5  }
0x145: {  	v0 =	vpop (erf)  }
0x146: {  	[tilespmem:v13+s25+$0x0] =	vst.idx.msk $0xffff, v0  }
0x147: {  	v0 =	vld.idx.msk [tilespmem:v2+s23+$0x0], $0xffff  }
0x148: {  	v1 =	vld.idx.msk [tilespmem:v2+s24+$0x0], $0xffff;
	_ =	sdelay $0x4  }
0x149: {  	v0 =	vadd.f32 v1, v0;
	_ =	sdelay $0x1  }
0x14a: {  	v1 =	vmul.f32 $2.000000030e-01, v0;
	_ =	sdelay $0x1  }
0x14b: {  	v0 =	vmax.f32 v0, v1  }
0x14c: {  	v0 =	vmul.f32 $1.442695020e+00, v0;
	_ =	sdelay $0x1  }
0x14d: {  	(erf) = vpow2.f32 v0;
	_ =	sdelay $0x8  }
0x14e: {  	v0 =	vpop (erf)  }
0x14f: {  	[tilespmem:v2+s25+$0x0] =	vst.idx.msk $0xffff, v0;
	v2 =	vld [tilespmem:$0x1FF00];
	_ =	sdelay $0x7  }
0x150: {  	v0 =	vld.idx.msk [tilespmem:v2+s23+$0x0], $0xffff  }
0x151: {  	v1 =	vld.idx.msk [tilespmem:v2+s24+$0x0], $0xffff;
	_ =	sdelay $0x4  }
0x152: {  	v0 =	vadd.f32 v1, v0;
	_ =	sdelay $0x1  }
0x153: {  	v1 =	vmul.f32 $2.000000030e-01, v0;
	_ =	sdelay $0x1  }
0x154: {  	v0 =	vmax.f32 v0, v1  }
0x155: {  	v0 =	vmul.f32 $1.442695020e+00, v0;
	_ =	sdelay $0x1  }
0x156: {  	(erf) = vpow2.f32 v0;
	_ =	sdelay $0x8  }
0x157: {  	v0 =	vpop (erf)  }
0x158: {  	[tilespmem:v2+s25+$0x0] =	vst.idx.msk $0xffff, v0  }
0x159: {  	v0 =	vld.idx.msk [tilespmem:v34+s23+$0x0], $0xffff  }
0x15a: {  	v1 =	vld.idx.msk [tilespmem:v34+s24+$0x0], $0xffff;
	_ =	sdelay $0x4  }
0x15b: {  	v0 =	vadd.f32 v1, v0;
	_ =	sdelay $0x1  }
0x15c: {  	v1 =	vmul.f32 $2.000000030e-01, v0;
	_ =	sdelay $0x1  }
0x15d: {  	v0 =	vmax.f32 v0, v1  }
0x15e: {  	v0 =	vmul.f32 $1.442695020e+00, v0;
	_ =	sdelay $0x1  }
0x15f: {  	(erf) = vpow2.f32 v0;
	_ =	sdelay $0x8  }
0x160: {  	v0 =	vpop (erf)  }
0x161: {  	[tilespmem:v34+s25+$0x0] =	vst.idx.msk $0xffff, v0  }
0x162: {  	v0 =	vld.idx.msk [tilespmem:v4+s23+$0x0], $0xffff  }
0x163: {  	v1 =	vld.idx.msk [tilespmem:v4+s24+$0x0], $0xffff;
	_ =	sdelay $0x4  }
0x164: {  	v0 =	vadd.f32 v1, v0;
	_ =	sdelay $0x1  }
0x165: {  	v1 =	vmul.f32 $2.000000030e-01, v0;
	_ =	sdelay $0x1  }
0x166: {  	v0 =	vmax.f32 v0, v1  }
0x167: {  	v0 =	vmul.f32 $1.442695020e+00, v0;
	_ =	sdelay $0x1  }
0x168: {  	(erf) = vpow2.f32 v0;
	_ =	sdelay $0x8  }
0x169: {  	v0 =	vpop (erf)  }
0x16a: {  	[tilespmem:v4+s25+$0x0] =	vst.idx.msk $0xffff, v0  }
0x16b: {  	v0 =	vld.idx.msk [tilespmem:v36+s23+$0x0], $0xffff  }
0x16c: {  	v1 =	vld.idx.msk [tilespmem:v36+s24+$0x0], $0xffff;
	_ =	sdelay $0x4  }
0x16d: {  	v0 =	vadd.f32 v1, v0;
	_ =	sdelay $0x1  }
0x16e: {  	v1 =	vmul.f32 $2.000000030e-01, v0;
	_ =	sdelay $0x1  }
0x16f: {  	v0 =	vmax.f32 v0, v1  }
0x170: {  	v0 =	vmul.f32 $1.442695020e+00, v0;
	_ =	sdelay $0x1  }
0x171: {  	(erf) = vpow2.f32 v0;
	_ =	sdelay $0x8  }
0x172: {  	v0 =	vpop (erf)  }
0x173: {  	[tilespmem:v36+s25+$0x0] =	vst.idx.msk $0xffff, v0  }
0x174: {  	v0 =	vld.idx.msk [tilespmem:v37+s23+$0x0], $0xffff  }
0x175: {  	v1 =	vld.idx.msk [tilespmem:v37+s24+$0x0], $0xffff;
	_ =	sdelay $0x4  }
0x176: {  	v0 =	vadd.f32 v1, v0;
	_ =	sdelay $0x1  }
0x177: {  	v1 =	vmul.f32 $2.000000030e-01, v0;
	_ =	sdelay $0x1  }
0x178: {  	v0 =	vmax.f32 v0, v1  }
0x179: {  	v0 =	vmul.f32 $1.442695020e+00, v0;
	_ =	sdelay $0x1  }
0x17a: {  	(erf) = vpow2.f32 v0;
	_ =	sdelay $0x8  }
0x17b: {  	v0 =	vpop (erf)  }
0x17c: {  	[tilespmem:v37+s25+$0x0] =	vst.idx.msk $0xffff, v0  }
0x17d: {  	v0 =	vld.idx.msk [tilespmem:v38+s23+$0x0], $0xffff  }
0x17e: {  	v1 =	vld.idx.msk [tilespmem:v38+s24+$0x0], $0xffff;
	_ =	sdelay $0x4  }
0x17f: {  	v0 =	vadd.f32 v1, v0;
	_ =	sdelay $0x1  }
0x180: {  	v1 =	vmul.f32 $2.000000030e-01, v0;
	_ =	sdelay $0x1  }
0x181: {  	v0 =	vmax.f32 v0, v1  }
0x182: {  	v0 =	vmul.f32 $1.442695020e+00, v0;
	_ =	sdelay $0x1  }
0x183: {  	(erf) = vpow2.f32 v0;
	_ =	sdelay $0x8  }
0x184: {  	v0 =	vpop (erf)  }
0x185: {  	[tilespmem:v38+s25+$0x0] =	vst.idx.msk $0xffff, v0  }
0x186: {  	v0 =	vld.idx.msk [tilespmem:v39+s23+$0x0], $0xffff  }
0x187: {  	v1 =	vld.idx.msk [tilespmem:v39+s24+$0x0], $0xffff;
	_ =	sdelay $0x4  }
0x188: {  	v0 =	vadd.f32 v1, v0;
	_ =	sdelay $0x1  }
0x189: {  	v1 =	vmul.f32 $2.000000030e-01, v0;
	_ =	sdelay $0x1  }
0x18a: {  	v0 =	vmax.f32 v0, v1  }
0x18b: {  	v0 =	vmul.f32 $1.442695020e+00, v0;
	_ =	sdelay $0x1  }
0x18c: {  	(erf) = vpow2.f32 v0;
	_ =	sdelay $0x8  }
0x18d: {  	v0 =	vpop (erf)  }
0x18e: {  	[tilespmem:v39+s25+$0x0] =	vst.idx.msk $0xffff, v0  }
0x18f: {  	v0 =	vld.idx.msk [tilespmem:v40+s23+$0x0], $0xffff  }
0x190: {  	v1 =	vld.idx.msk [tilespmem:v40+s24+$0x0], $0xffff;
	_ =	sdelay $0x4  }
0x191: {  	v0 =	vadd.f32 v1, v0;
	_ =	sdelay $0x1  }
0x192: {  	v1 =	vmul.f32 $2.000000030e-01, v0;
	_ =	sdelay $0x1  }
0x193: {  	v0 =	vmax.f32 v0, v1  }
0x194: {  	v0 =	vmul.f32 $1.442695020e+00, v0;
	_ =	sdelay $0x1  }
0x195: {  	(erf) = vpow2.f32 v0;
	_ =	sdelay $0x8  }
0x196: {  	v0 =	vpop (erf)  }
0x197: {  	[tilespmem:v40+s25+$0x0] =	vst.idx.msk $0xffff, v0  }
0x198: {  	v0 =	vld.idx.msk [tilespmem:v41+s23+$0x0], $0xffff  }
0x199: {  	v1 =	vld.idx.msk [tilespmem:v41+s24+$0x0], $0xffff;
	_ =	sdelay $0x4  }
0x19a: {  	v0 =	vadd.f32 v1, v0;
	_ =	sdelay $0x1  }
0x19b: {  	v1 =	vmul.f32 $2.000000030e-01, v0;
	_ =	sdelay $0x1  }
0x19c: {  	v0 =	vmax.f32 v0, v1  }
0x19d: {  	v0 =	vmul.f32 $1.442695020e+00, v0;
	_ =	sdelay $0x1  }
0x19e: {  	(erf) = vpow2.f32 v0;
	_ =	sdelay $0x8  }
0x19f: {  	v0 =	vpop (erf)  }
0x1a0: {  	[tilespmem:v41+s25+$0x0] =	vst.idx.msk $0xffff, v0  }
0x1a1: {  	v0 =	vld.idx.msk [tilespmem:v58+s23+$0x0], $0xffff  }
0x1a2: {  	v1 =	vld.idx.msk [tilespmem:v58+s24+$0x0], $0xffff;
	_ =	sdelay $0x4  }
0x1a3: {  	v0 =	vadd.f32 v1, v0;
	_ =	sdelay $0x1  }
0x1a4: {  	v1 =	vmul.f32 $2.000000030e-01, v0;
	_ =	sdelay $0x1  }
0x1a5: {  	v0 =	vmax.f32 v0, v1  }
0x1a6: {  	v0 =	vmul.f32 $1.442695020e+00, v0;
	_ =	sdelay $0x1  }
0x1a7: {  	(erf) = vpow2.f32 v0;
	_ =	sdelay $0x8  }
0x1a8: {  	v0 =	vpop (erf)  }
0x1a9: {  	[tilespmem:v58+s25+$0x0] =	vst.idx.msk $0xffff, v0  }
0x1aa: {  	v0 =	vld.idx.msk [tilespmem:v10+s23+$0x0], $0xffff  }
0x1ab: {  	v1 =	vld.idx.msk [tilespmem:v10+s24+$0x0], $0xffff;
	_ =	sdelay $0x4  }
0x1ac: {  	v0 =	vadd.f32 v1, v0;
	_ =	sdelay $0x1  }
0x1ad: {  	v1 =	vmul.f32 $2.000000030e-01, v0;
	_ =	sdelay $0x1  }
0x1ae: {  	v0 =	vmax.f32 v0, v1  }
0x1af: {  	v0 =	vmul.f32 $1.442695020e+00, v0;
	_ =	sdelay $0x1  }
0x1b0: {  	(erf) = vpow2.f32 v0;
	_ =	sdelay $0x8  }
0x1b1: {  	v0 =	vpop (erf)  }
0x1b2: {  	[tilespmem:v10+s25+$0x0] =	vst.idx.msk $0xffff, v0  }
0x1b3: {  	v0 =	vld.idx.msk [tilespmem:v44+s23+$0x0], $0xffff  }
0x1b4: {  	v1 =	vld.idx.msk [tilespmem:v44+s24+$0x0], $0xffff;
	_ =	sdelay $0x4  }
0x1b5: {  	v0 =	vadd.f32 v1, v0;
	_ =	sdelay $0x1  }
0x1b6: {  	v1 =	vmul.f32 $2.000000030e-01, v0;
	_ =	sdelay $0x1  }
0x1b7: {  	v0 =	vmax.f32 v0, v1  }
0x1b8: {  	v0 =	vmul.f32 $1.442695020e+00, v0;
	_ =	sdelay $0x1  }
0x1b9: {  	(erf) = vpow2.f32 v0;
	_ =	sdelay $0x8  }
0x1ba: {  	v0 =	vpop (erf)  }
0x1bb: {  	[tilespmem:v44+s25+$0x0] =	vst.idx.msk $0xffff, v0  }
0x1bc: {  	v0 =	vld.idx.msk [tilespmem:v5+s23+$0x0], $0xffff  }
0x1bd: {  	v1 =	vld.idx.msk [tilespmem:v5+s24+$0x0], $0xffff;
	_ =	sdelay $0x4  }
0x1be: {  	v0 =	vadd.f32 v1, v0;
	_ =	sdelay $0x1  }
0x1bf: {  	v1 =	vmul.f32 $2.000000030e-01, v0;
	_ =	sdelay $0x1  }
0x1c0: {  	v0 =	vmax.f32 v0, v1  }
0x1c1: {  	v0 =	vmul.f32 $1.442695020e+00, v0;
	_ =	sdelay $0x1  }
0x1c2: {  	(erf) = vpow2.f32 v0;
	_ =	sdelay $0x8  }
0x1c3: {  	v0 =	vpop (erf)  }
0x1c4: {  	[tilespmem:v5+s25+$0x0] =	vst.idx.msk $0xffff, v0  }
0x1c5: {  	v0 =	vld.idx.msk [tilespmem:v46+s23+$0x0], $0xffff  }
0x1c6: {  	v1 =	vld.idx.msk [tilespmem:v46+s24+$0x0], $0xffff;
	_ =	sdelay $0x4  }
0x1c7: {  	v0 =	vadd.f32 v1, v0;
	_ =	sdelay $0x1  }
0x1c8: {  	v1 =	vmul.f32 $2.000000030e-01, v0;
	_ =	sdelay $0x1  }
0x1c9: {  	v0 =	vmax.f32 v0, v1  }
0x1ca: {  	v0 =	vmul.f32 $1.442695020e+00, v0;
	_ =	sdelay $0x1  }
0x1cb: {  	(erf) = vpow2.f32 v0;
	_ =	sdelay $0x8  }
0x1cc: {  	v0 =	vpop (erf)  }
0x1cd: {  	[tilespmem:v46+s25+$0x0] =	vst.idx.msk $0xffff, v0  }
0x1ce: {  	v0 =	vld.idx.msk [tilespmem:v47+s23+$0x0], $0xffff  }
0x1cf: {  	v1 =	vld.idx.msk [tilespmem:v47+s24+$0x0], $0xffff;
	_ =	sdelay $0x4  }
0x1d0: {  	v0 =	vadd.f32 v1, v0;
	_ =	sdelay $0x1  }
0x1d1: {  	v1 =	vmul.f32 $2.000000030e-01, v0;
	_ =	sdelay $0x1  }
0x1d2: {  	v0 =	vmax.f32 v0, v1  }
0x1d3: {  	v0 =	vmul.f32 $1.442695020e+00, v0;
	_ =	sdelay $0x1  }
0x1d4: {  	(erf) = vpow2.f32 v0;
	_ =	sdelay $0x8  }
0x1d5: {  	v0 =	vpop (erf)  }
0x1d6: {  	[tilespmem:v47+s25+$0x0] =	vst.idx.msk $0xffff, v0  }
0x1d7: {  	v0 =	vld.idx.msk [tilespmem:v48+s23+$0x0], $0xffff  }
0x1d8: {  	v1 =	vld.idx.msk [tilespmem:v48+s24+$0x0], $0xffff;
	_ =	sdelay $0x4  }
0x1d9: {  	v0 =	vadd.f32 v1, v0;
	_ =	sdelay $0x1  }
0x1da: {  	v1 =	vmul.f32 $2.000000030e-01, v0;
	_ =	sdelay $0x1  }
0x1db: {  	v0 =	vmax.f32 v0, v1  }
0x1dc: {  	v0 =	vmul.f32 $1.442695020e+00, v0;
	_ =	sdelay $0x1  }
0x1dd: {  	(erf) = vpow2.f32 v0;
	_ =	sdelay $0x8  }
0x1de: {  	v0 =	vpop (erf)  }
0x1df: {  	[tilespmem:v48+s25+$0x0] =	vst.idx.msk $0xffff, v0  }
0x1e0: {  	v0 =	vld.idx.msk [tilespmem:v49+s23+$0x0], $0xffff  }
0x1e1: {  	v1 =	vld.idx.msk [tilespmem:v49+s24+$0x0], $0xffff;
	_ =	sdelay $0x4  }
0x1e2: {  	v0 =	vadd.f32 v1, v0;
	_ =	sdelay $0x1  }
0x1e3: {  	v1 =	vmul.f32 $2.000000030e-01, v0;
	_ =	sdelay $0x1  }
0x1e4: {  	v0 =	vmax.f32 v0, v1  }
0x1e5: {  	v0 =	vmul.f32 $1.442695020e+00, v0;
	_ =	sdelay $0x1  }
0x1e6: {  	(erf) = vpow2.f32 v0;
	_ =	sdelay $0x8  }
0x1e7: {  	v0 =	vpop (erf)  }
0x1e8: {  	[tilespmem:v49+s25+$0x0] =	vst.idx.msk $0xffff, v0  }
0x1e9: {  	v0 =	vld.idx.msk [tilespmem:v50+s23+$0x0], $0xffff  }
0x1ea: {  	v1 =	vld.idx.msk [tilespmem:v50+s24+$0x0], $0xffff;
	_ =	sdelay $0x4  }
0x1eb: {  	v0 =	vadd.f32 v1, v0;
	_ =	sdelay $0x1  }
0x1ec: {  	v1 =	vmul.f32 $2.000000030e-01, v0;
	_ =	sdelay $0x1  }
0x1ed: {  	v0 =	vmax.f32 v0, v1  }
0x1ee: {  	v0 =	vmul.f32 $1.442695020e+00, v0;
	_ =	sdelay $0x1  }
0x1ef: {  	(erf) = vpow2.f32 v0;
	_ =	sdelay $0x8  }
0x1f0: {  	v0 =	vpop (erf)  }
0x1f1: {  	[tilespmem:v50+s25+$0x0] =	vst.idx.msk $0xffff, v0  }
0x1f2: {  	v0 =	vld.idx.msk [tilespmem:v11+s23+$0x0], $0xffff  }
0x1f3: {  	v1 =	vld.idx.msk [tilespmem:v11+s24+$0x0], $0xffff;
	_ =	sdelay $0x4  }
0x1f4: {  	v0 =	vadd.f32 v1, v0;
	_ =	sdelay $0x1  }
0x1f5: {  	v1 =	vmul.f32 $2.000000030e-01, v0;
	_ =	sdelay $0x1  }
0x1f6: {  	v0 =	vmax.f32 v0, v1  }
0x1f7: {  	v0 =	vmul.f32 $1.442695020e+00, v0;
	_ =	sdelay $0x1  }
0x1f8: {  	(erf) = vpow2.f32 v0;
	_ =	sdelay $0x8  }
0x1f9: {  	v0 =	vpop (erf)  }
0x1fa: {  	[tilespmem:v11+s25+$0x0] =	vst.idx.msk $0xffff, v0  }
0x1fb: {  	v0 =	vld.idx.msk [tilespmem:v52+s23+$0x0], $0xffff  }
0x1fc: {  	v1 =	vld.idx.msk [tilespmem:v52+s24+$0x0], $0xffff;
	_ =	sdelay $0x4  }
0x1fd: {  	v0 =	vadd.f32 v1, v0;
	_ =	sdelay $0x1  }
0x1fe: {  	v1 =	vmul.f32 $2.000000030e-01, v0;
	_ =	sdelay $0x1  }
0x1ff: {  	v0 =	vmax.f32 v0, v1  }
0x200: {  	v0 =	vmul.f32 $1.442695020e+00, v0;
	_ =	sdelay $0x1  }
0x201: {  	(erf) = vpow2.f32 v0;
	_ =	sdelay $0x8  }
0x202: {  	v0 =	vpop (erf)  }
0x203: {  	[tilespmem:v52+s25+$0x0] =	vst.idx.msk $0xffff, v0  }
0x204: {  	v0 =	vld.idx.msk [tilespmem:v53+s23+$0x0], $0xffff  }
0x205: {  	v1 =	vld.idx.msk [tilespmem:v53+s24+$0x0], $0xffff;
	_ =	sdelay $0x4  }
0x206: {  	v0 =	vadd.f32 v1, v0;
	_ =	sdelay $0x1  }
0x207: {  	v1 =	vmul.f32 $2.000000030e-01, v0;
	_ =	sdelay $0x1  }
0x208: {  	v0 =	vmax.f32 v0, v1  }
0x209: {  	v0 =	vmul.f32 $1.442695020e+00, v0;
	_ =	sdelay $0x1  }
0x20a: {  	(erf) = vpow2.f32 v0;
	_ =	sdelay $0x8  }
0x20b: {  	v0 =	vpop (erf)  }
0x20c: {  	[tilespmem:v53+s25+$0x0] =	vst.idx.msk $0xffff, v0  }
0x20d: {  	v0 =	vld.idx.msk [tilespmem:v54+s23+$0x0], $0xffff  }
0x20e: {  	v1 =	vld.idx.msk [tilespmem:v54+s24+$0x0], $0xffff;
	_ =	sdelay $0x4  }
0x20f: {  	v0 =	vadd.f32 v1, v0;
	_ =	sdelay $0x1  }
0x210: {  	v1 =	vmul.f32 $2.000000030e-01, v0;
	_ =	sdelay $0x1  }
0x211: {  	v0 =	vmax.f32 v0, v1  }
0x212: {  	v0 =	vmul.f32 $1.442695020e+00, v0;
	_ =	sdelay $0x1  }
0x213: {  	(erf) = vpow2.f32 v0;
	_ =	sdelay $0x8  }
0x214: {  	v0 =	vpop (erf)  }
0x215: {  	[tilespmem:v54+s25+$0x0] =	vst.idx.msk $0xffff, v0  }
0x216: {  	v0 =	vld.idx.msk [tilespmem:v55+s23+$0x0], $0xffff  }
0x217: {  	v1 =	vld.idx.msk [tilespmem:v55+s24+$0x0], $0xffff;
	_ =	sdelay $0x4  }
0x218: {  	v0 =	vadd.f32 v1, v0;
	_ =	sdelay $0x1  }
0x219: {  	v1 =	vmul.f32 $2.000000030e-01, v0;
	_ =	sdelay $0x1  }
0x21a: {  	v0 =	vmax.f32 v0, v1  }
0x21b: {  	v0 =	vmul.f32 $1.442695020e+00, v0;
	_ =	sdelay $0x1  }
0x21c: {  	(erf) = vpow2.f32 v0;
	_ =	sdelay $0x8  }
0x21d: {  	v0 =	vpop (erf)  }
0x21e: {  	[tilespmem:v55+s25+$0x0] =	vst.idx.msk $0xffff, v0  }
0x21f: {  	v0 =	vld.idx.msk [tilespmem:v56+s23+$0x0], $0xffff  }
0x220: {  	v1 =	vld.idx.msk [tilespmem:v56+s24+$0x0], $0xffff;
	_ =	sdelay $0x4  }
0x221: {  	v0 =	vadd.f32 v1, v0;
	_ =	sdelay $0x1  }
0x222: {  	v1 =	vmul.f32 $2.000000030e-01, v0;
	_ =	sdelay $0x1  }
0x223: {  	v0 =	vmax.f32 v0, v1  }
0x224: {  	v0 =	vmul.f32 $1.442695020e+00, v0;
	_ =	sdelay $0x1  }
0x225: {  	(erf) = vpow2.f32 v0;
	_ =	sdelay $0x8  }
0x226: {  	v0 =	vpop (erf)  }
0x227: {  	[tilespmem:v56+s25+$0x0] =	vst.idx.msk $0xffff, v0  }
0x228: {  	v0 =	vld.idx.msk [tilespmem:v7+s23+$0x0], $0xffff  }
0x229: {  	v1 =	vld.idx.msk [tilespmem:v7+s24+$0x0], $0xffff;
	_ =	sdelay $0x4  }
0x22a: {  	v0 =	vadd.f32 v1, v0;
	_ =	sdelay $0x1  }
0x22b: {  	v1 =	vmul.f32 $2.000000030e-01, v0;
	_ =	sdelay $0x1  }
0x22c: {  	v0 =	vmax.f32 v0, v1  }
0x22d: {  	v0 =	vmul.f32 $1.442695020e+00, v0;
	_ =	sdelay $0x1  }
0x22e: {  	(erf) = vpow2.f32 v0;
	_ =	sdelay $0x8  }
0x22f: {  	v0 =	vpop (erf)  }
0x230: {  	[tilespmem:v7+s25+$0x0] =	vst.idx.msk $0xffff, v0  }
0x231: {  	v0 =	vld.idx.msk [tilespmem:v57+s23+$0x0], $0xffff  }
0x232: {  	v1 =	vld.idx.msk [tilespmem:v57+s24+$0x0], $0xffff;
	_ =	sdelay $0x4  }
0x233: {  	v0 =	vadd.f32 v1, v0;
	_ =	sdelay $0x1  }
0x234: {  	v1 =	vmul.f32 $2.000000030e-01, v0;
	_ =	sdelay $0x1  }
0x235: {  	v0 =	vmax.f32 v0, v1  }
0x236: {  	v0 =	vmul.f32 $1.442695020e+00, v0;
	_ =	sdelay $0x1  }
0x237: {  	(erf) = vpow2.f32 v0;
	_ =	sdelay $0x8  }
0x238: {  	v0 =	vpop (erf)  }
0x239: {  	[tilespmem:v57+s25+$0x0] =	vst.idx.msk $0xffff, v0  }
0x23a: {  	v0 =	vld.idx.msk [tilespmem:v59+s23+$0x0], $0xffff  }
0x23b: {  	v1 =	vld.idx.msk [tilespmem:v59+s24+$0x0], $0xffff;
	_ =	sdelay $0x4  }
0x23c: {  	v0 =	vadd.f32 v1, v0;
	_ =	sdelay $0x1  }
0x23d: {  	v1 =	vmul.f32 $2.000000030e-01, v0;
	_ =	sdelay $0x1  }
0x23e: {  	v0 =	vmax.f32 v0, v1  }
0x23f: {  	v0 =	vmul.f32 $1.442695020e+00, v0;
	_ =	sdelay $0x1  }
0x240: {  	(erf) = vpow2.f32 v0;
	_ =	sdelay $0x8  }
0x241: {  	v0 =	vpop (erf)  }
0x242: {  	[tilespmem:v59+s25+$0x0] =	vst.idx.msk $0xffff, v0  }
0x243: {  	v0 =	vld.idx.msk [tilespmem:v60+s23+$0x0], $0xffff  }
0x244: {  	v1 =	vld.idx.msk [tilespmem:v60+s24+$0x0], $0xffff;
	_ =	sdelay $0x4  }
0x245: {  	v0 =	vadd.f32 v1, v0;
	_ =	sdelay $0x1  }
0x246: {  	v1 =	vmul.f32 $2.000000030e-01, v0;
	_ =	sdelay $0x1  }
0x247: {  	v0 =	vmax.f32 v0, v1  }
0x248: {  	v0 =	vmul.f32 $1.442695020e+00, v0;
	_ =	sdelay $0x1  }
0x249: {  	(erf) = vpow2.f32 v0;
	_ =	sdelay $0x8  }
0x24a: {  	v0 =	vpop (erf)  }
0x24b: {  	[tilespmem:v60+s25+$0x0] =	vst.idx.msk $0xffff, v0  }
0x24c: {  	v0 =	vld.idx.msk [tilespmem:v3+s23+$0x0], $0xffff  }
0x24d: {  	v1 =	vld.idx.msk [tilespmem:v3+s24+$0x0], $0xffff;
	_ =	sdelay $0x4  }
0x24e: {  	v0 =	vadd.f32 v1, v0;
	_ =	sdelay $0x1  }
0x24f: {  	v1 =	vmul.f32 $2.000000030e-01, v0;
	_ =	sdelay $0x1  }
0x250: {  	v0 =	vmax.f32 v0, v1  }
0x251: {  	v0 =	vmul.f32 $1.442695020e+00, v0;
	_ =	sdelay $0x1  }
0x252: {  	(erf) = vpow2.f32 v0;
	_ =	sdelay $0x8  }
0x253: {  	v0 =	vpop (erf)  }
0x254: {  	[tilespmem:v3+s25+$0x0] =	vst.idx.msk $0xffff, v0  }
0x255: {  	v0 =	vld.idx.msk [tilespmem:v62+s23+$0x0], $0xffff  }
0x256: {  	v1 =	vld.idx.msk [tilespmem:v62+s24+$0x0], $0xffff;
	_ =	sdelay $0x4  }
0x257: {  	v0 =	vadd.f32 v1, v0;
	_ =	sdelay $0x1  }
0x258: {  	v1 =	vmul.f32 $2.000000030e-01, v0;
	_ =	sdelay $0x1  }
0x259: {  	v0 =	vmax.f32 v0, v1  }
0x25a: {  	v0 =	vmul.f32 $1.442695020e+00, v0;
	_ =	sdelay $0x1  }
0x25b: {  	(erf) = vpow2.f32 v0;
	_ =	sdelay $0x2  }
0x25c: {  	v2 =	vld [tilespmem:$0x1FF10];
	_ =	sdelay $0x5  }
0x25d: {  	v0 =	vpop (erf)  }
0x25e: {  	[tilespmem:v62+s25+$0x0] =	vst.idx.msk $0xffff, v0  }
0x25f: {  	v0 =	vld.idx.msk [tilespmem:v2+s23+$0x0], $0xffff  }
0x260: {  	v1 =	vld.idx.msk [tilespmem:v2+s24+$0x0], $0xffff;
	_ =	sdelay $0x4  }
0x261: {  	v0 =	vadd.f32 v1, v0;
	_ =	sdelay $0x1  }
0x262: {  	v1 =	vmul.f32 $2.000000030e-01, v0;
	_ =	sdelay $0x1  }
0x263: {  	v0 =	vmax.f32 v0, v1  }
0x264: {  	v0 =	vmul.f32 $1.442695020e+00, v0;
	_ =	sdelay $0x1  }
0x265: {  	(erf) = vpow2.f32 v0;
	_ =	sdelay $0x8  }
0x266: {  	v0 =	vpop (erf)  }
0x267: {  	[tilespmem:v2+s25+$0x0] =	vst.idx.msk $0xffff, v0;
	v2 =	vld [tilespmem:$0x1FF20];
	_ =	sdelay $0x7  }
0x268: {  	v0 =	vld.idx.msk [tilespmem:v2+s23+$0x0], $0xffff  }
0x269: {  	v1 =	vld.idx.msk [tilespmem:v2+s24+$0x0], $0xffff;
	_ =	sdelay $0x4  }
0x26a: {  	v0 =	vadd.f32 v1, v0;
	_ =	sdelay $0x1  }
0x26b: {  	v1 =	vmul.f32 $2.000000030e-01, v0;
	_ =	sdelay $0x1  }
0x26c: {  	v0 =	vmax.f32 v0, v1  }
0x26d: {  	v0 =	vmul.f32 $1.442695020e+00, v0;
	_ =	sdelay $0x1  }
0x26e: {  	(erf) = vpow2.f32 v0;
	_ =	sdelay $0x8  }
0x26f: {  	v0 =	vpop (erf)  }
0x270: {  	[tilespmem:v2+s25+$0x0] =	vst.idx.msk $0xffff, v0  }
0x271: {  	v0 =	vld.idx.msk [tilespmem:v63+s23+$0x0], $0xffff  }
0x272: {  	v1 =	vld.idx.msk [tilespmem:v63+s24+$0x0], $0xffff;
	_ =	sdelay $0x4  }
0x273: {  	v0 =	vadd.f32 v1, v0;
	_ =	sdelay $0x1  }
0x274: {  	v1 =	vmul.f32 $2.000000030e-01, v0;
	_ =	sdelay $0x1  }
0x275: {  	v0 =	vmax.f32 v0, v1  }
0x276: {  	v0 =	vmul.f32 $1.442695020e+00, v0;
	_ =	sdelay $0x1  }
0x277: {  	(erf) = vpow2.f32 v0;
	_ =	sdelay $0x8  }
0x278: {  	v0 =	vpop (erf)  }
0x279: {  	[tilespmem:v63+s25+$0x0] =	vst.idx.msk $0xffff, v0  }
0x27a: {  	v0 =	vld [tilespmem:s31+$0x6380]  }
0x27b: {  	v1 =	vld [tilespmem:s31+$0x6390]  }
0x27c: {  	v2 =	vld [tilespmem:s31+$0x63A0]  }
0x27d: {  	v3 =	vld [tilespmem:s31+$0x63B0]  }
0x27e: {  	v62 =	vmov v4;
	v4 =	vld [tilespmem:s31+$0x63C0]  }
0x27f: {  	v53 =	vmov v8;
	v8 =	vld [tilespmem:s31+$0x63F0];
	_ =	sdelay $0x1  }
0x280: {  	v0 =	vcvt.s32.f32 v0  }
0x281: {  	v15 =	vld [tilespmem:$0x1FFC0];
	v1 =	vcvt.s32.f32 v1;
	v2 =	vcvt.s32.f32 v2  }
0x282: {  	v61 =	vmov v5;
	v16 =	vld [tilespmem:$0x1FFD0];
	v3 =	vcvt.s32.f32 v3;
	v0 =	vmul.f32 $2.000000090e-03, v0  }
0x283: {  	v54 =	vmovc v46;
	v46 =	vmovc v38;
	v38 =	vmov v30;
	v5 =	vld [tilespmem:s31+$0x3C00];
	v4 =	vcvt.s32.f32 v4;
	v8 =	vcvt.s32.f32 v8  }
0x284: {  	v30 =	vmovc v22;
	v22 =	vmovc v14;
	v14 =	vmov v6;
	v6 =	vld [tilespmem:s31+$0x63D0];
	v1 =	vmul.f32 $2.000000090e-03, v1;
	v0 =	vtrunc.f32 v0  }
0x285: {  	v7 =	vld [tilespmem:s31+$0x63E0];
	v2 =	vmul.f32 $2.000000090e-03, v2;
	v0 =	vcvt.f32.s32 v0  }
0x286: {  	v17 =	vld [tilespmem:$0x1FFE0];
	v3 =	vmul.f32 $2.000000090e-03, v3;
	v4 =	vmul.f32 $2.000000090e-03, v4  }
0x287: {  	v45 =	vmovc v9;
	v9 =	vld [tilespmem:s31+$0x3C10];
	v8 =	vmul.f32 $2.000000090e-03, v8;
	v1 =	vtrunc.f32 v1;
	v0 =	vmul.u32 $0x2710, v0  }
0x288: {  	v10 =	vld [tilespmem:s31+$0x3C20];
	v2 =	vtrunc.f32 v2;
	v1 =	vcvt.f32.s32 v1  }
0x289: {  	v18 =	vld [tilespmem:$0x1FFF0];
	v2 =	vcvt.f32.s32 v2;
	v0 =	vadd.s32 v5, v0;
	v5 =	vcvt.s32.f32 v6  }
0x28a: {  	v11 =	vld [tilespmem:$0x1FF30];
	v3 =	vtrunc.f32 v3;
	v1 =	vmul.u32 $0x2710, v1;
	v6 =	vcvt.s32.f32 v7  }
0x28b: {  	v4 =	vtrunc.f32 v4;
	v2 =	vmul.u32 $0x2710, v2;
	v7 =	vld [tilespmem:s31+$0x3C30];
	v5 =	vmul.f32 $2.000000090e-03, v5  }
0x28c: {  	v3 =	vcvt.f32.s32 v3;
	v1 =	vadd.s32 v9, v1;
	v9 =	vld [tilespmem:s31+$0x3C40];
	v6 =	vmul.f32 $2.000000090e-03, v6  }
0x28d: {  	v59 =	vmovc v60;
	v60 =	vmovc v52;
	v4 =	vcvt.f32.s32 v4;
	v2 =	vadd.s32 v10, v2;
	v10 =	vld [tilespmem:s31+$0x3C50];
	v5 =	vtrunc.f32 v5  }
0x28e: {  	[tilespmem:s31+$0x9700] =	vst v0;
	v0 =	vmul.u32 $0x2710, v3;
	v6 =	vtrunc.f32 v6;
	v3 =	vcvt.f32.s32 v5;
	v5 =	vld [tilespmem:s31+$0x3C60]  }
0x28f: {  	v8 =	vtrunc.f32 v8;
	[tilespmem:s31+$0x9710] =	vst v1;
	v1 =	vmul.u32 $0x2710, v4;
	v4 =	vcvt.f32.s32 v6;
	v6 =	vld [tilespmem:s31+$0x3C70]  }
0x290: {  	v52 =	vmovc v60;
	v60 =	vmovc v59;
	v59 =	vld [tilespmem:$0x1FF60];
	[tilespmem:s31+$0x9720] =	vst v2;
	v0 =	vadd.s32 v7, v0;
	v2 =	vmul.u32 $0x2710, v3;
	v3 =	vcvt.f32.s32 v8  }
0x291: {  	v7 =	vld [tilespmem:$0x1FFA0];
	[tilespmem:s31+$0x9730] =	vst v0;
	v0 =	vadd.s32 v9, v1;
	v1 =	vmul.u32 $0x2710, v4  }
0x292: {  	v9 =	vmov v45;
	v45 =	vld [tilespmem:$0x1FFB0];
	[tilespmem:s31+$0x9740] =	vst v0;
	v0 =	vadd.s32 v10, v2;
	v2 =	vmul.u32 $0x2710, v3  }
0x293: {  	v8 =	vmov v53;
	v53 =	vld [tilespmem:$0x1FF50];
	[tilespmem:s31+$0x9750] =	vst v0;
	v0 =	vadd.s32 v5, v1  }
0x294: {  	v3 =	vld [tilespmem:$0x1FF80];
	[tilespmem:s31+$0x9760] =	vst v0;
	v0 =	vadd.s32 v6, v2  }
0x295: {  	v10 =	vld [tilespmem:$0x1FF40];
	[tilespmem:s31+$0x9770] =	vst v0  }
0x296: {  	v4 =	vmov v62;
	v62 =	vld [tilespmem:$0x1FF90];
	v6 =	vmov v14;
	[spmem:s3] =	stream.indirect.scatter.add.f32 [tilespmem:s25], [sflag:$0x1], $0x8, s2, s22, $0xb8  }
0x297: {  	v14 =	vmovc v22;
	v22 =	vmovc v30;
	v30 =	vmov v38;
	v38 =	vmov v46;
	v46 =	vmov v54;
	v54 =	vld [tilespmem:$0x1FF70];
	_ =	swait.ge [sflag:s17], $0x400  }
0x298: {  	p0 =	sne.s32 s29, $0x9C00;
	[sflag:s17] =	ssyncset.done $0x0  }
.Ltmp0:
0x299: {  	[sflag:s17] =	ssyncadd.s32 $0xFFFFFC00;
	(pc) =	sbr.rel @p0 .LBB2_2-.Ltmp0, $4  }
0x29a: {  	[hbm4b:s30+s5] =	stream.linear.scatter [tilespmem:s25], [sflag:$0x1], $0x400, $0x38;
	[tilespmem:$0xBE80] =	vst v63  }
0x29b: {  	_ =	swait.ge [sflag:s17], $0x400  }
0x29c: {  	v51 =	vmov v37;
	[sflag:s17] =	ssyncset.done $0x0  }
0x29d: {  	s29 =	sadd.s32 $0x200, s29;
	v37 =	vmov v51;
	v5 =	vmov v61;
	v2 =	vlaneseq.u32;
	s30 =	sadd.s32 $0x80, s30;
	[sflag:s17] =	ssyncadd.s32 $0xFFFFFC00  }
0x29e: {  	[hbm4b:s11+s5] =	stream.linear.scatter [tilespmem:s26], [sflag:$0x1], $0x2780, $0x38;
	[tilespmem:$0xBE80] =	vst v63  }
0x29f: {  	_ =	swait.ge [sflag:s17], $0x2780  }
0x2a0: {  	s28 =	sadd.s32 $0x1, s28;
	[sflag:s17] =	ssyncset.done $0x0  }
0x2a1: {  	p0 =	sne.s32 s28, s14;
	[sflag:s17] =	ssyncadd.s32 $0xFFFFD880  }
.Ltmp1:
0x2a2: {  	[bflag:$0x0] =	sbarrier.arrive $0xFFFF;
	(pc) =	sbr.rel @p0 .LBB2_1-.Ltmp1, $4  }
0x2a3: {  	[hbm:s13], [sflag:s12] =	dma.local [spmem:s19], $0x280  }
0x2a4: {  	_ =	swait.ge [sflag:s17], $0x280  }
0x2a5: {  	[sflag:s17] =	ssyncset.done $0x0  }
0x2a6: {  	[sflag:s17] =	ssyncadd.s32 $0xFFFFFD80  }
0x2a7: {  	_ =	sfence.sel $0x180000  }
0x2a8: {  	[bflag:$0x0] =	sbarrier.arrive $0xFFFF  }
0x2a9: {  	_ =	strace $0x90000047  }
0x2aa: {  	[bflag:$0x2] =	sbarrier.arrive $0xFFFF  }
0x2ab: {  	p0 =	sne.s32 s4, $0x0;
	s0 =	rddreg [dreg:$0x4]  }
0x2ac: {  	s0 =	sadd.s32 @!p0 $0x100000, s0  }
0x2ad: {  	[sflag:s0] =	ssyncadd.tile.s32 @!p0 $0x1;
	_ =	shalt  }
.Lfunc_end2:
_tile_overlayer_lowered:
.L_overlay_start_2:
0x2ae: {  	(tag) =	ssettag $0x2  }
0x2af: {  	s0 =	rddreg [dreg:$0x0];
	s2 =	stileid.u32  }
0x2b0: {  	s1 =	rddreg [dreg:$0x1];
	p0 =	sne.s32 s2, $0x0  }
0x2b1: {  	s3 =	rddreg [dreg:$0x2];
	[bflag:$0x3] =	sbarrier.arrive $0xFFFF;
	s2 =	simm.s32 @!p0 $0x1C01  }
0x2b2: {  	[timem:s3], [sflag:s2] =	dma.local @!p0 [hbm:s0], s1  }
0x2b3: {  	s0 =	simm.s32 @!p0 $0x1  }
0x2b4: {  	_ =	swait.ge @!p0 [sflag:s0], s1  }
0x2b5: {  	s1 =	ssub.s32 @!p0 $0x0, s1;
	[sflag:s0] =	ssyncset.done @!p0 $0x0  }
0x2b6: {  	[sflag:s0] =	ssyncadd.s32 @!p0 s1  }
0x2b7: {  	[bflag:$0x3] =	sbarrier.arrive $0xFFFF  }
0x2b8: {  	_ =	shalt  }

</sc_bundles>
